<compile_context>
chip_gen: v7x
topology: tpu7x:2x2x1
jax: 0.10.2.dev20260603
libtpu: 0.0.44.dev20260713+nightly
codegen_flags: <defaults>
</compile_context>

<pallas_src>
import functools

import jax
import jax.numpy as jnp
from jax import lax
from jax.experimental import pallas as pl
from jax.experimental.pallas import tpu as pltpu
from jax.experimental.pallas import tpu_sc as plsc

BATCH, SEQ, D = 4, 8192, 1024
NUM_CORES, NUM_SUBCORES = 2, 16
NUM_WORKERS = NUM_CORES * NUM_SUBCORES
SEQ_PER_W = SEQ // NUM_WORKERS
CHUNK = 8
N_CHUNKS = SEQ_PER_W // CHUNK
LANES = 16


def _pe_add_body(x_hbm, pos_hbm, out_hbm, *rest):
    pos_bufs = rest[0:2]
    xb = (rest[2:4], rest[4:6], rest[6:8], rest[8:10])
    pos_sems = rest[10:12]
    in_sems = (rest[12:14], rest[14:16], rest[16:18], rest[18:20])
    out_sems = (rest[20:22], rest[22:24], rest[24:26], rest[26:28])

    wid = lax.axis_index("s") * NUM_CORES + lax.axis_index("c")
    seq0 = wid * SEQ_PER_W

    def pos_cp(c, q):
        row0 = seq0 + c * CHUNK
        return pltpu.make_async_copy(
            pos_hbm.at[pl.ds(row0, CHUNK), :], pos_bufs[q], pos_sems[q])

    def in_cp(c, b, q):
        row0 = seq0 + c * CHUNK
        return pltpu.make_async_copy(
            x_hbm.at[b, pl.ds(row0, CHUNK), :], xb[b][q], in_sems[b][q])

    def out_cp(c, b, q):
        row0 = seq0 + c * CHUNK
        return pltpu.make_async_copy(
            xb[b][q], out_hbm.at[b, pl.ds(row0, CHUNK), :], out_sems[b][q])

    def add_chunk(buf, posbuf):
        @plsc.parallel_loop(0, D, step=LANES)
        def _(off):
            for r in range(CHUNK):
                plsc.addupdate(buf.at[r, pl.ds(off, LANES)],
                               posbuf[r, pl.ds(off, LANES)])

    def chunk_step(c, q):
        @pl.when(c + 1 < N_CHUNKS)
        def _():
            pos_cp(c + 1, q ^ 1).start()

        pos_cp(c, q).wait()
        for b in range(BATCH):
            in_cp(c, b, q).wait()
            add_chunk(xb[b][q], pos_bufs[q])
            out_cp(c, b, q).start()

            @pl.when(c >= 1)
            def _():
                out_cp(c - 1, b, q ^ 1).wait()

            @pl.when(c + 1 < N_CHUNKS)
            def _():
                in_cp(c + 1, b, q ^ 1).start()

    pos_cp(0, 0).start()
    for b in range(BATCH):
        in_cp(0, b, 0).start()

    def loop_body(c2, _):
        chunk_step(c2 * 2, 0)
        chunk_step(c2 * 2 + 1, 1)
        return 0

    lax.fori_loop(0, N_CHUNKS // 2, loop_body, 0)

    q_last = (N_CHUNKS - 1) % 2
    for b in range(BATCH):
        out_cp(N_CHUNKS - 1, b, q_last).wait()


@functools.partial(
    pl.kernel,
    mesh=plsc.VectorSubcoreMesh(core_axis_name="c", subcore_axis_name="s"),
    out_type=jax.ShapeDtypeStruct((BATCH, SEQ, D), jnp.float32),
    scratch_types=(
        [pltpu.VMEM((CHUNK, D), jnp.float32)] * 2
        + [pltpu.VMEM((CHUNK, D), jnp.float32)] * 8
        + [pltpu.SemaphoreType.DMA] * 2
        + [pltpu.SemaphoreType.DMA] * 8
        + [pltpu.SemaphoreType.DMA] * 8
    ),
)
def _pe_add(*refs):
    _pe_add_body(*refs)


def kernel(x, pos_table):
    return _pe_add(x, pos_table)

# --- scband reference (transcript-rebuilt; emitter-appended) ---
"""Pipeline reference for scband-positional-embeddings-70102456205722 (READ-ONLY COPY).

The authoritative reference and input builder live on the scoring server;
editing this copy changes nothing except your own understanding.
"""

import jax, jax.numpy as jnp
import numpy as np

BATCH, SEQ_LEN, D_MODEL = 4, 8192, 1024
MAX_SEQ_LEN = 8192

def setup_inputs(seed: int = 0) -> dict:
    key = jax.random.key(seed)
    k1, k2 = jax.random.split(key)
    x = jax.random.normal(k1, (BATCH, SEQ_LEN, D_MODEL), dtype=jnp.float32)
    # learned position embedding table (nn.Embedding weight)
    pos_table = jax.random.normal(k2, (MAX_SEQ_LEN, D_MODEL), dtype=jnp.float32) * 0.02
    return {"x": x, "pos_table": pos_table}

def reference(x, pos_table):
    batch_size, seq_len, d_model = x.shape
    # positions = arange(seq_len) expanded to (batch, seq_len)
    positions = jnp.broadcast_to(jnp.arange(seq_len), (batch_size, seq_len))
    # embedding lookup: gather rows from the table
    pe = jnp.take(pos_table, positions, axis=0)  # (batch, seq_len, d_model)
    # dropout p=0.0 -> identity in both train and eval
    return x + pe

if __name__ == "__main__":
    import jax
    _d = setup_inputs()
    print(jax.jit(kernel)(*tuple(_d.values())))

</pallas_src>

<mosaic_0001>
#map = affine_map<(d0, d1) -> (0, 0, 0)>
#map1 = affine_map<(d0, d1) -> (0, 0)>
module attributes {stable_mosaic.version = 14 : i64} {
  func.func @_pe_add(%arg0: i32, %arg1: i32, %arg2: memref<4x8192x1024xf32, #tpu.memory_space<hbm>>, %arg3: memref<8192x1024xf32, #tpu.memory_space<hbm>>, %arg4: memref<4x8192x1024xf32, #tpu.memory_space<hbm>>, %arg5: memref<8x1024xf32, #tpu.memory_space<vmem>>, %arg6: memref<8x1024xf32, #tpu.memory_space<vmem>>, %arg7: memref<8x1024xf32, #tpu.memory_space<vmem>>, %arg8: memref<8x1024xf32, #tpu.memory_space<vmem>>, %arg9: memref<8x1024xf32, #tpu.memory_space<vmem>>, %arg10: memref<8x1024xf32, #tpu.memory_space<vmem>>, %arg11: memref<8x1024xf32, #tpu.memory_space<vmem>>, %arg12: memref<8x1024xf32, #tpu.memory_space<vmem>>, %arg13: memref<8x1024xf32, #tpu.memory_space<vmem>>, %arg14: memref<8x1024xf32, #tpu.memory_space<vmem>>, %arg15: memref<!tpu.dma_semaphore, #tpu.memory_space<semaphore_mem>>, %arg16: memref<!tpu.dma_semaphore, #tpu.memory_space<semaphore_mem>>, %arg17: memref<!tpu.dma_semaphore, #tpu.memory_space<semaphore_mem>>, %arg18: memref<!tpu.dma_semaphore, #tpu.memory_space<semaphore_mem>>, %arg19: memref<!tpu.dma_semaphore, #tpu.memory_space<semaphore_mem>>, %arg20: memref<!tpu.dma_semaphore, #tpu.memory_space<semaphore_mem>>, %arg21: memref<!tpu.dma_semaphore, #tpu.memory_space<semaphore_mem>>, %arg22: memref<!tpu.dma_semaphore, #tpu.memory_space<semaphore_mem>>, %arg23: memref<!tpu.dma_semaphore, #tpu.memory_space<semaphore_mem>>, %arg24: memref<!tpu.dma_semaphore, #tpu.memory_space<semaphore_mem>>, %arg25: memref<!tpu.dma_semaphore, #tpu.memory_space<semaphore_mem>>, %arg26: memref<!tpu.dma_semaphore, #tpu.memory_space<semaphore_mem>>, %arg27: memref<!tpu.dma_semaphore, #tpu.memory_space<semaphore_mem>>, %arg28: memref<!tpu.dma_semaphore, #tpu.memory_space<semaphore_mem>>, %arg29: memref<!tpu.dma_semaphore, #tpu.memory_space<semaphore_mem>>, %arg30: memref<!tpu.dma_semaphore, #tpu.memory_space<semaphore_mem>>, %arg31: memref<!tpu.dma_semaphore, #tpu.memory_space<semaphore_mem>>, %arg32: memref<!tpu.dma_semaphore, #tpu.memory_space<semaphore_mem>>) attributes {dimension_semantics = [#tpu.dimension_semantics<core_parallel>, #tpu.dimension_semantics<subcore_parallel>], iteration_bounds = array<i64: 2, 16>, scalar_prefetch = 0 : i64, scratch_operands = 28 : i64, tpu.core_type = #tpu.core_type<sc_vector_subcore>, window_params = [{transform_indices = #map}, {transform_indices = #map1}, {transform_indices = #map}]} {
    %mul3A = arith.constant 2 : i32
    %mul3A_0 = arith.muli %arg1, %mul3A : i32
    %add3A = arith.addi %mul3A_0, %arg0 : i32
    %mul3A_1 = arith.constant 256 : i32
    %mul3A_2 = arith.muli %add3A, %mul3A_1 : i32
    %add3A_3 = arith.constant 0 : i32
    %add3A_4 = arith.addi %mul3A_2, %add3A_3 : i32
    %dma_start3A = arith.constant 0 : i32
    %dma_start3A_5 = tpu.memref_slice %arg3[%add3A_4, %dma_start3A] : memref<8192x1024xf32, #tpu.memory_space<hbm>> -> memref<8x1024xf32, #tpu.memory_space<hbm>>
    %dma_start3A_6 = arith.constant 0 : i32
    %dma_start3A_7 = tpu.memref_slice %arg3[%add3A_4, %dma_start3A_6] : memref<8192x1024xf32, #tpu.memory_space<hbm>> -> memref<8x1024xf32, #tpu.memory_space<hbm>>
    tpu.enqueue_dma source(%dma_start3A_7 : memref<8x1024xf32, #tpu.memory_space<hbm>>) target(%arg5 : memref<8x1024xf32, #tpu.memory_space<vmem>>) target_semaphore(%arg15 : memref<!tpu.dma_semaphore, #tpu.memory_space<semaphore_mem>>)
    %add3A_8 = arith.constant 0 : i32
    %add3A_9 = arith.addi %mul3A_2, %add3A_8 : i32
    %dma_start3A_10 = arith.constant 0 : i32
    %dma_start3A_11 = arith.constant 0 : i32
    %dma_start3A_12 = tpu.memref_slice %arg2[%dma_start3A_10, %add3A_9, %dma_start3A_11] : memref<4x8192x1024xf32, #tpu.memory_space<hbm>> -> memref<1x8x1024xf32, #tpu.memory_space<hbm>>
    %dma_start3A_13 = tpu.memref_squeeze %dma_start3A_12 : memref<1x8x1024xf32, #tpu.memory_space<hbm>> -> memref<8x1024xf32, #tpu.memory_space<hbm>>
    %dma_start3A_14 = arith.constant 0 : i32
    %dma_start3A_15 = tpu.memref_slice %arg2[%dma_start3A_10, %add3A_9, %dma_start3A_14] : memref<4x8192x1024xf32, #tpu.memory_space<hbm>> -> memref<1x8x1024xf32, #tpu.memory_space<hbm>>
    %dma_start3A_16 = tpu.memref_squeeze %dma_start3A_15 : memref<1x8x1024xf32, #tpu.memory_space<hbm>> -> memref<8x1024xf32, #tpu.memory_space<hbm>>
    tpu.enqueue_dma source(%dma_start3A_16 : memref<8x1024xf32, #tpu.memory_space<hbm>>) target(%arg7 : memref<8x1024xf32, #tpu.memory_space<vmem>>) target_semaphore(%arg17 : memref<!tpu.dma_semaphore, #tpu.memory_space<semaphore_mem>>)
    %add3A_17 = arith.constant 0 : i32
    %add3A_18 = arith.addi %mul3A_2, %add3A_17 : i32
    %dma_start3A_19 = arith.constant 1 : i32
    %dma_start3A_20 = arith.constant 0 : i32
    %dma_start3A_21 = tpu.memref_slice %arg2[%dma_start3A_19, %add3A_18, %dma_start3A_20] : memref<4x8192x1024xf32, #tpu.memory_space<hbm>> -> memref<1x8x1024xf32, #tpu.memory_space<hbm>>
    %dma_start3A_22 = tpu.memref_squeeze %dma_start3A_21 : memref<1x8x1024xf32, #tpu.memory_space<hbm>> -> memref<8x1024xf32, #tpu.memory_space<hbm>>
    %dma_start3A_23 = arith.constant 0 : i32
    %dma_start3A_24 = tpu.memref_slice %arg2[%dma_start3A_19, %add3A_18, %dma_start3A_23] : memref<4x8192x1024xf32, #tpu.memory_space<hbm>> -> memref<1x8x1024xf32, #tpu.memory_space<hbm>>
    %dma_start3A_25 = tpu.memref_squeeze %dma_start3A_24 : memref<1x8x1024xf32, #tpu.memory_space<hbm>> -> memref<8x1024xf32, #tpu.memory_space<hbm>>
    tpu.enqueue_dma source(%dma_start3A_25 : memref<8x1024xf32, #tpu.memory_space<hbm>>) target(%arg9 : memref<8x1024xf32, #tpu.memory_space<vmem>>) target_semaphore(%arg19 : memref<!tpu.dma_semaphore, #tpu.memory_space<semaphore_mem>>)
    %add3A_26 = arith.constant 0 : i32
    %add3A_27 = arith.addi %mul3A_2, %add3A_26 : i32
    %dma_start3A_28 = arith.constant 2 : i32
    %dma_start3A_29 = arith.constant 0 : i32
    %dma_start3A_30 = tpu.memref_slice %arg2[%dma_start3A_28, %add3A_27, %dma_start3A_29] : memref<4x8192x1024xf32, #tpu.memory_space<hbm>> -> memref<1x8x1024xf32, #tpu.memory_space<hbm>>
    %dma_start3A_31 = tpu.memref_squeeze %dma_start3A_30 : memref<1x8x1024xf32, #tpu.memory_space<hbm>> -> memref<8x1024xf32, #tpu.memory_space<hbm>>
    %dma_start3A_32 = arith.constant 0 : i32
    %dma_start3A_33 = tpu.memref_slice %arg2[%dma_start3A_28, %add3A_27, %dma_start3A_32] : memref<4x8192x1024xf32, #tpu.memory_space<hbm>> -> memref<1x8x1024xf32, #tpu.memory_space<hbm>>
    %dma_start3A_34 = tpu.memref_squeeze %dma_start3A_33 : memref<1x8x1024xf32, #tpu.memory_space<hbm>> -> memref<8x1024xf32, #tpu.memory_space<hbm>>
    tpu.enqueue_dma source(%dma_start3A_34 : memref<8x1024xf32, #tpu.memory_space<hbm>>) target(%arg11 : memref<8x1024xf32, #tpu.memory_space<vmem>>) target_semaphore(%arg21 : memref<!tpu.dma_semaphore, #tpu.memory_space<semaphore_mem>>)
    %add3A_35 = arith.constant 0 : i32
    %add3A_36 = arith.addi %mul3A_2, %add3A_35 : i32
    %dma_start3A_37 = arith.constant 3 : i32
    %dma_start3A_38 = arith.constant 0 : i32
    %dma_start3A_39 = tpu.memref_slice %arg2[%dma_start3A_37, %add3A_36, %dma_start3A_38] : memref<4x8192x1024xf32, #tpu.memory_space<hbm>> -> memref<1x8x1024xf32, #tpu.memory_space<hbm>>
    %dma_start3A_40 = tpu.memref_squeeze %dma_start3A_39 : memref<1x8x1024xf32, #tpu.memory_space<hbm>> -> memref<8x1024xf32, #tpu.memory_space<hbm>>
    %dma_start3A_41 = arith.constant 0 : i32
    %dma_start3A_42 = tpu.memref_slice %arg2[%dma_start3A_37, %add3A_36, %dma_start3A_41] : memref<4x8192x1024xf32, #tpu.memory_space<hbm>> -> memref<1x8x1024xf32, #tpu.memory_space<hbm>>
    %dma_start3A_43 = tpu.memref_squeeze %dma_start3A_42 : memref<1x8x1024xf32, #tpu.memory_space<hbm>> -> memref<8x1024xf32, #tpu.memory_space<hbm>>
    tpu.enqueue_dma source(%dma_start3A_43 : memref<8x1024xf32, #tpu.memory_space<hbm>>) target(%arg13 : memref<8x1024xf32, #tpu.memory_space<vmem>>) target_semaphore(%arg23 : memref<!tpu.dma_semaphore, #tpu.memory_space<semaphore_mem>>)
    %scan3A = arith.constant 0 : i32
    %scan3A_44 = arith.constant 0 : i32
    %scan3A_45 = arith.constant 16 : i32
    %scan3A_46 = arith.addi %scan3A_44, %scan3A_45 : i32
    %scan3A_47 = arith.constant 1 : i32
    %scan3A_48 = scf.for %scan3A_85 = %scan3A_44 to %scan3A_46 step %scan3A_47 iter_args(%scan3A_86 = %scan3A) -> (i32)  : i32 {
      %mul3A_87 = arith.constant 2 : i32
      %mul3A_88 = arith.muli %scan3A_85, %mul3A_87 : i32
      %add3A_89 = arith.constant 1 : i32
      %add3A_90 = arith.addi %mul3A_88, %add3A_89 : i32
      %lt3A = arith.constant 32 : i32
      %lt3A_91 = arith.cmpi slt, %add3A_90, %lt3A : i32
      %convert_element_type3A = arith.extui %lt3A_91 : i1 to i32
      %cond3A = arith.constant 0 : i32
      %cond3A_92 = arith.cmpi ne, %convert_element_type3A, %cond3A : i32
      scf.if %cond3A_92 {
        %add3A_397 = arith.constant 1 : i32
        %add3A_398 = arith.addi %mul3A_88, %add3A_397 : i32
        %mul3A_399 = arith.constant 8 : i32
        %mul3A_400 = arith.muli %add3A_398, %mul3A_399 : i32
        %add3A_401 = arith.addi %mul3A_2, %mul3A_400 : i32
        %dma_start3A_402 = arith.constant 0 : i32
        %dma_start3A_403 = tpu.memref_slice %arg3[%add3A_401, %dma_start3A_402] : memref<8192x1024xf32, #tpu.memory_space<hbm>> -> memref<8x1024xf32, #tpu.memory_space<hbm>>
        %dma_start3A_404 = arith.constant 0 : i32
        %dma_start3A_405 = tpu.memref_slice %arg3[%add3A_401, %dma_start3A_404] : memref<8192x1024xf32, #tpu.memory_space<hbm>> -> memref<8x1024xf32, #tpu.memory_space<hbm>>
        tpu.enqueue_dma source(%dma_start3A_405 : memref<8x1024xf32, #tpu.memory_space<hbm>>) target(%arg6 : memref<8x1024xf32, #tpu.memory_space<vmem>>) target_semaphore(%arg16 : memref<!tpu.dma_semaphore, #tpu.memory_space<semaphore_mem>>)
      } else {
      }
      %mul3A_93 = arith.constant 8 : i32
      %mul3A_94 = arith.muli %mul3A_88, %mul3A_93 : i32
      %add3A_95 = arith.addi %mul3A_2, %mul3A_94 : i32
      %dma_wait3A_96 = arith.constant 0 : i32
      %dma_wait3A_97 = tpu.memref_slice %arg3[%add3A_95, %dma_wait3A_96] : memref<8192x1024xf32, #tpu.memory_space<hbm>> -> memref<8x1024xf32, #tpu.memory_space<hbm>>
      %dma_wait3A_98 = arith.constant 0 : i32
      %dma_wait3A_99 = tpu.memref_slice %arg3[%add3A_95, %dma_wait3A_98] : memref<8192x1024xf32, #tpu.memory_space<hbm>> -> memref<8x1024xf32, #tpu.memory_space<hbm>>
      tpu.wait_dma2 semaphore(%arg15 : memref<!tpu.dma_semaphore, #tpu.memory_space<semaphore_mem>>) src(%dma_wait3A_99 : memref<8x1024xf32, #tpu.memory_space<hbm>>) dst(%arg5 : memref<8x1024xf32, #tpu.memory_space<vmem>>)
      %mul3A_100 = arith.constant 8 : i32
      %mul3A_101 = arith.muli %mul3A_88, %mul3A_100 : i32
      %add3A_102 = arith.addi %mul3A_2, %mul3A_101 : i32
      %dma_wait3A_103 = arith.constant 0 : i32
      %dma_wait3A_104 = arith.constant 0 : i32
      %dma_wait3A_105 = tpu.memref_slice %arg2[%dma_wait3A_103, %add3A_102, %dma_wait3A_104] : memref<4x8192x1024xf32, #tpu.memory_space<hbm>> -> memref<1x8x1024xf32, #tpu.memory_space<hbm>>
      %dma_wait3A_106 = tpu.memref_squeeze %dma_wait3A_105 : memref<1x8x1024xf32, #tpu.memory_space<hbm>> -> memref<8x1024xf32, #tpu.memory_space<hbm>>
      %dma_wait3A_107 = arith.constant 0 : i32
      %dma_wait3A_108 = tpu.memref_slice %arg2[%dma_wait3A_103, %add3A_102, %dma_wait3A_107] : memref<4x8192x1024xf32, #tpu.memory_space<hbm>> -> memref<1x8x1024xf32, #tpu.memory_space<hbm>>
      %dma_wait3A_109 = tpu.memref_squeeze %dma_wait3A_108 : memref<1x8x1024xf32, #tpu.memory_space<hbm>> -> memref<8x1024xf32, #tpu.memory_space<hbm>>
      tpu.wait_dma2 semaphore(%arg17 : memref<!tpu.dma_semaphore, #tpu.memory_space<semaphore_mem>>) src(%dma_wait3A_109 : memref<8x1024xf32, #tpu.memory_space<hbm>>) dst(%arg7 : memref<8x1024xf32, #tpu.memory_space<vmem>>)
      %parallel_loop3A = arith.constant 0 : i32
      %parallel_loop3A_110 = arith.constant 1024 : i32
      %parallel_loop3A_111 = arith.constant 16 : i32
      scf.for %parallel_loop3A_397 = %parallel_loop3A to %parallel_loop3A_110 step %parallel_loop3A_111  : i32 {
        %parallel_loop3A_398 = arith.constant 0 : i32
        %parallel_loop3A_399 = arith.index_cast %parallel_loop3A_398 : i32 to index
        %parallel_loop3A_400 = arith.index_cast %parallel_loop3A_397 : i32 to index
        %parallel_loop3A_401 = tpu.vector_load %arg5[%parallel_loop3A_399, %parallel_loop3A_400] {strides = array<i32>} : memref<8x1024xf32, #tpu.memory_space<vmem>>, vector<1x16xf32>,
        %parallel_loop3A_402 = vector.shape_cast %parallel_loop3A_401 : vector<1x16xf32> to vector<16xf32>
        %parallel_loop3A_403 = arith.constant 0 : i32
        %parallel_loop3A_404 = arith.index_cast %parallel_loop3A_403 : i32 to index
        %parallel_loop3A_405 = arith.index_cast %parallel_loop3A_397 : i32 to index
        %parallel_loop3A_406 = tpu.vector_load %arg7[%parallel_loop3A_404, %parallel_loop3A_405] {strides = array<i32>} : memref<8x1024xf32, #tpu.memory_space<vmem>>, vector<1x16xf32>,
        %parallel_loop3A_407 = vector.shape_cast %parallel_loop3A_406 : vector<1x16xf32> to vector<16xf32>
        %parallel_loop3A_408 = vector.shape_cast %parallel_loop3A_402 : vector<16xf32> to vector<1x16xf32>
        tpu.vector_store %arg7[%parallel_loop3A_404, %parallel_loop3A_405], %parallel_loop3A_408 {add = true, strides = array<i32>} : memref<8x1024xf32, #tpu.memory_space<vmem>>, vector<1x16xf32>,
        %parallel_loop3A_409 = arith.constant 1 : i32
        %parallel_loop3A_410 = arith.index_cast %parallel_loop3A_409 : i32 to index
        %parallel_loop3A_411 = arith.index_cast %parallel_loop3A_397 : i32 to index
        %parallel_loop3A_412 = tpu.vector_load %arg5[%parallel_loop3A_410, %parallel_loop3A_411] {strides = array<i32>} : memref<8x1024xf32, #tpu.memory_space<vmem>>, vector<1x16xf32>,
        %parallel_loop3A_413 = vector.shape_cast %parallel_loop3A_412 : vector<1x16xf32> to vector<16xf32>
        %parallel_loop3A_414 = arith.constant 1 : i32
        %parallel_loop3A_415 = arith.index_cast %parallel_loop3A_414 : i32 to index
        %parallel_loop3A_416 = arith.index_cast %parallel_loop3A_397 : i32 to index
        %parallel_loop3A_417 = tpu.vector_load %arg7[%parallel_loop3A_415, %parallel_loop3A_416] {strides = array<i32>} : memref<8x1024xf32, #tpu.memory_space<vmem>>, vector<1x16xf32>,
        %parallel_loop3A_418 = vector.shape_cast %parallel_loop3A_417 : vector<1x16xf32> to vector<16xf32>
        %parallel_loop3A_419 = vector.shape_cast %parallel_loop3A_413 : vector<16xf32> to vector<1x16xf32>
        tpu.vector_store %arg7[%parallel_loop3A_415, %parallel_loop3A_416], %parallel_loop3A_419 {add = true, strides = array<i32>} : memref<8x1024xf32, #tpu.memory_space<vmem>>, vector<1x16xf32>,
        %parallel_loop3A_420 = arith.constant 2 : i32
        %parallel_loop3A_421 = arith.index_cast %parallel_loop3A_420 : i32 to index
        %parallel_loop3A_422 = arith.index_cast %parallel_loop3A_397 : i32 to index
        %parallel_loop3A_423 = tpu.vector_load %arg5[%parallel_loop3A_421, %parallel_loop3A_422] {strides = array<i32>} : memref<8x1024xf32, #tpu.memory_space<vmem>>, vector<1x16xf32>,
        %parallel_loop3A_424 = vector.shape_cast %parallel_loop3A_423 : vector<1x16xf32> to vector<16xf32>
        %parallel_loop3A_425 = arith.constant 2 : i32
        %parallel_loop3A_426 = arith.index_cast %parallel_loop3A_425 : i32 to index
        %parallel_loop3A_427 = arith.index_cast %parallel_loop3A_397 : i32 to index
        %parallel_loop3A_428 = tpu.vector_load %arg7[%parallel_loop3A_426, %parallel_loop3A_427] {strides = array<i32>} : memref<8x1024xf32, #tpu.memory_space<vmem>>, vector<1x16xf32>,
        %parallel_loop3A_429 = vector.shape_cast %parallel_loop3A_428 : vector<1x16xf32> to vector<16xf32>
        %parallel_loop3A_430 = vector.shape_cast %parallel_loop3A_424 : vector<16xf32> to vector<1x16xf32>
        tpu.vector_store %arg7[%parallel_loop3A_426, %parallel_loop3A_427], %parallel_loop3A_430 {add = true, strides = array<i32>} : memref<8x1024xf32, #tpu.memory_space<vmem>>, vector<1x16xf32>,
        %parallel_loop3A_431 = arith.constant 3 : i32
        %parallel_loop3A_432 = arith.index_cast %parallel_loop3A_431 : i32 to index
        %parallel_loop3A_433 = arith.index_cast %parallel_loop3A_397 : i32 to index
        %parallel_loop3A_434 = tpu.vector_load %arg5[%parallel_loop3A_432, %parallel_loop3A_433] {strides = array<i32>} : memref<8x1024xf32, #tpu.memory_space<vmem>>, vector<1x16xf32>,
        %parallel_loop3A_435 = vector.shape_cast %parallel_loop3A_434 : vector<1x16xf32> to vector<16xf32>
        %parallel_loop3A_436 = arith.constant 3 : i32
        %parallel_loop3A_437 = arith.index_cast %parallel_loop3A_436 : i32 to index
        %parallel_loop3A_438 = arith.index_cast %parallel_loop3A_397 : i32 to index
        %parallel_loop3A_439 = tpu.vector_load %arg7[%parallel_loop3A_437, %parallel_loop3A_438] {strides = array<i32>} : memref<8x1024xf32, #tpu.memory_space<vmem>>, vector<1x16xf32>,
        %parallel_loop3A_440 = vector.shape_cast %parallel_loop3A_439 : vector<1x16xf32> to vector<16xf32>
        %parallel_loop3A_441 = vector.shape_cast %parallel_loop3A_435 : vector<16xf32> to vector<1x16xf32>
        tpu.vector_store %arg7[%parallel_loop3A_437, %parallel_loop3A_438], %parallel_loop3A_441 {add = true, strides = array<i32>} : memref<8x1024xf32, #tpu.memory_space<vmem>>, vector<1x16xf32>,
        %parallel_loop3A_442 = arith.constant 4 : i32
        %parallel_loop3A_443 = arith.index_cast %parallel_loop3A_442 : i32 to index
        %parallel_loop3A_444 = arith.index_cast %parallel_loop3A_397 : i32 to index
        %parallel_loop3A_445 = tpu.vector_load %arg5[%parallel_loop3A_443, %parallel_loop3A_444] {strides = array<i32>} : memref<8x1024xf32, #tpu.memory_space<vmem>>, vector<1x16xf32>,
        %parallel_loop3A_446 = vector.shape_cast %parallel_loop3A_445 : vector<1x16xf32> to vector<16xf32>
        %parallel_loop3A_447 = arith.constant 4 : i32
        %parallel_loop3A_448 = arith.index_cast %parallel_loop3A_447 : i32 to index
        %parallel_loop3A_449 = arith.index_cast %parallel_loop3A_397 : i32 to index
        %parallel_loop3A_450 = tpu.vector_load %arg7[%parallel_loop3A_448, %parallel_loop3A_449] {strides = array<i32>} : memref<8x1024xf32, #tpu.memory_space<vmem>>, vector<1x16xf32>,
        %parallel_loop3A_451 = vector.shape_cast %parallel_loop3A_450 : vector<1x16xf32> to vector<16xf32>
        %parallel_loop3A_452 = vector.shape_cast %parallel_loop3A_446 : vector<16xf32> to vector<1x16xf32>
        tpu.vector_store %arg7[%parallel_loop3A_448, %parallel_loop3A_449], %parallel_loop3A_452 {add = true, strides = array<i32>} : memref<8x1024xf32, #tpu.memory_space<vmem>>, vector<1x16xf32>,
        %parallel_loop3A_453 = arith.constant 5 : i32
        %parallel_loop3A_454 = arith.index_cast %parallel_loop3A_453 : i32 to index
        %parallel_loop3A_455 = arith.index_cast %parallel_loop3A_397 : i32 to index
        %parallel_loop3A_456 = tpu.vector_load %arg5[%parallel_loop3A_454, %parallel_loop3A_455] {strides = array<i32>} : memref<8x1024xf32, #tpu.memory_space<vmem>>, vector<1x16xf32>,
        %parallel_loop3A_457 = vector.shape_cast %parallel_loop3A_456 : vector<1x16xf32> to vector<16xf32>
        %parallel_loop3A_458 = arith.constant 5 : i32
        %parallel_loop3A_459 = arith.index_cast %parallel_loop3A_458 : i32 to index
        %parallel_loop3A_460 = arith.index_cast %parallel_loop3A_397 : i32 to index
        %parallel_loop3A_461 = tpu.vector_load %arg7[%parallel_loop3A_459, %parallel_loop3A_460] {strides = array<i32>} : memref<8x1024xf32, #tpu.memory_space<vmem>>, vector<1x16xf32>,
        %parallel_loop3A_462 = vector.shape_cast %parallel_loop3A_461 : vector<1x16xf32> to vector<16xf32>
        %parallel_loop3A_463 = vector.shape_cast %parallel_loop3A_457 : vector<16xf32> to vector<1x16xf32>
        tpu.vector_store %arg7[%parallel_loop3A_459, %parallel_loop3A_460], %parallel_loop3A_463 {add = true, strides = array<i32>} : memref<8x1024xf32, #tpu.memory_space<vmem>>, vector<1x16xf32>,
        %parallel_loop3A_464 = arith.constant 6 : i32
        %parallel_loop3A_465 = arith.index_cast %parallel_loop3A_464 : i32 to index
        %parallel_loop3A_466 = arith.index_cast %parallel_loop3A_397 : i32 to index
        %parallel_loop3A_467 = tpu.vector_load %arg5[%parallel_loop3A_465, %parallel_loop3A_466] {strides = array<i32>} : memref<8x1024xf32, #tpu.memory_space<vmem>>, vector<1x16xf32>,
        %parallel_loop3A_468 = vector.shape_cast %parallel_loop3A_467 : vector<1x16xf32> to vector<16xf32>
        %parallel_loop3A_469 = arith.constant 6 : i32
        %parallel_loop3A_470 = arith.index_cast %parallel_loop3A_469 : i32 to index
        %parallel_loop3A_471 = arith.index_cast %parallel_loop3A_397 : i32 to index
        %parallel_loop3A_472 = tpu.vector_load %arg7[%parallel_loop3A_470, %parallel_loop3A_471] {strides = array<i32>} : memref<8x1024xf32, #tpu.memory_space<vmem>>, vector<1x16xf32>,
        %parallel_loop3A_473 = vector.shape_cast %parallel_loop3A_472 : vector<1x16xf32> to vector<16xf32>
        %parallel_loop3A_474 = vector.shape_cast %parallel_loop3A_468 : vector<16xf32> to vector<1x16xf32>
        tpu.vector_store %arg7[%parallel_loop3A_470, %parallel_loop3A_471], %parallel_loop3A_474 {add = true, strides = array<i32>} : memref<8x1024xf32, #tpu.memory_space<vmem>>, vector<1x16xf32>,
        %parallel_loop3A_475 = arith.constant 7 : i32
        %parallel_loop3A_476 = arith.index_cast %parallel_loop3A_475 : i32 to index
        %parallel_loop3A_477 = arith.index_cast %parallel_loop3A_397 : i32 to index
        %parallel_loop3A_478 = tpu.vector_load %arg5[%parallel_loop3A_476, %parallel_loop3A_477] {strides = array<i32>} : memref<8x1024xf32, #tpu.memory_space<vmem>>, vector<1x16xf32>,
        %parallel_loop3A_479 = vector.shape_cast %parallel_loop3A_478 : vector<1x16xf32> to vector<16xf32>
        %parallel_loop3A_480 = arith.constant 7 : i32
        %parallel_loop3A_481 = arith.index_cast %parallel_loop3A_480 : i32 to index
        %parallel_loop3A_482 = arith.index_cast %parallel_loop3A_397 : i32 to index
        %parallel_loop3A_483 = tpu.vector_load %arg7[%parallel_loop3A_481, %parallel_loop3A_482] {strides = array<i32>} : memref<8x1024xf32, #tpu.memory_space<vmem>>, vector<1x16xf32>,
        %parallel_loop3A_484 = vector.shape_cast %parallel_loop3A_483 : vector<1x16xf32> to vector<16xf32>
        %parallel_loop3A_485 = vector.shape_cast %parallel_loop3A_479 : vector<16xf32> to vector<1x16xf32>
        tpu.vector_store %arg7[%parallel_loop3A_481, %parallel_loop3A_482], %parallel_loop3A_485 {add = true, strides = array<i32>} : memref<8x1024xf32, #tpu.memory_space<vmem>>, vector<1x16xf32>,
      } {sc.loop_unroll_factor = 1 : i64, sc.parallel_access}
      %mul3A_112 = arith.constant 8 : i32
      %mul3A_113 = arith.muli %mul3A_88, %mul3A_112 : i32
      %add3A_114 = arith.addi %mul3A_2, %mul3A_113 : i32
      %dma_start3A_115 = arith.constant 0 : i32
      %dma_start3A_116 = arith.constant 0 : i32
      %dma_start3A_117 = tpu.memref_slice %arg4[%dma_start3A_115, %add3A_114, %dma_start3A_116] : memref<4x8192x1024xf32, #tpu.memory_space<hbm>> -> memref<1x8x1024xf32, #tpu.memory_space<hbm>>
      %dma_start3A_118 = tpu.memref_squeeze %dma_start3A_117 : memref<1x8x1024xf32, #tpu.memory_space<hbm>> -> memref<8x1024xf32, #tpu.memory_space<hbm>>
      %dma_start3A_119 = arith.constant 0 : i32
      %dma_start3A_120 = tpu.memref_slice %arg4[%dma_start3A_115, %add3A_114, %dma_start3A_119] : memref<4x8192x1024xf32, #tpu.memory_space<hbm>> -> memref<1x8x1024xf32, #tpu.memory_space<hbm>>
      %dma_start3A_121 = tpu.memref_squeeze %dma_start3A_120 : memref<1x8x1024xf32, #tpu.memory_space<hbm>> -> memref<8x1024xf32, #tpu.memory_space<hbm>>
      tpu.enqueue_dma source(%arg7 : memref<8x1024xf32, #tpu.memory_space<vmem>>) target(%dma_start3A_121 : memref<8x1024xf32, #tpu.memory_space<hbm>>) target_semaphore(%arg25 : memref<!tpu.dma_semaphore, #tpu.memory_space<semaphore_mem>>)
      %ge3A = arith.constant 1 : i32
      %ge3A_122 = arith.cmpi sge, %mul3A_88, %ge3A : i32
      %convert_element_type3A_123 = arith.extui %ge3A_122 : i1 to i32
      %cond3A_124 = arith.constant 0 : i32
      %cond3A_125 = arith.cmpi ne, %convert_element_type3A_123, %cond3A_124 : i32
      scf.if %cond3A_125 {
        %sub3A = arith.constant 1 : i32
        %sub3A_397 = arith.subi %mul3A_88, %sub3A : i32
        %mul3A_398 = arith.constant 8 : i32
        %mul3A_399 = arith.muli %sub3A_397, %mul3A_398 : i32
        %add3A_400 = arith.addi %mul3A_2, %mul3A_399 : i32
        %dma_wait3A_401 = arith.constant 0 : i32
        %dma_wait3A_402 = arith.constant 0 : i32
        %dma_wait3A_403 = tpu.memref_slice %arg4[%dma_wait3A_401, %add3A_400, %dma_wait3A_402] : memref<4x8192x1024xf32, #tpu.memory_space<hbm>> -> memref<1x8x1024xf32, #tpu.memory_space<hbm>>
        %dma_wait3A_404 = tpu.memref_squeeze %dma_wait3A_403 : memref<1x8x1024xf32, #tpu.memory_space<hbm>> -> memref<8x1024xf32, #tpu.memory_space<hbm>>
        %dma_wait3A_405 = arith.constant 0 : i32
        %dma_wait3A_406 = tpu.memref_slice %arg4[%dma_wait3A_401, %add3A_400, %dma_wait3A_405] : memref<4x8192x1024xf32, #tpu.memory_space<hbm>> -> memref<1x8x1024xf32, #tpu.memory_space<hbm>>
        %dma_wait3A_407 = tpu.memref_squeeze %dma_wait3A_406 : memref<1x8x1024xf32, #tpu.memory_space<hbm>> -> memref<8x1024xf32, #tpu.memory_space<hbm>>
        tpu.wait_dma2 semaphore(%arg26 : memref<!tpu.dma_semaphore, #tpu.memory_space<semaphore_mem>>) src(%arg8 : memref<8x1024xf32, #tpu.memory_space<vmem>>) dst(%dma_wait3A_407 : memref<8x1024xf32, #tpu.memory_space<hbm>>)
      } else {
      }
      %add3A_126 = arith.constant 1 : i32
      %add3A_127 = arith.addi %mul3A_88, %add3A_126 : i32
      %lt3A_128 = arith.constant 32 : i32
      %lt3A_129 = arith.cmpi slt, %add3A_127, %lt3A_128 : i32
      %convert_element_type3A_130 = arith.extui %lt3A_129 : i1 to i32
      %cond3A_131 = arith.constant 0 : i32
      %cond3A_132 = arith.cmpi ne, %convert_element_type3A_130, %cond3A_131 : i32
      scf.if %cond3A_132 {
        %add3A_397 = arith.constant 1 : i32
        %add3A_398 = arith.addi %mul3A_88, %add3A_397 : i32
        %mul3A_399 = arith.constant 8 : i32
        %mul3A_400 = arith.muli %add3A_398, %mul3A_399 : i32
        %add3A_401 = arith.addi %mul3A_2, %mul3A_400 : i32
        %dma_start3A_402 = arith.constant 0 : i32
        %dma_start3A_403 = arith.constant 0 : i32
        %dma_start3A_404 = tpu.memref_slice %arg2[%dma_start3A_402, %add3A_401, %dma_start3A_403] : memref<4x8192x1024xf32, #tpu.memory_space<hbm>> -> memref<1x8x1024xf32, #tpu.memory_space<hbm>>
        %dma_start3A_405 = tpu.memref_squeeze %dma_start3A_404 : memref<1x8x1024xf32, #tpu.memory_space<hbm>> -> memref<8x1024xf32, #tpu.memory_space<hbm>>
        %dma_start3A_406 = arith.constant 0 : i32
        %dma_start3A_407 = tpu.memref_slice %arg2[%dma_start3A_402, %add3A_401, %dma_start3A_406] : memref<4x8192x1024xf32, #tpu.memory_space<hbm>> -> memref<1x8x1024xf32, #tpu.memory_space<hbm>>
        %dma_start3A_408 = tpu.memref_squeeze %dma_start3A_407 : memref<1x8x1024xf32, #tpu.memory_space<hbm>> -> memref<8x1024xf32, #tpu.memory_space<hbm>>
        tpu.enqueue_dma source(%dma_start3A_408 : memref<8x1024xf32, #tpu.memory_space<hbm>>) target(%arg8 : memref<8x1024xf32, #tpu.memory_space<vmem>>) target_semaphore(%arg18 : memref<!tpu.dma_semaphore, #tpu.memory_space<semaphore_mem>>)
      } else {
      }
      %mul3A_133 = arith.constant 8 : i32
      %mul3A_134 = arith.muli %mul3A_88, %mul3A_133 : i32
      %add3A_135 = arith.addi %mul3A_2, %mul3A_134 : i32
      %dma_wait3A_136 = arith.constant 1 : i32
      %dma_wait3A_137 = arith.constant 0 : i32
      %dma_wait3A_138 = tpu.memref_slice %arg2[%dma_wait3A_136, %add3A_135, %dma_wait3A_137] : memref<4x8192x1024xf32, #tpu.memory_space<hbm>> -> memref<1x8x1024xf32, #tpu.memory_space<hbm>>
      %dma_wait3A_139 = tpu.memref_squeeze %dma_wait3A_138 : memref<1x8x1024xf32, #tpu.memory_space<hbm>> -> memref<8x1024xf32, #tpu.memory_space<hbm>>
      %dma_wait3A_140 = arith.constant 0 : i32
      %dma_wait3A_141 = tpu.memref_slice %arg2[%dma_wait3A_136, %add3A_135, %dma_wait3A_140] : memref<4x8192x1024xf32, #tpu.memory_space<hbm>> -> memref<1x8x1024xf32, #tpu.memory_space<hbm>>
      %dma_wait3A_142 = tpu.memref_squeeze %dma_wait3A_141 : memref<1x8x1024xf32, #tpu.memory_space<hbm>> -> memref<8x1024xf32, #tpu.memory_space<hbm>>
      tpu.wait_dma2 semaphore(%arg19 : memref<!tpu.dma_semaphore, #tpu.memory_space<semaphore_mem>>) src(%dma_wait3A_142 : memref<8x1024xf32, #tpu.memory_space<hbm>>) dst(%arg9 : memref<8x1024xf32, #tpu.memory_space<vmem>>)
      %parallel_loop3A_143 = arith.constant 0 : i32
      %parallel_loop3A_144 = arith.constant 1024 : i32
      %parallel_loop3A_145 = arith.constant 16 : i32
      scf.for %parallel_loop3A_397 = %parallel_loop3A_143 to %parallel_loop3A_144 step %parallel_loop3A_145  : i32 {
        %parallel_loop3A_398 = arith.constant 0 : i32
        %parallel_loop3A_399 = arith.index_cast %parallel_loop3A_398 : i32 to index
        %parallel_loop3A_400 = arith.index_cast %parallel_loop3A_397 : i32 to index
        %parallel_loop3A_401 = tpu.vector_load %arg5[%parallel_loop3A_399, %parallel_loop3A_400] {strides = array<i32>} : memref<8x1024xf32, #tpu.memory_space<vmem>>, vector<1x16xf32>,
        %parallel_loop3A_402 = vector.shape_cast %parallel_loop3A_401 : vector<1x16xf32> to vector<16xf32>
        %parallel_loop3A_403 = arith.constant 0 : i32
        %parallel_loop3A_404 = arith.index_cast %parallel_loop3A_403 : i32 to index
        %parallel_loop3A_405 = arith.index_cast %parallel_loop3A_397 : i32 to index
        %parallel_loop3A_406 = tpu.vector_load %arg9[%parallel_loop3A_404, %parallel_loop3A_405] {strides = array<i32>} : memref<8x1024xf32, #tpu.memory_space<vmem>>, vector<1x16xf32>,
        %parallel_loop3A_407 = vector.shape_cast %parallel_loop3A_406 : vector<1x16xf32> to vector<16xf32>
        %parallel_loop3A_408 = vector.shape_cast %parallel_loop3A_402 : vector<16xf32> to vector<1x16xf32>
        tpu.vector_store %arg9[%parallel_loop3A_404, %parallel_loop3A_405], %parallel_loop3A_408 {add = true, strides = array<i32>} : memref<8x1024xf32, #tpu.memory_space<vmem>>, vector<1x16xf32>,
        %parallel_loop3A_409 = arith.constant 1 : i32
        %parallel_loop3A_410 = arith.index_cast %parallel_loop3A_409 : i32 to index
        %parallel_loop3A_411 = arith.index_cast %parallel_loop3A_397 : i32 to index
        %parallel_loop3A_412 = tpu.vector_load %arg5[%parallel_loop3A_410, %parallel_loop3A_411] {strides = array<i32>} : memref<8x1024xf32, #tpu.memory_space<vmem>>, vector<1x16xf32>,
        %parallel_loop3A_413 = vector.shape_cast %parallel_loop3A_412 : vector<1x16xf32> to vector<16xf32>
        %parallel_loop3A_414 = arith.constant 1 : i32
        %parallel_loop3A_415 = arith.index_cast %parallel_loop3A_414 : i32 to index
        %parallel_loop3A_416 = arith.index_cast %parallel_loop3A_397 : i32 to index
        %parallel_loop3A_417 = tpu.vector_load %arg9[%parallel_loop3A_415, %parallel_loop3A_416] {strides = array<i32>} : memref<8x1024xf32, #tpu.memory_space<vmem>>, vector<1x16xf32>,
        %parallel_loop3A_418 = vector.shape_cast %parallel_loop3A_417 : vector<1x16xf32> to vector<16xf32>
        %parallel_loop3A_419 = vector.shape_cast %parallel_loop3A_413 : vector<16xf32> to vector<1x16xf32>
        tpu.vector_store %arg9[%parallel_loop3A_415, %parallel_loop3A_416], %parallel_loop3A_419 {add = true, strides = array<i32>} : memref<8x1024xf32, #tpu.memory_space<vmem>>, vector<1x16xf32>,
        %parallel_loop3A_420 = arith.constant 2 : i32
        %parallel_loop3A_421 = arith.index_cast %parallel_loop3A_420 : i32 to index
        %parallel_loop3A_422 = arith.index_cast %parallel_loop3A_397 : i32 to index
        %parallel_loop3A_423 = tpu.vector_load %arg5[%parallel_loop3A_421, %parallel_loop3A_422] {strides = array<i32>} : memref<8x1024xf32, #tpu.memory_space<vmem>>, vector<1x16xf32>,
        %parallel_loop3A_424 = vector.shape_cast %parallel_loop3A_423 : vector<1x16xf32> to vector<16xf32>
        %parallel_loop3A_425 = arith.constant 2 : i32
        %parallel_loop3A_426 = arith.index_cast %parallel_loop3A_425 : i32 to index
        %parallel_loop3A_427 = arith.index_cast %parallel_loop3A_397 : i32 to index
        %parallel_loop3A_428 = tpu.vector_load %arg9[%parallel_loop3A_426, %parallel_loop3A_427] {strides = array<i32>} : memref<8x1024xf32, #tpu.memory_space<vmem>>, vector<1x16xf32>,
        %parallel_loop3A_429 = vector.shape_cast %parallel_loop3A_428 : vector<1x16xf32> to vector<16xf32>
        %parallel_loop3A_430 = vector.shape_cast %parallel_loop3A_424 : vector<16xf32> to vector<1x16xf32>
        tpu.vector_store %arg9[%parallel_loop3A_426, %parallel_loop3A_427], %parallel_loop3A_430 {add = true, strides = array<i32>} : memref<8x1024xf32, #tpu.memory_space<vmem>>, vector<1x16xf32>,
        %parallel_loop3A_431 = arith.constant 3 : i32
        %parallel_loop3A_432 = arith.index_cast %parallel_loop3A_431 : i32 to index
        %parallel_loop3A_433 = arith.index_cast %parallel_loop3A_397 : i32 to index
        %parallel_loop3A_434 = tpu.vector_load %arg5[%parallel_loop3A_432, %parallel_loop3A_433] {strides = array<i32>} : memref<8x1024xf32, #tpu.memory_space<vmem>>, vector<1x16xf32>,
        %parallel_loop3A_435 = vector.shape_cast %parallel_loop3A_434 : vector<1x16xf32> to vector<16xf32>
        %parallel_loop3A_436 = arith.constant 3 : i32
        %parallel_loop3A_437 = arith.index_cast %parallel_loop3A_436 : i32 to index
        %parallel_loop3A_438 = arith.index_cast %parallel_loop3A_397 : i32 to index
        %parallel_loop3A_439 = tpu.vector_load %arg9[%parallel_loop3A_437, %parallel_loop3A_438] {strides = array<i32>} : memref<8x1024xf32, #tpu.memory_space<vmem>>, vector<1x16xf32>,
        %parallel_loop3A_440 = vector.shape_cast %parallel_loop3A_439 : vector<1x16xf32> to vector<16xf32>
        %parallel_loop3A_441 = vector.shape_cast %parallel_loop3A_435 : vector<16xf32> to vector<1x16xf32>
        tpu.vector_store %arg9[%parallel_loop3A_437, %parallel_loop3A_438], %parallel_loop3A_441 {add = true, strides = array<i32>} : memref<8x1024xf32, #tpu.memory_space<vmem>>, vector<1x16xf32>,
        %parallel_loop3A_442 = arith.constant 4 : i32
        %parallel_loop3A_443 = arith.index_cast %parallel_loop3A_442 : i32 to index
        %parallel_loop3A_444 = arith.index_cast %parallel_loop3A_397 : i32 to index
        %parallel_loop3A_445 = tpu.vector_load %arg5[%parallel_loop3A_443, %parallel_loop3A_444] {strides = array<i32>} : memref<8x1024xf32, #tpu.memory_space<vmem>>, vector<1x16xf32>,
        %parallel_loop3A_446 = vector.shape_cast %parallel_loop3A_445 : vector<1x16xf32> to vector<16xf32>
        %parallel_loop3A_447 = arith.constant 4 : i32
        %parallel_loop3A_448 = arith.index_cast %parallel_loop3A_447 : i32 to index
        %parallel_loop3A_449 = arith.index_cast %parallel_loop3A_397 : i32 to index
        %parallel_loop3A_450 = tpu.vector_load %arg9[%parallel_loop3A_448, %parallel_loop3A_449] {strides = array<i32>} : memref<8x1024xf32, #tpu.memory_space<vmem>>, vector<1x16xf32>,
        %parallel_loop3A_451 = vector.shape_cast %parallel_loop3A_450 : vector<1x16xf32> to vector<16xf32>
        %parallel_loop3A_452 = vector.shape_cast %parallel_loop3A_446 : vector<16xf32> to vector<1x16xf32>
        tpu.vector_store %arg9[%parallel_loop3A_448, %parallel_loop3A_449], %parallel_loop3A_452 {add = true, strides = array<i32>} : memref<8x1024xf32, #tpu.memory_space<vmem>>, vector<1x16xf32>,
        %parallel_loop3A_453 = arith.constant 5 : i32
        %parallel_loop3A_454 = arith.index_cast %parallel_loop3A_453 : i32 to index
        %parallel_loop3A_455 = arith.index_cast %parallel_loop3A_397 : i32 to index
        %parallel_loop3A_456 = tpu.vector_load %arg5[%parallel_loop3A_454, %parallel_loop3A_455] {strides = array<i32>} : memref<8x1024xf32, #tpu.memory_space<vmem>>, vector<1x16xf32>,
        %parallel_loop3A_457 = vector.shape_cast %parallel_loop3A_456 : vector<1x16xf32> to vector<16xf32>
        %parallel_loop3A_458 = arith.constant 5 : i32
        %parallel_loop3A_459 = arith.index_cast %parallel_loop3A_458 : i32 to index
        %parallel_loop3A_460 = arith.index_cast %parallel_loop3A_397 : i32 to index
        %parallel_loop3A_461 = tpu.vector_load %arg9[%parallel_loop3A_459, %parallel_loop3A_460] {strides = array<i32>} : memref<8x1024xf32, #tpu.memory_space<vmem>>, vector<1x16xf32>,
        %parallel_loop3A_462 = vector.shape_cast %parallel_loop3A_461 : vector<1x16xf32> to vector<16xf32>
        %parallel_loop3A_463 = vector.shape_cast %parallel_loop3A_457 : vector<16xf32> to vector<1x16xf32>
        tpu.vector_store %arg9[%parallel_loop3A_459, %parallel_loop3A_460], %parallel_loop3A_463 {add = true, strides = array<i32>} : memref<8x1024xf32, #tpu.memory_space<vmem>>, vector<1x16xf32>,
        %parallel_loop3A_464 = arith.constant 6 : i32
        %parallel_loop3A_465 = arith.index_cast %parallel_loop3A_464 : i32 to index
        %parallel_loop3A_466 = arith.index_cast %parallel_loop3A_397 : i32 to index
        %parallel_loop3A_467 = tpu.vector_load %arg5[%parallel_loop3A_465, %parallel_loop3A_466] {strides = array<i32>} : memref<8x1024xf32, #tpu.memory_space<vmem>>, vector<1x16xf32>,
        %parallel_loop3A_468 = vector.shape_cast %parallel_loop3A_467 : vector<1x16xf32> to vector<16xf32>
        %parallel_loop3A_469 = arith.constant 6 : i32
        %parallel_loop3A_470 = arith.index_cast %parallel_loop3A_469 : i32 to index
        %parallel_loop3A_471 = arith.index_cast %parallel_loop3A_397 : i32 to index
        %parallel_loop3A_472 = tpu.vector_load %arg9[%parallel_loop3A_470, %parallel_loop3A_471] {strides = array<i32>} : memref<8x1024xf32, #tpu.memory_space<vmem>>, vector<1x16xf32>,
        %parallel_loop3A_473 = vector.shape_cast %parallel_loop3A_472 : vector<1x16xf32> to vector<16xf32>
        %parallel_loop3A_474 = vector.shape_cast %parallel_loop3A_468 : vector<16xf32> to vector<1x16xf32>
        tpu.vector_store %arg9[%parallel_loop3A_470, %parallel_loop3A_471], %parallel_loop3A_474 {add = true, strides = array<i32>} : memref<8x1024xf32, #tpu.memory_space<vmem>>, vector<1x16xf32>,
        %parallel_loop3A_475 = arith.constant 7 : i32
        %parallel_loop3A_476 = arith.index_cast %parallel_loop3A_475 : i32 to index
        %parallel_loop3A_477 = arith.index_cast %parallel_loop3A_397 : i32 to index
        %parallel_loop3A_478 = tpu.vector_load %arg5[%parallel_loop3A_476, %parallel_loop3A_477] {strides = array<i32>} : memref<8x1024xf32, #tpu.memory_space<vmem>>, vector<1x16xf32>,
        %parallel_loop3A_479 = vector.shape_cast %parallel_loop3A_478 : vector<1x16xf32> to vector<16xf32>
        %parallel_loop3A_480 = arith.constant 7 : i32
        %parallel_loop3A_481 = arith.index_cast %parallel_loop3A_480 : i32 to index
        %parallel_loop3A_482 = arith.index_cast %parallel_loop3A_397 : i32 to index
        %parallel_loop3A_483 = tpu.vector_load %arg9[%parallel_loop3A_481, %parallel_loop3A_482] {strides = array<i32>} : memref<8x1024xf32, #tpu.memory_space<vmem>>, vector<1x16xf32>,
        %parallel_loop3A_484 = vector.shape_cast %parallel_loop3A_483 : vector<1x16xf32> to vector<16xf32>
        %parallel_loop3A_485 = vector.shape_cast %parallel_loop3A_479 : vector<16xf32> to vector<1x16xf32>
        tpu.vector_store %arg9[%parallel_loop3A_481, %parallel_loop3A_482], %parallel_loop3A_485 {add = true, strides = array<i32>} : memref<8x1024xf32, #tpu.memory_space<vmem>>, vector<1x16xf32>,
      } {sc.loop_unroll_factor = 1 : i64, sc.parallel_access}
      %mul3A_146 = arith.constant 8 : i32
      %mul3A_147 = arith.muli %mul3A_88, %mul3A_146 : i32
      %add3A_148 = arith.addi %mul3A_2, %mul3A_147 : i32
      %dma_start3A_149 = arith.constant 1 : i32
      %dma_start3A_150 = arith.constant 0 : i32
      %dma_start3A_151 = tpu.memref_slice %arg4[%dma_start3A_149, %add3A_148, %dma_start3A_150] : memref<4x8192x1024xf32, #tpu.memory_space<hbm>> -> memref<1x8x1024xf32, #tpu.memory_space<hbm>>
      %dma_start3A_152 = tpu.memref_squeeze %dma_start3A_151 : memref<1x8x1024xf32, #tpu.memory_space<hbm>> -> memref<8x1024xf32, #tpu.memory_space<hbm>>
      %dma_start3A_153 = arith.constant 0 : i32
      %dma_start3A_154 = tpu.memref_slice %arg4[%dma_start3A_149, %add3A_148, %dma_start3A_153] : memref<4x8192x1024xf32, #tpu.memory_space<hbm>> -> memref<1x8x1024xf32, #tpu.memory_space<hbm>>
      %dma_start3A_155 = tpu.memref_squeeze %dma_start3A_154 : memref<1x8x1024xf32, #tpu.memory_space<hbm>> -> memref<8x1024xf32, #tpu.memory_space<hbm>>
      tpu.enqueue_dma source(%arg9 : memref<8x1024xf32, #tpu.memory_space<vmem>>) target(%dma_start3A_155 : memref<8x1024xf32, #tpu.memory_space<hbm>>) target_semaphore(%arg27 : memref<!tpu.dma_semaphore, #tpu.memory_space<semaphore_mem>>)
      %ge3A_156 = arith.constant 1 : i32
      %ge3A_157 = arith.cmpi sge, %mul3A_88, %ge3A_156 : i32
      %convert_element_type3A_158 = arith.extui %ge3A_157 : i1 to i32
      %cond3A_159 = arith.constant 0 : i32
      %cond3A_160 = arith.cmpi ne, %convert_element_type3A_158, %cond3A_159 : i32
      scf.if %cond3A_160 {
        %sub3A = arith.constant 1 : i32
        %sub3A_397 = arith.subi %mul3A_88, %sub3A : i32
        %mul3A_398 = arith.constant 8 : i32
        %mul3A_399 = arith.muli %sub3A_397, %mul3A_398 : i32
        %add3A_400 = arith.addi %mul3A_2, %mul3A_399 : i32
        %dma_wait3A_401 = arith.constant 1 : i32
        %dma_wait3A_402 = arith.constant 0 : i32
        %dma_wait3A_403 = tpu.memref_slice %arg4[%dma_wait3A_401, %add3A_400, %dma_wait3A_402] : memref<4x8192x1024xf32, #tpu.memory_space<hbm>> -> memref<1x8x1024xf32, #tpu.memory_space<hbm>>
        %dma_wait3A_404 = tpu.memref_squeeze %dma_wait3A_403 : memref<1x8x1024xf32, #tpu.memory_space<hbm>> -> memref<8x1024xf32, #tpu.memory_space<hbm>>
        %dma_wait3A_405 = arith.constant 0 : i32
        %dma_wait3A_406 = tpu.memref_slice %arg4[%dma_wait3A_401, %add3A_400, %dma_wait3A_405] : memref<4x8192x1024xf32, #tpu.memory_space<hbm>> -> memref<1x8x1024xf32, #tpu.memory_space<hbm>>
        %dma_wait3A_407 = tpu.memref_squeeze %dma_wait3A_406 : memref<1x8x1024xf32, #tpu.memory_space<hbm>> -> memref<8x1024xf32, #tpu.memory_space<hbm>>
        tpu.wait_dma2 semaphore(%arg28 : memref<!tpu.dma_semaphore, #tpu.memory_space<semaphore_mem>>) src(%arg10 : memref<8x1024xf32, #tpu.memory_space<vmem>>) dst(%dma_wait3A_407 : memref<8x1024xf32, #tpu.memory_space<hbm>>)
      } else {
      }
      %add3A_161 = arith.constant 1 : i32
      %add3A_162 = arith.addi %mul3A_88, %add3A_161 : i32
      %lt3A_163 = arith.constant 32 : i32
      %lt3A_164 = arith.cmpi slt, %add3A_162, %lt3A_163 : i32
      %convert_element_type3A_165 = arith.extui %lt3A_164 : i1 to i32
      %cond3A_166 = arith.constant 0 : i32
      %cond3A_167 = arith.cmpi ne, %convert_element_type3A_165, %cond3A_166 : i32
      scf.if %cond3A_167 {
        %add3A_397 = arith.constant 1 : i32
        %add3A_398 = arith.addi %mul3A_88, %add3A_397 : i32
        %mul3A_399 = arith.constant 8 : i32
        %mul3A_400 = arith.muli %add3A_398, %mul3A_399 : i32
        %add3A_401 = arith.addi %mul3A_2, %mul3A_400 : i32
        %dma_start3A_402 = arith.constant 1 : i32
        %dma_start3A_403 = arith.constant 0 : i32
        %dma_start3A_404 = tpu.memref_slice %arg2[%dma_start3A_402, %add3A_401, %dma_start3A_403] : memref<4x8192x1024xf32, #tpu.memory_space<hbm>> -> memref<1x8x1024xf32, #tpu.memory_space<hbm>>
        %dma_start3A_405 = tpu.memref_squeeze %dma_start3A_404 : memref<1x8x1024xf32, #tpu.memory_space<hbm>> -> memref<8x1024xf32, #tpu.memory_space<hbm>>
        %dma_start3A_406 = arith.constant 0 : i32
        %dma_start3A_407 = tpu.memref_slice %arg2[%dma_start3A_402, %add3A_401, %dma_start3A_406] : memref<4x8192x1024xf32, #tpu.memory_space<hbm>> -> memref<1x8x1024xf32, #tpu.memory_space<hbm>>
        %dma_start3A_408 = tpu.memref_squeeze %dma_start3A_407 : memref<1x8x1024xf32, #tpu.memory_space<hbm>> -> memref<8x1024xf32, #tpu.memory_space<hbm>>
        tpu.enqueue_dma source(%dma_start3A_408 : memref<8x1024xf32, #tpu.memory_space<hbm>>) target(%arg10 : memref<8x1024xf32, #tpu.memory_space<vmem>>) target_semaphore(%arg20 : memref<!tpu.dma_semaphore, #tpu.memory_space<semaphore_mem>>)
      } else {
      }
      %mul3A_168 = arith.constant 8 : i32
      %mul3A_169 = arith.muli %mul3A_88, %mul3A_168 : i32
      %add3A_170 = arith.addi %mul3A_2, %mul3A_169 : i32
      %dma_wait3A_171 = arith.constant 2 : i32
      %dma_wait3A_172 = arith.constant 0 : i32
      %dma_wait3A_173 = tpu.memref_slice %arg2[%dma_wait3A_171, %add3A_170, %dma_wait3A_172] : memref<4x8192x1024xf32, #tpu.memory_space<hbm>> -> memref<1x8x1024xf32, #tpu.memory_space<hbm>>
      %dma_wait3A_174 = tpu.memref_squeeze %dma_wait3A_173 : memref<1x8x1024xf32, #tpu.memory_space<hbm>> -> memref<8x1024xf32, #tpu.memory_space<hbm>>
      %dma_wait3A_175 = arith.constant 0 : i32
      %dma_wait3A_176 = tpu.memref_slice %arg2[%dma_wait3A_171, %add3A_170, %dma_wait3A_175] : memref<4x8192x1024xf32, #tpu.memory_space<hbm>> -> memref<1x8x1024xf32, #tpu.memory_space<hbm>>
      %dma_wait3A_177 = tpu.memref_squeeze %dma_wait3A_176 : memref<1x8x1024xf32, #tpu.memory_space<hbm>> -> memref<8x1024xf32, #tpu.memory_space<hbm>>
      tpu.wait_dma2 semaphore(%arg21 : memref<!tpu.dma_semaphore, #tpu.memory_space<semaphore_mem>>) src(%dma_wait3A_177 : memref<8x1024xf32, #tpu.memory_space<hbm>>) dst(%arg11 : memref<8x1024xf32, #tpu.memory_space<vmem>>)
      %parallel_loop3A_178 = arith.constant 0 : i32
      %parallel_loop3A_179 = arith.constant 1024 : i32
      %parallel_loop3A_180 = arith.constant 16 : i32
      scf.for %parallel_loop3A_397 = %parallel_loop3A_178 to %parallel_loop3A_179 step %parallel_loop3A_180  : i32 {
        %parallel_loop3A_398 = arith.constant 0 : i32
        %parallel_loop3A_399 = arith.index_cast %parallel_loop3A_398 : i32 to index
        %parallel_loop3A_400 = arith.index_cast %parallel_loop3A_397 : i32 to index
        %parallel_loop3A_401 = tpu.vector_load %arg5[%parallel_loop3A_399, %parallel_loop3A_400] {strides = array<i32>} : memref<8x1024xf32, #tpu.memory_space<vmem>>, vector<1x16xf32>,
        %parallel_loop3A_402 = vector.shape_cast %parallel_loop3A_401 : vector<1x16xf32> to vector<16xf32>
        %parallel_loop3A_403 = arith.constant 0 : i32
        %parallel_loop3A_404 = arith.index_cast %parallel_loop3A_403 : i32 to index
        %parallel_loop3A_405 = arith.index_cast %parallel_loop3A_397 : i32 to index
        %parallel_loop3A_406 = tpu.vector_load %arg11[%parallel_loop3A_404, %parallel_loop3A_405] {strides = array<i32>} : memref<8x1024xf32, #tpu.memory_space<vmem>>, vector<1x16xf32>,
        %parallel_loop3A_407 = vector.shape_cast %parallel_loop3A_406 : vector<1x16xf32> to vector<16xf32>
        %parallel_loop3A_408 = vector.shape_cast %parallel_loop3A_402 : vector<16xf32> to vector<1x16xf32>
        tpu.vector_store %arg11[%parallel_loop3A_404, %parallel_loop3A_405], %parallel_loop3A_408 {add = true, strides = array<i32>} : memref<8x1024xf32, #tpu.memory_space<vmem>>, vector<1x16xf32>,
        %parallel_loop3A_409 = arith.constant 1 : i32
        %parallel_loop3A_410 = arith.index_cast %parallel_loop3A_409 : i32 to index
        %parallel_loop3A_411 = arith.index_cast %parallel_loop3A_397 : i32 to index
        %parallel_loop3A_412 = tpu.vector_load %arg5[%parallel_loop3A_410, %parallel_loop3A_411] {strides = array<i32>} : memref<8x1024xf32, #tpu.memory_space<vmem>>, vector<1x16xf32>,
        %parallel_loop3A_413 = vector.shape_cast %parallel_loop3A_412 : vector<1x16xf32> to vector<16xf32>
        %parallel_loop3A_414 = arith.constant 1 : i32
        %parallel_loop3A_415 = arith.index_cast %parallel_loop3A_414 : i32 to index
        %parallel_loop3A_416 = arith.index_cast %parallel_loop3A_397 : i32 to index
        %parallel_loop3A_417 = tpu.vector_load %arg11[%parallel_loop3A_415, %parallel_loop3A_416] {strides = array<i32>} : memref<8x1024xf32, #tpu.memory_space<vmem>>, vector<1x16xf32>,
        %parallel_loop3A_418 = vector.shape_cast %parallel_loop3A_417 : vector<1x16xf32> to vector<16xf32>
        %parallel_loop3A_419 = vector.shape_cast %parallel_loop3A_413 : vector<16xf32> to vector<1x16xf32>
        tpu.vector_store %arg11[%parallel_loop3A_415, %parallel_loop3A_416], %parallel_loop3A_419 {add = true, strides = array<i32>} : memref<8x1024xf32, #tpu.memory_space<vmem>>, vector<1x16xf32>,
        %parallel_loop3A_420 = arith.constant 2 : i32
        %parallel_loop3A_421 = arith.index_cast %parallel_loop3A_420 : i32 to index
        %parallel_loop3A_422 = arith.index_cast %parallel_loop3A_397 : i32 to index
        %parallel_loop3A_423 = tpu.vector_load %arg5[%parallel_loop3A_421, %parallel_loop3A_422] {strides = array<i32>} : memref<8x1024xf32, #tpu.memory_space<vmem>>, vector<1x16xf32>,
        %parallel_loop3A_424 = vector.shape_cast %parallel_loop3A_423 : vector<1x16xf32> to vector<16xf32>
        %parallel_loop3A_425 = arith.constant 2 : i32
        %parallel_loop3A_426 = arith.index_cast %parallel_loop3A_425 : i32 to index
        %parallel_loop3A_427 = arith.index_cast %parallel_loop3A_397 : i32 to index
        %parallel_loop3A_428 = tpu.vector_load %arg11[%parallel_loop3A_426, %parallel_loop3A_427] {strides = array<i32>} : memref<8x1024xf32, #tpu.memory_space<vmem>>, vector<1x16xf32>,
        %parallel_loop3A_429 = vector.shape_cast %parallel_loop3A_428 : vector<1x16xf32> to vector<16xf32>
        %parallel_loop3A_430 = vector.shape_cast %parallel_loop3A_424 : vector<16xf32> to vector<1x16xf32>
        tpu.vector_store %arg11[%parallel_loop3A_426, %parallel_loop3A_427], %parallel_loop3A_430 {add = true, strides = array<i32>} : memref<8x1024xf32, #tpu.memory_space<vmem>>, vector<1x16xf32>,
        %parallel_loop3A_431 = arith.constant 3 : i32
        %parallel_loop3A_432 = arith.index_cast %parallel_loop3A_431 : i32 to index
        %parallel_loop3A_433 = arith.index_cast %parallel_loop3A_397 : i32 to index
        %parallel_loop3A_434 = tpu.vector_load %arg5[%parallel_loop3A_432, %parallel_loop3A_433] {strides = array<i32>} : memref<8x1024xf32, #tpu.memory_space<vmem>>, vector<1x16xf32>,
        %parallel_loop3A_435 = vector.shape_cast %parallel_loop3A_434 : vector<1x16xf32> to vector<16xf32>
        %parallel_loop3A_436 = arith.constant 3 : i32
        %parallel_loop3A_437 = arith.index_cast %parallel_loop3A_436 : i32 to index
        %parallel_loop3A_438 = arith.index_cast %parallel_loop3A_397 : i32 to index
        %parallel_loop3A_439 = tpu.vector_load %arg11[%parallel_loop3A_437, %parallel_loop3A_438] {strides = array<i32>} : memref<8x1024xf32, #tpu.memory_space<vmem>>, vector<1x16xf32>,
        %parallel_loop3A_440 = vector.shape_cast %parallel_loop3A_439 : vector<1x16xf32> to vector<16xf32>
        %parallel_loop3A_441 = vector.shape_cast %parallel_loop3A_435 : vector<16xf32> to vector<1x16xf32>
        tpu.vector_store %arg11[%parallel_loop3A_437, %parallel_loop3A_438], %parallel_loop3A_441 {add = true, strides = array<i32>} : memref<8x1024xf32, #tpu.memory_space<vmem>>, vector<1x16xf32>,
        %parallel_loop3A_442 = arith.constant 4 : i32
        %parallel_loop3A_443 = arith.index_cast %parallel_loop3A_442 : i32 to index
        %parallel_loop3A_444 = arith.index_cast %parallel_loop3A_397 : i32 to index
        %parallel_loop3A_445 = tpu.vector_load %arg5[%parallel_loop3A_443, %parallel_loop3A_444] {strides = array<i32>} : memref<8x1024xf32, #tpu.memory_space<vmem>>, vector<1x16xf32>,
        %parallel_loop3A_446 = vector.shape_cast %parallel_loop3A_445 : vector<1x16xf32> to vector<16xf32>
        %parallel_loop3A_447 = arith.constant 4 : i32
        %parallel_loop3A_448 = arith.index_cast %parallel_loop3A_447 : i32 to index
        %parallel_loop3A_449 = arith.index_cast %parallel_loop3A_397 : i32 to index
        %parallel_loop3A_450 = tpu.vector_load %arg11[%parallel_loop3A_448, %parallel_loop3A_449] {strides = array<i32>} : memref<8x1024xf32, #tpu.memory_space<vmem>>, vector<1x16xf32>,
        %parallel_loop3A_451 = vector.shape_cast %parallel_loop3A_450 : vector<1x16xf32> to vector<16xf32>
        %parallel_loop3A_452 = vector.shape_cast %parallel_loop3A_446 : vector<16xf32> to vector<1x16xf32>
        tpu.vector_store %arg11[%parallel_loop3A_448, %parallel_loop3A_449], %parallel_loop3A_452 {add = true, strides = array<i32>} : memref<8x1024xf32, #tpu.memory_space<vmem>>, vector<1x16xf32>,
        %parallel_loop3A_453 = arith.constant 5 : i32
        %parallel_loop3A_454 = arith.index_cast %parallel_loop3A_453 : i32 to index
        %parallel_loop3A_455 = arith.index_cast %parallel_loop3A_397 : i32 to index
        %parallel_loop3A_456 = tpu.vector_load %arg5[%parallel_loop3A_454, %parallel_loop3A_455] {strides = array<i32>} : memref<8x1024xf32, #tpu.memory_space<vmem>>, vector<1x16xf32>,
        %parallel_loop3A_457 = vector.shape_cast %parallel_loop3A_456 : vector<1x16xf32> to vector<16xf32>
        %parallel_loop3A_458 = arith.constant 5 : i32
        %parallel_loop3A_459 = arith.index_cast %parallel_loop3A_458 : i32 to index
        %parallel_loop3A_460 = arith.index_cast %parallel_loop3A_397 : i32 to index
        %parallel_loop3A_461 = tpu.vector_load %arg11[%parallel_loop3A_459, %parallel_loop3A_460] {strides = array<i32>} : memref<8x1024xf32, #tpu.memory_space<vmem>>, vector<1x16xf32>,
        %parallel_loop3A_462 = vector.shape_cast %parallel_loop3A_461 : vector<1x16xf32> to vector<16xf32>
        %parallel_loop3A_463 = vector.shape_cast %parallel_loop3A_457 : vector<16xf32> to vector<1x16xf32>
        tpu.vector_store %arg11[%parallel_loop3A_459, %parallel_loop3A_460], %parallel_loop3A_463 {add = true, strides = array<i32>} : memref<8x1024xf32, #tpu.memory_space<vmem>>, vector<1x16xf32>,
        %parallel_loop3A_464 = arith.constant 6 : i32
        %parallel_loop3A_465 = arith.index_cast %parallel_loop3A_464 : i32 to index
        %parallel_loop3A_466 = arith.index_cast %parallel_loop3A_397 : i32 to index
        %parallel_loop3A_467 = tpu.vector_load %arg5[%parallel_loop3A_465, %parallel_loop3A_466] {strides = array<i32>} : memref<8x1024xf32, #tpu.memory_space<vmem>>, vector<1x16xf32>,
        %parallel_loop3A_468 = vector.shape_cast %parallel_loop3A_467 : vector<1x16xf32> to vector<16xf32>
        %parallel_loop3A_469 = arith.constant 6 : i32
        %parallel_loop3A_470 = arith.index_cast %parallel_loop3A_469 : i32 to index
        %parallel_loop3A_471 = arith.index_cast %parallel_loop3A_397 : i32 to index
        %parallel_loop3A_472 = tpu.vector_load %arg11[%parallel_loop3A_470, %parallel_loop3A_471] {strides = array<i32>} : memref<8x1024xf32, #tpu.memory_space<vmem>>, vector<1x16xf32>,
        %parallel_loop3A_473 = vector.shape_cast %parallel_loop3A_472 : vector<1x16xf32> to vector<16xf32>
        %parallel_loop3A_474 = vector.shape_cast %parallel_loop3A_468 : vector<16xf32> to vector<1x16xf32>
        tpu.vector_store %arg11[%parallel_loop3A_470, %parallel_loop3A_471], %parallel_loop3A_474 {add = true, strides = array<i32>} : memref<8x1024xf32, #tpu.memory_space<vmem>>, vector<1x16xf32>,
        %parallel_loop3A_475 = arith.constant 7 : i32
        %parallel_loop3A_476 = arith.index_cast %parallel_loop3A_475 : i32 to index
        %parallel_loop3A_477 = arith.index_cast %parallel_loop3A_397 : i32 to index
        %parallel_loop3A_478 = tpu.vector_load %arg5[%parallel_loop3A_476, %parallel_loop3A_477] {strides = array<i32>} : memref<8x1024xf32, #tpu.memory_space<vmem>>, vector<1x16xf32>,
        %parallel_loop3A_479 = vector.shape_cast %parallel_loop3A_478 : vector<1x16xf32> to vector<16xf32>
        %parallel_loop3A_480 = arith.constant 7 : i32
        %parallel_loop3A_481 = arith.index_cast %parallel_loop3A_480 : i32 to index
        %parallel_loop3A_482 = arith.index_cast %parallel_loop3A_397 : i32 to index
        %parallel_loop3A_483 = tpu.vector_load %arg11[%parallel_loop3A_481, %parallel_loop3A_482] {strides = array<i32>} : memref<8x1024xf32, #tpu.memory_space<vmem>>, vector<1x16xf32>,
        %parallel_loop3A_484 = vector.shape_cast %parallel_loop3A_483 : vector<1x16xf32> to vector<16xf32>
        %parallel_loop3A_485 = vector.shape_cast %parallel_loop3A_479 : vector<16xf32> to vector<1x16xf32>
        tpu.vector_store %arg11[%parallel_loop3A_481, %parallel_loop3A_482], %parallel_loop3A_485 {add = true, strides = array<i32>} : memref<8x1024xf32, #tpu.memory_space<vmem>>, vector<1x16xf32>,
      } {sc.loop_unroll_factor = 1 : i64, sc.parallel_access}
      %mul3A_181 = arith.constant 8 : i32
      %mul3A_182 = arith.muli %mul3A_88, %mul3A_181 : i32
      %add3A_183 = arith.addi %mul3A_2, %mul3A_182 : i32
      %dma_start3A_184 = arith.constant 2 : i32
      %dma_start3A_185 = arith.constant 0 : i32
      %dma_start3A_186 = tpu.memref_slice %arg4[%dma_start3A_184, %add3A_183, %dma_start3A_185] : memref<4x8192x1024xf32, #tpu.memory_space<hbm>> -> memref<1x8x1024xf32, #tpu.memory_space<hbm>>
      %dma_start3A_187 = tpu.memref_squeeze %dma_start3A_186 : memref<1x8x1024xf32, #tpu.memory_space<hbm>> -> memref<8x1024xf32, #tpu.memory_space<hbm>>
      %dma_start3A_188 = arith.constant 0 : i32
      %dma_start3A_189 = tpu.memref_slice %arg4[%dma_start3A_184, %add3A_183, %dma_start3A_188] : memref<4x8192x1024xf32, #tpu.memory_space<hbm>> -> memref<1x8x1024xf32, #tpu.memory_space<hbm>>
      %dma_start3A_190 = tpu.memref_squeeze %dma_start3A_189 : memref<1x8x1024xf32, #tpu.memory_space<hbm>> -> memref<8x1024xf32, #tpu.memory_space<hbm>>
      tpu.enqueue_dma source(%arg11 : memref<8x1024xf32, #tpu.memory_space<vmem>>) target(%dma_start3A_190 : memref<8x1024xf32, #tpu.memory_space<hbm>>) target_semaphore(%arg29 : memref<!tpu.dma_semaphore, #tpu.memory_space<semaphore_mem>>)
      %ge3A_191 = arith.constant 1 : i32
      %ge3A_192 = arith.cmpi sge, %mul3A_88, %ge3A_191 : i32
      %convert_element_type3A_193 = arith.extui %ge3A_192 : i1 to i32
      %cond3A_194 = arith.constant 0 : i32
      %cond3A_195 = arith.cmpi ne, %convert_element_type3A_193, %cond3A_194 : i32
      scf.if %cond3A_195 {
        %sub3A = arith.constant 1 : i32
        %sub3A_397 = arith.subi %mul3A_88, %sub3A : i32
        %mul3A_398 = arith.constant 8 : i32
        %mul3A_399 = arith.muli %sub3A_397, %mul3A_398 : i32
        %add3A_400 = arith.addi %mul3A_2, %mul3A_399 : i32
        %dma_wait3A_401 = arith.constant 2 : i32
        %dma_wait3A_402 = arith.constant 0 : i32
        %dma_wait3A_403 = tpu.memref_slice %arg4[%dma_wait3A_401, %add3A_400, %dma_wait3A_402] : memref<4x8192x1024xf32, #tpu.memory_space<hbm>> -> memref<1x8x1024xf32, #tpu.memory_space<hbm>>
        %dma_wait3A_404 = tpu.memref_squeeze %dma_wait3A_403 : memref<1x8x1024xf32, #tpu.memory_space<hbm>> -> memref<8x1024xf32, #tpu.memory_space<hbm>>
        %dma_wait3A_405 = arith.constant 0 : i32
        %dma_wait3A_406 = tpu.memref_slice %arg4[%dma_wait3A_401, %add3A_400, %dma_wait3A_405] : memref<4x8192x1024xf32, #tpu.memory_space<hbm>> -> memref<1x8x1024xf32, #tpu.memory_space<hbm>>
        %dma_wait3A_407 = tpu.memref_squeeze %dma_wait3A_406 : memref<1x8x1024xf32, #tpu.memory_space<hbm>> -> memref<8x1024xf32, #tpu.memory_space<hbm>>
        tpu.wait_dma2 semaphore(%arg30 : memref<!tpu.dma_semaphore, #tpu.memory_space<semaphore_mem>>) src(%arg12 : memref<8x1024xf32, #tpu.memory_space<vmem>>) dst(%dma_wait3A_407 : memref<8x1024xf32, #tpu.memory_space<hbm>>)
      } else {
      }
      %add3A_196 = arith.constant 1 : i32
      %add3A_197 = arith.addi %mul3A_88, %add3A_196 : i32
      %lt3A_198 = arith.constant 32 : i32
      %lt3A_199 = arith.cmpi slt, %add3A_197, %lt3A_198 : i32
      %convert_element_type3A_200 = arith.extui %lt3A_199 : i1 to i32
      %cond3A_201 = arith.constant 0 : i32
      %cond3A_202 = arith.cmpi ne, %convert_element_type3A_200, %cond3A_201 : i32
      scf.if %cond3A_202 {
        %add3A_397 = arith.constant 1 : i32
        %add3A_398 = arith.addi %mul3A_88, %add3A_397 : i32
        %mul3A_399 = arith.constant 8 : i32
        %mul3A_400 = arith.muli %add3A_398, %mul3A_399 : i32
        %add3A_401 = arith.addi %mul3A_2, %mul3A_400 : i32
        %dma_start3A_402 = arith.constant 2 : i32
        %dma_start3A_403 = arith.constant 0 : i32
        %dma_start3A_404 = tpu.memref_slice %arg2[%dma_start3A_402, %add3A_401, %dma_start3A_403] : memref<4x8192x1024xf32, #tpu.memory_space<hbm>> -> memref<1x8x1024xf32, #tpu.memory_space<hbm>>
        %dma_start3A_405 = tpu.memref_squeeze %dma_start3A_404 : memref<1x8x1024xf32, #tpu.memory_space<hbm>> -> memref<8x1024xf32, #tpu.memory_space<hbm>>
        %dma_start3A_406 = arith.constant 0 : i32
        %dma_start3A_407 = tpu.memref_slice %arg2[%dma_start3A_402, %add3A_401, %dma_start3A_406] : memref<4x8192x1024xf32, #tpu.memory_space<hbm>> -> memref<1x8x1024xf32, #tpu.memory_space<hbm>>
        %dma_start3A_408 = tpu.memref_squeeze %dma_start3A_407 : memref<1x8x1024xf32, #tpu.memory_space<hbm>> -> memref<8x1024xf32, #tpu.memory_space<hbm>>
        tpu.enqueue_dma source(%dma_start3A_408 : memref<8x1024xf32, #tpu.memory_space<hbm>>) target(%arg12 : memref<8x1024xf32, #tpu.memory_space<vmem>>) target_semaphore(%arg22 : memref<!tpu.dma_semaphore, #tpu.memory_space<semaphore_mem>>)
      } else {
      }
      %mul3A_203 = arith.constant 8 : i32
      %mul3A_204 = arith.muli %mul3A_88, %mul3A_203 : i32
      %add3A_205 = arith.addi %mul3A_2, %mul3A_204 : i32
      %dma_wait3A_206 = arith.constant 3 : i32
      %dma_wait3A_207 = arith.constant 0 : i32
      %dma_wait3A_208 = tpu.memref_slice %arg2[%dma_wait3A_206, %add3A_205, %dma_wait3A_207] : memref<4x8192x1024xf32, #tpu.memory_space<hbm>> -> memref<1x8x1024xf32, #tpu.memory_space<hbm>>
      %dma_wait3A_209 = tpu.memref_squeeze %dma_wait3A_208 : memref<1x8x1024xf32, #tpu.memory_space<hbm>> -> memref<8x1024xf32, #tpu.memory_space<hbm>>
      %dma_wait3A_210 = arith.constant 0 : i32
      %dma_wait3A_211 = tpu.memref_slice %arg2[%dma_wait3A_206, %add3A_205, %dma_wait3A_210] : memref<4x8192x1024xf32, #tpu.memory_space<hbm>> -> memref<1x8x1024xf32, #tpu.memory_space<hbm>>
      %dma_wait3A_212 = tpu.memref_squeeze %dma_wait3A_211 : memref<1x8x1024xf32, #tpu.memory_space<hbm>> -> memref<8x1024xf32, #tpu.memory_space<hbm>>
      tpu.wait_dma2 semaphore(%arg23 : memref<!tpu.dma_semaphore, #tpu.memory_space<semaphore_mem>>) src(%dma_wait3A_212 : memref<8x1024xf32, #tpu.memory_space<hbm>>) dst(%arg13 : memref<8x1024xf32, #tpu.memory_space<vmem>>)
      %parallel_loop3A_213 = arith.constant 0 : i32
      %parallel_loop3A_214 = arith.constant 1024 : i32
      %parallel_loop3A_215 = arith.constant 16 : i32
      scf.for %parallel_loop3A_397 = %parallel_loop3A_213 to %parallel_loop3A_214 step %parallel_loop3A_215  : i32 {
        %parallel_loop3A_398 = arith.constant 0 : i32
        %parallel_loop3A_399 = arith.index_cast %parallel_loop3A_398 : i32 to index
        %parallel_loop3A_400 = arith.index_cast %parallel_loop3A_397 : i32 to index
        %parallel_loop3A_401 = tpu.vector_load %arg5[%parallel_loop3A_399, %parallel_loop3A_400] {strides = array<i32>} : memref<8x1024xf32, #tpu.memory_space<vmem>>, vector<1x16xf32>,
        %parallel_loop3A_402 = vector.shape_cast %parallel_loop3A_401 : vector<1x16xf32> to vector<16xf32>
        %parallel_loop3A_403 = arith.constant 0 : i32
        %parallel_loop3A_404 = arith.index_cast %parallel_loop3A_403 : i32 to index
        %parallel_loop3A_405 = arith.index_cast %parallel_loop3A_397 : i32 to index
        %parallel_loop3A_406 = tpu.vector_load %arg13[%parallel_loop3A_404, %parallel_loop3A_405] {strides = array<i32>} : memref<8x1024xf32, #tpu.memory_space<vmem>>, vector<1x16xf32>,
        %parallel_loop3A_407 = vector.shape_cast %parallel_loop3A_406 : vector<1x16xf32> to vector<16xf32>
        %parallel_loop3A_408 = vector.shape_cast %parallel_loop3A_402 : vector<16xf32> to vector<1x16xf32>
        tpu.vector_store %arg13[%parallel_loop3A_404, %parallel_loop3A_405], %parallel_loop3A_408 {add = true, strides = array<i32>} : memref<8x1024xf32, #tpu.memory_space<vmem>>, vector<1x16xf32>,
        %parallel_loop3A_409 = arith.constant 1 : i32
        %parallel_loop3A_410 = arith.index_cast %parallel_loop3A_409 : i32 to index
        %parallel_loop3A_411 = arith.index_cast %parallel_loop3A_397 : i32 to index
        %parallel_loop3A_412 = tpu.vector_load %arg5[%parallel_loop3A_410, %parallel_loop3A_411] {strides = array<i32>} : memref<8x1024xf32, #tpu.memory_space<vmem>>, vector<1x16xf32>,
        %parallel_loop3A_413 = vector.shape_cast %parallel_loop3A_412 : vector<1x16xf32> to vector<16xf32>
        %parallel_loop3A_414 = arith.constant 1 : i32
        %parallel_loop3A_415 = arith.index_cast %parallel_loop3A_414 : i32 to index
        %parallel_loop3A_416 = arith.index_cast %parallel_loop3A_397 : i32 to index
        %parallel_loop3A_417 = tpu.vector_load %arg13[%parallel_loop3A_415, %parallel_loop3A_416] {strides = array<i32>} : memref<8x1024xf32, #tpu.memory_space<vmem>>, vector<1x16xf32>,
        %parallel_loop3A_418 = vector.shape_cast %parallel_loop3A_417 : vector<1x16xf32> to vector<16xf32>
        %parallel_loop3A_419 = vector.shape_cast %parallel_loop3A_413 : vector<16xf32> to vector<1x16xf32>
        tpu.vector_store %arg13[%parallel_loop3A_415, %parallel_loop3A_416], %parallel_loop3A_419 {add = true, strides = array<i32>} : memref<8x1024xf32, #tpu.memory_space<vmem>>, vector<1x16xf32>,
        %parallel_loop3A_420 = arith.constant 2 : i32
        %parallel_loop3A_421 = arith.index_cast %parallel_loop3A_420 : i32 to index
        %parallel_loop3A_422 = arith.index_cast %parallel_loop3A_397 : i32 to index
        %parallel_loop3A_423 = tpu.vector_load %arg5[%parallel_loop3A_421, %parallel_loop3A_422] {strides = array<i32>} : memref<8x1024xf32, #tpu.memory_space<vmem>>, vector<1x16xf32>,
        %parallel_loop3A_424 = vector.shape_cast %parallel_loop3A_423 : vector<1x16xf32> to vector<16xf32>
        %parallel_loop3A_425 = arith.constant 2 : i32
        %parallel_loop3A_426 = arith.index_cast %parallel_loop3A_425 : i32 to index
        %parallel_loop3A_427 = arith.index_cast %parallel_loop3A_397 : i32 to index
        %parallel_loop3A_428 = tpu.vector_load %arg13[%parallel_loop3A_426, %parallel_loop3A_427] {strides = array<i32>} : memref<8x1024xf32, #tpu.memory_space<vmem>>, vector<1x16xf32>,
        %parallel_loop3A_429 = vector.shape_cast %parallel_loop3A_428 : vector<1x16xf32> to vector<16xf32>
        %parallel_loop3A_430 = vector.shape_cast %parallel_loop3A_424 : vector<16xf32> to vector<1x16xf32>
        tpu.vector_store %arg13[%parallel_loop3A_426, %parallel_loop3A_427], %parallel_loop3A_430 {add = true, strides = array<i32>} : memref<8x1024xf32, #tpu.memory_space<vmem>>, vector<1x16xf32>,
        %parallel_loop3A_431 = arith.constant 3 : i32
        %parallel_loop3A_432 = arith.index_cast %parallel_loop3A_431 : i32 to index
        %parallel_loop3A_433 = arith.index_cast %parallel_loop3A_397 : i32 to index
        %parallel_loop3A_434 = tpu.vector_load %arg5[%parallel_loop3A_432, %parallel_loop3A_433] {strides = array<i32>} : memref<8x1024xf32, #tpu.memory_space<vmem>>, vector<1x16xf32>,
        %parallel_loop3A_435 = vector.shape_cast %parallel_loop3A_434 : vector<1x16xf32> to vector<16xf32>
        %parallel_loop3A_436 = arith.constant 3 : i32
        %parallel_loop3A_437 = arith.index_cast %parallel_loop3A_436 : i32 to index
        %parallel_loop3A_438 = arith.index_cast %parallel_loop3A_397 : i32 to index
        %parallel_loop3A_439 = tpu.vector_load %arg13[%parallel_loop3A_437, %parallel_loop3A_438] {strides = array<i32>} : memref<8x1024xf32, #tpu.memory_space<vmem>>, vector<1x16xf32>,
        %parallel_loop3A_440 = vector.shape_cast %parallel_loop3A_439 : vector<1x16xf32> to vector<16xf32>
        %parallel_loop3A_441 = vector.shape_cast %parallel_loop3A_435 : vector<16xf32> to vector<1x16xf32>
        tpu.vector_store %arg13[%parallel_loop3A_437, %parallel_loop3A_438], %parallel_loop3A_441 {add = true, strides = array<i32>} : memref<8x1024xf32, #tpu.memory_space<vmem>>, vector<1x16xf32>,
        %parallel_loop3A_442 = arith.constant 4 : i32
        %parallel_loop3A_443 = arith.index_cast %parallel_loop3A_442 : i32 to index
        %parallel_loop3A_444 = arith.index_cast %parallel_loop3A_397 : i32 to index
        %parallel_loop3A_445 = tpu.vector_load %arg5[%parallel_loop3A_443, %parallel_loop3A_444] {strides = array<i32>} : memref<8x1024xf32, #tpu.memory_space<vmem>>, vector<1x16xf32>,
        %parallel_loop3A_446 = vector.shape_cast %parallel_loop3A_445 : vector<1x16xf32> to vector<16xf32>
        %parallel_loop3A_447 = arith.constant 4 : i32
        %parallel_loop3A_448 = arith.index_cast %parallel_loop3A_447 : i32 to index
        %parallel_loop3A_449 = arith.index_cast %parallel_loop3A_397 : i32 to index
        %parallel_loop3A_450 = tpu.vector_load %arg13[%parallel_loop3A_448, %parallel_loop3A_449] {strides = array<i32>} : memref<8x1024xf32, #tpu.memory_space<vmem>>, vector<1x16xf32>,
        %parallel_loop3A_451 = vector.shape_cast %parallel_loop3A_450 : vector<1x16xf32> to vector<16xf32>
        %parallel_loop3A_452 = vector.shape_cast %parallel_loop3A_446 : vector<16xf32> to vector<1x16xf32>
        tpu.vector_store %arg13[%parallel_loop3A_448, %parallel_loop3A_449], %parallel_loop3A_452 {add = true, strides = array<i32>} : memref<8x1024xf32, #tpu.memory_space<vmem>>, vector<1x16xf32>,
        %parallel_loop3A_453 = arith.constant 5 : i32
        %parallel_loop3A_454 = arith.index_cast %parallel_loop3A_453 : i32 to index
        %parallel_loop3A_455 = arith.index_cast %parallel_loop3A_397 : i32 to index
        %parallel_loop3A_456 = tpu.vector_load %arg5[%parallel_loop3A_454, %parallel_loop3A_455] {strides = array<i32>} : memref<8x1024xf32, #tpu.memory_space<vmem>>, vector<1x16xf32>,
        %parallel_loop3A_457 = vector.shape_cast %parallel_loop3A_456 : vector<1x16xf32> to vector<16xf32>
        %parallel_loop3A_458 = arith.constant 5 : i32
        %parallel_loop3A_459 = arith.index_cast %parallel_loop3A_458 : i32 to index
        %parallel_loop3A_460 = arith.index_cast %parallel_loop3A_397 : i32 to index
        %parallel_loop3A_461 = tpu.vector_load %arg13[%parallel_loop3A_459, %parallel_loop3A_460] {strides = array<i32>} : memref<8x1024xf32, #tpu.memory_space<vmem>>, vector<1x16xf32>,
        %parallel_loop3A_462 = vector.shape_cast %parallel_loop3A_461 : vector<1x16xf32> to vector<16xf32>
        %parallel_loop3A_463 = vector.shape_cast %parallel_loop3A_457 : vector<16xf32> to vector<1x16xf32>
        tpu.vector_store %arg13[%parallel_loop3A_459, %parallel_loop3A_460], %parallel_loop3A_463 {add = true, strides = array<i32>} : memref<8x1024xf32, #tpu.memory_space<vmem>>, vector<1x16xf32>,
        %parallel_loop3A_464 = arith.constant 6 : i32
        %parallel_loop3A_465 = arith.index_cast %parallel_loop3A_464 : i32 to index
        %parallel_loop3A_466 = arith.index_cast %parallel_loop3A_397 : i32 to index
        %parallel_loop3A_467 = tpu.vector_load %arg5[%parallel_loop3A_465, %parallel_loop3A_466] {strides = array<i32>} : memref<8x1024xf32, #tpu.memory_space<vmem>>, vector<1x16xf32>,
        %parallel_loop3A_468 = vector.shape_cast %parallel_loop3A_467 : vector<1x16xf32> to vector<16xf32>
        %parallel_loop3A_469 = arith.constant 6 : i32
        %parallel_loop3A_470 = arith.index_cast %parallel_loop3A_469 : i32 to index
        %parallel_loop3A_471 = arith.index_cast %parallel_loop3A_397 : i32 to index
        %parallel_loop3A_472 = tpu.vector_load %arg13[%parallel_loop3A_470, %parallel_loop3A_471] {strides = array<i32>} : memref<8x1024xf32, #tpu.memory_space<vmem>>, vector<1x16xf32>,
        %parallel_loop3A_473 = vector.shape_cast %parallel_loop3A_472 : vector<1x16xf32> to vector<16xf32>
        %parallel_loop3A_474 = vector.shape_cast %parallel_loop3A_468 : vector<16xf32> to vector<1x16xf32>
        tpu.vector_store %arg13[%parallel_loop3A_470, %parallel_loop3A_471], %parallel_loop3A_474 {add = true, strides = array<i32>} : memref<8x1024xf32, #tpu.memory_space<vmem>>, vector<1x16xf32>,
        %parallel_loop3A_475 = arith.constant 7 : i32
        %parallel_loop3A_476 = arith.index_cast %parallel_loop3A_475 : i32 to index
        %parallel_loop3A_477 = arith.index_cast %parallel_loop3A_397 : i32 to index
        %parallel_loop3A_478 = tpu.vector_load %arg5[%parallel_loop3A_476, %parallel_loop3A_477] {strides = array<i32>} : memref<8x1024xf32, #tpu.memory_space<vmem>>, vector<1x16xf32>,
        %parallel_loop3A_479 = vector.shape_cast %parallel_loop3A_478 : vector<1x16xf32> to vector<16xf32>
        %parallel_loop3A_480 = arith.constant 7 : i32
        %parallel_loop3A_481 = arith.index_cast %parallel_loop3A_480 : i32 to index
        %parallel_loop3A_482 = arith.index_cast %parallel_loop3A_397 : i32 to index
        %parallel_loop3A_483 = tpu.vector_load %arg13[%parallel_loop3A_481, %parallel_loop3A_482] {strides = array<i32>} : memref<8x1024xf32, #tpu.memory_space<vmem>>, vector<1x16xf32>,
        %parallel_loop3A_484 = vector.shape_cast %parallel_loop3A_483 : vector<1x16xf32> to vector<16xf32>
        %parallel_loop3A_485 = vector.shape_cast %parallel_loop3A_479 : vector<16xf32> to vector<1x16xf32>
        tpu.vector_store %arg13[%parallel_loop3A_481, %parallel_loop3A_482], %parallel_loop3A_485 {add = true, strides = array<i32>} : memref<8x1024xf32, #tpu.memory_space<vmem>>, vector<1x16xf32>,
      } {sc.loop_unroll_factor = 1 : i64, sc.parallel_access}
      %mul3A_216 = arith.constant 8 : i32
      %mul3A_217 = arith.muli %mul3A_88, %mul3A_216 : i32
      %add3A_218 = arith.addi %mul3A_2, %mul3A_217 : i32
      %dma_start3A_219 = arith.constant 3 : i32
      %dma_start3A_220 = arith.constant 0 : i32
      %dma_start3A_221 = tpu.memref_slice %arg4[%dma_start3A_219, %add3A_218, %dma_start3A_220] : memref<4x8192x1024xf32, #tpu.memory_space<hbm>> -> memref<1x8x1024xf32, #tpu.memory_space<hbm>>
      %dma_start3A_222 = tpu.memref_squeeze %dma_start3A_221 : memref<1x8x1024xf32, #tpu.memory_space<hbm>> -> memref<8x1024xf32, #tpu.memory_space<hbm>>
      %dma_start3A_223 = arith.constant 0 : i32
      %dma_start3A_224 = tpu.memref_slice %arg4[%dma_start3A_219, %add3A_218, %dma_start3A_223] : memref<4x8192x1024xf32, #tpu.memory_space<hbm>> -> memref<1x8x1024xf32, #tpu.memory_space<hbm>>
      %dma_start3A_225 = tpu.memref_squeeze %dma_start3A_224 : memref<1x8x1024xf32, #tpu.memory_space<hbm>> -> memref<8x1024xf32, #tpu.memory_space<hbm>>
      tpu.enqueue_dma source(%arg13 : memref<8x1024xf32, #tpu.memory_space<vmem>>) target(%dma_start3A_225 : memref<8x1024xf32, #tpu.memory_space<hbm>>) target_semaphore(%arg31 : memref<!tpu.dma_semaphore, #tpu.memory_space<semaphore_mem>>)
      %ge3A_226 = arith.constant 1 : i32
      %ge3A_227 = arith.cmpi sge, %mul3A_88, %ge3A_226 : i32
      %convert_element_type3A_228 = arith.extui %ge3A_227 : i1 to i32
      %cond3A_229 = arith.constant 0 : i32
      %cond3A_230 = arith.cmpi ne, %convert_element_type3A_228, %cond3A_229 : i32
      scf.if %cond3A_230 {
        %sub3A = arith.constant 1 : i32
        %sub3A_397 = arith.subi %mul3A_88, %sub3A : i32
        %mul3A_398 = arith.constant 8 : i32
        %mul3A_399 = arith.muli %sub3A_397, %mul3A_398 : i32
        %add3A_400 = arith.addi %mul3A_2, %mul3A_399 : i32
        %dma_wait3A_401 = arith.constant 3 : i32
        %dma_wait3A_402 = arith.constant 0 : i32
        %dma_wait3A_403 = tpu.memref_slice %arg4[%dma_wait3A_401, %add3A_400, %dma_wait3A_402] : memref<4x8192x1024xf32, #tpu.memory_space<hbm>> -> memref<1x8x1024xf32, #tpu.memory_space<hbm>>
        %dma_wait3A_404 = tpu.memref_squeeze %dma_wait3A_403 : memref<1x8x1024xf32, #tpu.memory_space<hbm>> -> memref<8x1024xf32, #tpu.memory_space<hbm>>
        %dma_wait3A_405 = arith.constant 0 : i32
        %dma_wait3A_406 = tpu.memref_slice %arg4[%dma_wait3A_401, %add3A_400, %dma_wait3A_405] : memref<4x8192x1024xf32, #tpu.memory_space<hbm>> -> memref<1x8x1024xf32, #tpu.memory_space<hbm>>
        %dma_wait3A_407 = tpu.memref_squeeze %dma_wait3A_406 : memref<1x8x1024xf32, #tpu.memory_space<hbm>> -> memref<8x1024xf32, #tpu.memory_space<hbm>>
        tpu.wait_dma2 semaphore(%arg32 : memref<!tpu.dma_semaphore, #tpu.memory_space<semaphore_mem>>) src(%arg14 : memref<8x1024xf32, #tpu.memory_space<vmem>>) dst(%dma_wait3A_407 : memref<8x1024xf32, #tpu.memory_space<hbm>>)
      } else {
      }
      %add3A_231 = arith.constant 1 : i32
      %add3A_232 = arith.addi %mul3A_88, %add3A_231 : i32
      %lt3A_233 = arith.constant 32 : i32
      %lt3A_234 = arith.cmpi slt, %add3A_232, %lt3A_233 : i32
      %convert_element_type3A_235 = arith.extui %lt3A_234 : i1 to i32
      %cond3A_236 = arith.constant 0 : i32
      %cond3A_237 = arith.cmpi ne, %convert_element_type3A_235, %cond3A_236 : i32
      scf.if %cond3A_237 {
        %add3A_397 = arith.constant 1 : i32
        %add3A_398 = arith.addi %mul3A_88, %add3A_397 : i32
        %mul3A_399 = arith.constant 8 : i32
        %mul3A_400 = arith.muli %add3A_398, %mul3A_399 : i32
        %add3A_401 = arith.addi %mul3A_2, %mul3A_400 : i32
        %dma_start3A_402 = arith.constant 3 : i32
        %dma_start3A_403 = arith.constant 0 : i32
        %dma_start3A_404 = tpu.memref_slice %arg2[%dma_start3A_402, %add3A_401, %dma_start3A_403] : memref<4x8192x1024xf32, #tpu.memory_space<hbm>> -> memref<1x8x1024xf32, #tpu.memory_space<hbm>>
        %dma_start3A_405 = tpu.memref_squeeze %dma_start3A_404 : memref<1x8x1024xf32, #tpu.memory_space<hbm>> -> memref<8x1024xf32, #tpu.memory_space<hbm>>
        %dma_start3A_406 = arith.constant 0 : i32
        %dma_start3A_407 = tpu.memref_slice %arg2[%dma_start3A_402, %add3A_401, %dma_start3A_406] : memref<4x8192x1024xf32, #tpu.memory_space<hbm>> -> memref<1x8x1024xf32, #tpu.memory_space<hbm>>
        %dma_start3A_408 = tpu.memref_squeeze %dma_start3A_407 : memref<1x8x1024xf32, #tpu.memory_space<hbm>> -> memref<8x1024xf32, #tpu.memory_space<hbm>>
        tpu.enqueue_dma source(%dma_start3A_408 : memref<8x1024xf32, #tpu.memory_space<hbm>>) target(%arg14 : memref<8x1024xf32, #tpu.memory_space<vmem>>) target_semaphore(%arg24 : memref<!tpu.dma_semaphore, #tpu.memory_space<semaphore_mem>>)
      } else {
      }
      %mul3A_238 = arith.constant 2 : i32
      %mul3A_239 = arith.muli %scan3A_85, %mul3A_238 : i32
      %add3A_240 = arith.constant 1 : i32
      %add3A_241 = arith.addi %mul3A_239, %add3A_240 : i32
      %add3A_242 = arith.constant 1 : i32
      %add3A_243 = arith.addi %add3A_241, %add3A_242 : i32
      %lt3A_244 = arith.constant 32 : i32
      %lt3A_245 = arith.cmpi slt, %add3A_243, %lt3A_244 : i32
      %convert_element_type3A_246 = arith.extui %lt3A_245 : i1 to i32
      %cond3A_247 = arith.constant 0 : i32
      %cond3A_248 = arith.cmpi ne, %convert_element_type3A_246, %cond3A_247 : i32
      scf.if %cond3A_248 {
        %add3A_397 = arith.constant 1 : i32
        %add3A_398 = arith.addi %add3A_241, %add3A_397 : i32
        %mul3A_399 = arith.constant 8 : i32
        %mul3A_400 = arith.muli %add3A_398, %mul3A_399 : i32
        %add3A_401 = arith.addi %mul3A_2, %mul3A_400 : i32
        %dma_start3A_402 = arith.constant 0 : i32
        %dma_start3A_403 = tpu.memref_slice %arg3[%add3A_401, %dma_start3A_402] : memref<8192x1024xf32, #tpu.memory_space<hbm>> -> memref<8x1024xf32, #tpu.memory_space<hbm>>
        %dma_start3A_404 = arith.constant 0 : i32
        %dma_start3A_405 = tpu.memref_slice %arg3[%add3A_401, %dma_start3A_404] : memref<8192x1024xf32, #tpu.memory_space<hbm>> -> memref<8x1024xf32, #tpu.memory_space<hbm>>
        tpu.enqueue_dma source(%dma_start3A_405 : memref<8x1024xf32, #tpu.memory_space<hbm>>) target(%arg5 : memref<8x1024xf32, #tpu.memory_space<vmem>>) target_semaphore(%arg15 : memref<!tpu.dma_semaphore, #tpu.memory_space<semaphore_mem>>)
      } else {
      }
      %mul3A_249 = arith.constant 8 : i32
      %mul3A_250 = arith.muli %add3A_241, %mul3A_249 : i32
      %add3A_251 = arith.addi %mul3A_2, %mul3A_250 : i32
      %dma_wait3A_252 = arith.constant 0 : i32
      %dma_wait3A_253 = tpu.memref_slice %arg3[%add3A_251, %dma_wait3A_252] : memref<8192x1024xf32, #tpu.memory_space<hbm>> -> memref<8x1024xf32, #tpu.memory_space<hbm>>
      %dma_wait3A_254 = arith.constant 0 : i32
      %dma_wait3A_255 = tpu.memref_slice %arg3[%add3A_251, %dma_wait3A_254] : memref<8192x1024xf32, #tpu.memory_space<hbm>> -> memref<8x1024xf32, #tpu.memory_space<hbm>>
      tpu.wait_dma2 semaphore(%arg16 : memref<!tpu.dma_semaphore, #tpu.memory_space<semaphore_mem>>) src(%dma_wait3A_255 : memref<8x1024xf32, #tpu.memory_space<hbm>>) dst(%arg6 : memref<8x1024xf32, #tpu.memory_space<vmem>>)
      %mul3A_256 = arith.constant 8 : i32
      %mul3A_257 = arith.muli %add3A_241, %mul3A_256 : i32
      %add3A_258 = arith.addi %mul3A_2, %mul3A_257 : i32
      %dma_wait3A_259 = arith.constant 0 : i32
      %dma_wait3A_260 = arith.constant 0 : i32
      %dma_wait3A_261 = tpu.memref_slice %arg2[%dma_wait3A_259, %add3A_258, %dma_wait3A_260] : memref<4x8192x1024xf32, #tpu.memory_space<hbm>> -> memref<1x8x1024xf32, #tpu.memory_space<hbm>>
      %dma_wait3A_262 = tpu.memref_squeeze %dma_wait3A_261 : memref<1x8x1024xf32, #tpu.memory_space<hbm>> -> memref<8x1024xf32, #tpu.memory_space<hbm>>
      %dma_wait3A_263 = arith.constant 0 : i32
      %dma_wait3A_264 = tpu.memref_slice %arg2[%dma_wait3A_259, %add3A_258, %dma_wait3A_263] : memref<4x8192x1024xf32, #tpu.memory_space<hbm>> -> memref<1x8x1024xf32, #tpu.memory_space<hbm>>
      %dma_wait3A_265 = tpu.memref_squeeze %dma_wait3A_264 : memref<1x8x1024xf32, #tpu.memory_space<hbm>> -> memref<8x1024xf32, #tpu.memory_space<hbm>>
      tpu.wait_dma2 semaphore(%arg18 : memref<!tpu.dma_semaphore, #tpu.memory_space<semaphore_mem>>) src(%dma_wait3A_265 : memref<8x1024xf32, #tpu.memory_space<hbm>>) dst(%arg8 : memref<8x1024xf32, #tpu.memory_space<vmem>>)
      %parallel_loop3A_266 = arith.constant 0 : i32
      %parallel_loop3A_267 = arith.constant 1024 : i32
      %parallel_loop3A_268 = arith.constant 16 : i32
      scf.for %parallel_loop3A_397 = %parallel_loop3A_266 to %parallel_loop3A_267 step %parallel_loop3A_268  : i32 {
        %parallel_loop3A_398 = arith.constant 0 : i32
        %parallel_loop3A_399 = arith.index_cast %parallel_loop3A_398 : i32 to index
        %parallel_loop3A_400 = arith.index_cast %parallel_loop3A_397 : i32 to index
        %parallel_loop3A_401 = tpu.vector_load %arg6[%parallel_loop3A_399, %parallel_loop3A_400] {strides = array<i32>} : memref<8x1024xf32, #tpu.memory_space<vmem>>, vector<1x16xf32>,
        %parallel_loop3A_402 = vector.shape_cast %parallel_loop3A_401 : vector<1x16xf32> to vector<16xf32>
        %parallel_loop3A_403 = arith.constant 0 : i32
        %parallel_loop3A_404 = arith.index_cast %parallel_loop3A_403 : i32 to index
        %parallel_loop3A_405 = arith.index_cast %parallel_loop3A_397 : i32 to index
        %parallel_loop3A_406 = tpu.vector_load %arg8[%parallel_loop3A_404, %parallel_loop3A_405] {strides = array<i32>} : memref<8x1024xf32, #tpu.memory_space<vmem>>, vector<1x16xf32>,
        %parallel_loop3A_407 = vector.shape_cast %parallel_loop3A_406 : vector<1x16xf32> to vector<16xf32>
        %parallel_loop3A_408 = vector.shape_cast %parallel_loop3A_402 : vector<16xf32> to vector<1x16xf32>
        tpu.vector_store %arg8[%parallel_loop3A_404, %parallel_loop3A_405], %parallel_loop3A_408 {add = true, strides = array<i32>} : memref<8x1024xf32, #tpu.memory_space<vmem>>, vector<1x16xf32>,
        %parallel_loop3A_409 = arith.constant 1 : i32
        %parallel_loop3A_410 = arith.index_cast %parallel_loop3A_409 : i32 to index
        %parallel_loop3A_411 = arith.index_cast %parallel_loop3A_397 : i32 to index
        %parallel_loop3A_412 = tpu.vector_load %arg6[%parallel_loop3A_410, %parallel_loop3A_411] {strides = array<i32>} : memref<8x1024xf32, #tpu.memory_space<vmem>>, vector<1x16xf32>,
        %parallel_loop3A_413 = vector.shape_cast %parallel_loop3A_412 : vector<1x16xf32> to vector<16xf32>
        %parallel_loop3A_414 = arith.constant 1 : i32
        %parallel_loop3A_415 = arith.index_cast %parallel_loop3A_414 : i32 to index
        %parallel_loop3A_416 = arith.index_cast %parallel_loop3A_397 : i32 to index
        %parallel_loop3A_417 = tpu.vector_load %arg8[%parallel_loop3A_415, %parallel_loop3A_416] {strides = array<i32>} : memref<8x1024xf32, #tpu.memory_space<vmem>>, vector<1x16xf32>,
        %parallel_loop3A_418 = vector.shape_cast %parallel_loop3A_417 : vector<1x16xf32> to vector<16xf32>
        %parallel_loop3A_419 = vector.shape_cast %parallel_loop3A_413 : vector<16xf32> to vector<1x16xf32>
        tpu.vector_store %arg8[%parallel_loop3A_415, %parallel_loop3A_416], %parallel_loop3A_419 {add = true, strides = array<i32>} : memref<8x1024xf32, #tpu.memory_space<vmem>>, vector<1x16xf32>,
        %parallel_loop3A_420 = arith.constant 2 : i32
        %parallel_loop3A_421 = arith.index_cast %parallel_loop3A_420 : i32 to index
        %parallel_loop3A_422 = arith.index_cast %parallel_loop3A_397 : i32 to index
        %parallel_loop3A_423 = tpu.vector_load %arg6[%parallel_loop3A_421, %parallel_loop3A_422] {strides = array<i32>} : memref<8x1024xf32, #tpu.memory_space<vmem>>, vector<1x16xf32>,
        %parallel_loop3A_424 = vector.shape_cast %parallel_loop3A_423 : vector<1x16xf32> to vector<16xf32>
        %parallel_loop3A_425 = arith.constant 2 : i32
        %parallel_loop3A_426 = arith.index_cast %parallel_loop3A_425 : i32 to index
        %parallel_loop3A_427 = arith.index_cast %parallel_loop3A_397 : i32 to index
        %parallel_loop3A_428 = tpu.vector_load %arg8[%parallel_loop3A_426, %parallel_loop3A_427] {strides = array<i32>} : memref<8x1024xf32, #tpu.memory_space<vmem>>, vector<1x16xf32>,
        %parallel_loop3A_429 = vector.shape_cast %parallel_loop3A_428 : vector<1x16xf32> to vector<16xf32>
        %parallel_loop3A_430 = vector.shape_cast %parallel_loop3A_424 : vector<16xf32> to vector<1x16xf32>
        tpu.vector_store %arg8[%parallel_loop3A_426, %parallel_loop3A_427], %parallel_loop3A_430 {add = true, strides = array<i32>} : memref<8x1024xf32, #tpu.memory_space<vmem>>, vector<1x16xf32>,
        %parallel_loop3A_431 = arith.constant 3 : i32
        %parallel_loop3A_432 = arith.index_cast %parallel_loop3A_431 : i32 to index
        %parallel_loop3A_433 = arith.index_cast %parallel_loop3A_397 : i32 to index
        %parallel_loop3A_434 = tpu.vector_load %arg6[%parallel_loop3A_432, %parallel_loop3A_433] {strides = array<i32>} : memref<8x1024xf32, #tpu.memory_space<vmem>>, vector<1x16xf32>,
        %parallel_loop3A_435 = vector.shape_cast %parallel_loop3A_434 : vector<1x16xf32> to vector<16xf32>
        %parallel_loop3A_436 = arith.constant 3 : i32
        %parallel_loop3A_437 = arith.index_cast %parallel_loop3A_436 : i32 to index
        %parallel_loop3A_438 = arith.index_cast %parallel_loop3A_397 : i32 to index
        %parallel_loop3A_439 = tpu.vector_load %arg8[%parallel_loop3A_437, %parallel_loop3A_438] {strides = array<i32>} : memref<8x1024xf32, #tpu.memory_space<vmem>>, vector<1x16xf32>,
        %parallel_loop3A_440 = vector.shape_cast %parallel_loop3A_439 : vector<1x16xf32> to vector<16xf32>
        %parallel_loop3A_441 = vector.shape_cast %parallel_loop3A_435 : vector<16xf32> to vector<1x16xf32>
        tpu.vector_store %arg8[%parallel_loop3A_437, %parallel_loop3A_438], %parallel_loop3A_441 {add = true, strides = array<i32>} : memref<8x1024xf32, #tpu.memory_space<vmem>>, vector<1x16xf32>,
        %parallel_loop3A_442 = arith.constant 4 : i32
        %parallel_loop3A_443 = arith.index_cast %parallel_loop3A_442 : i32 to index
        %parallel_loop3A_444 = arith.index_cast %parallel_loop3A_397 : i32 to index
        %parallel_loop3A_445 = tpu.vector_load %arg6[%parallel_loop3A_443, %parallel_loop3A_444] {strides = array<i32>} : memref<8x1024xf32, #tpu.memory_space<vmem>>, vector<1x16xf32>,
        %parallel_loop3A_446 = vector.shape_cast %parallel_loop3A_445 : vector<1x16xf32> to vector<16xf32>
        %parallel_loop3A_447 = arith.constant 4 : i32
        %parallel_loop3A_448 = arith.index_cast %parallel_loop3A_447 : i32 to index
        %parallel_loop3A_449 = arith.index_cast %parallel_loop3A_397 : i32 to index
        %parallel_loop3A_450 = tpu.vector_load %arg8[%parallel_loop3A_448, %parallel_loop3A_449] {strides = array<i32>} : memref<8x1024xf32, #tpu.memory_space<vmem>>, vector<1x16xf32>,
        %parallel_loop3A_451 = vector.shape_cast %parallel_loop3A_450 : vector<1x16xf32> to vector<16xf32>
        %parallel_loop3A_452 = vector.shape_cast %parallel_loop3A_446 : vector<16xf32> to vector<1x16xf32>
        tpu.vector_store %arg8[%parallel_loop3A_448, %parallel_loop3A_449], %parallel_loop3A_452 {add = true, strides = array<i32>} : memref<8x1024xf32, #tpu.memory_space<vmem>>, vector<1x16xf32>,
        %parallel_loop3A_453 = arith.constant 5 : i32
        %parallel_loop3A_454 = arith.index_cast %parallel_loop3A_453 : i32 to index
        %parallel_loop3A_455 = arith.index_cast %parallel_loop3A_397 : i32 to index
        %parallel_loop3A_456 = tpu.vector_load %arg6[%parallel_loop3A_454, %parallel_loop3A_455] {strides = array<i32>} : memref<8x1024xf32, #tpu.memory_space<vmem>>, vector<1x16xf32>,
        %parallel_loop3A_457 = vector.shape_cast %parallel_loop3A_456 : vector<1x16xf32> to vector<16xf32>
        %parallel_loop3A_458 = arith.constant 5 : i32
        %parallel_loop3A_459 = arith.index_cast %parallel_loop3A_458 : i32 to index
        %parallel_loop3A_460 = arith.index_cast %parallel_loop3A_397 : i32 to index
        %parallel_loop3A_461 = tpu.vector_load %arg8[%parallel_loop3A_459, %parallel_loop3A_460] {strides = array<i32>} : memref<8x1024xf32, #tpu.memory_space<vmem>>, vector<1x16xf32>,
        %parallel_loop3A_462 = vector.shape_cast %parallel_loop3A_461 : vector<1x16xf32> to vector<16xf32>
        %parallel_loop3A_463 = vector.shape_cast %parallel_loop3A_457 : vector<16xf32> to vector<1x16xf32>
        tpu.vector_store %arg8[%parallel_loop3A_459, %parallel_loop3A_460], %parallel_loop3A_463 {add = true, strides = array<i32>} : memref<8x1024xf32, #tpu.memory_space<vmem>>, vector<1x16xf32>,
        %parallel_loop3A_464 = arith.constant 6 : i32
        %parallel_loop3A_465 = arith.index_cast %parallel_loop3A_464 : i32 to index
        %parallel_loop3A_466 = arith.index_cast %parallel_loop3A_397 : i32 to index
        %parallel_loop3A_467 = tpu.vector_load %arg6[%parallel_loop3A_465, %parallel_loop3A_466] {strides = array<i32>} : memref<8x1024xf32, #tpu.memory_space<vmem>>, vector<1x16xf32>,
        %parallel_loop3A_468 = vector.shape_cast %parallel_loop3A_467 : vector<1x16xf32> to vector<16xf32>
        %parallel_loop3A_469 = arith.constant 6 : i32
        %parallel_loop3A_470 = arith.index_cast %parallel_loop3A_469 : i32 to index
        %parallel_loop3A_471 = arith.index_cast %parallel_loop3A_397 : i32 to index
        %parallel_loop3A_472 = tpu.vector_load %arg8[%parallel_loop3A_470, %parallel_loop3A_471] {strides = array<i32>} : memref<8x1024xf32, #tpu.memory_space<vmem>>, vector<1x16xf32>,
        %parallel_loop3A_473 = vector.shape_cast %parallel_loop3A_472 : vector<1x16xf32> to vector<16xf32>
        %parallel_loop3A_474 = vector.shape_cast %parallel_loop3A_468 : vector<16xf32> to vector<1x16xf32>
        tpu.vector_store %arg8[%parallel_loop3A_470, %parallel_loop3A_471], %parallel_loop3A_474 {add = true, strides = array<i32>} : memref<8x1024xf32, #tpu.memory_space<vmem>>, vector<1x16xf32>,
        %parallel_loop3A_475 = arith.constant 7 : i32
        %parallel_loop3A_476 = arith.index_cast %parallel_loop3A_475 : i32 to index
        %parallel_loop3A_477 = arith.index_cast %parallel_loop3A_397 : i32 to index
        %parallel_loop3A_478 = tpu.vector_load %arg6[%parallel_loop3A_476, %parallel_loop3A_477] {strides = array<i32>} : memref<8x1024xf32, #tpu.memory_space<vmem>>, vector<1x16xf32>,
        %parallel_loop3A_479 = vector.shape_cast %parallel_loop3A_478 : vector<1x16xf32> to vector<16xf32>
        %parallel_loop3A_480 = arith.constant 7 : i32
        %parallel_loop3A_481 = arith.index_cast %parallel_loop3A_480 : i32 to index
        %parallel_loop3A_482 = arith.index_cast %parallel_loop3A_397 : i32 to index
        %parallel_loop3A_483 = tpu.vector_load %arg8[%parallel_loop3A_481, %parallel_loop3A_482] {strides = array<i32>} : memref<8x1024xf32, #tpu.memory_space<vmem>>, vector<1x16xf32>,
        %parallel_loop3A_484 = vector.shape_cast %parallel_loop3A_483 : vector<1x16xf32> to vector<16xf32>
        %parallel_loop3A_485 = vector.shape_cast %parallel_loop3A_479 : vector<16xf32> to vector<1x16xf32>
        tpu.vector_store %arg8[%parallel_loop3A_481, %parallel_loop3A_482], %parallel_loop3A_485 {add = true, strides = array<i32>} : memref<8x1024xf32, #tpu.memory_space<vmem>>, vector<1x16xf32>,
      } {sc.loop_unroll_factor = 1 : i64, sc.parallel_access}
      %mul3A_269 = arith.constant 8 : i32
      %mul3A_270 = arith.muli %add3A_241, %mul3A_269 : i32
      %add3A_271 = arith.addi %mul3A_2, %mul3A_270 : i32
      %dma_start3A_272 = arith.constant 0 : i32
      %dma_start3A_273 = arith.constant 0 : i32
      %dma_start3A_274 = tpu.memref_slice %arg4[%dma_start3A_272, %add3A_271, %dma_start3A_273] : memref<4x8192x1024xf32, #tpu.memory_space<hbm>> -> memref<1x8x1024xf32, #tpu.memory_space<hbm>>
      %dma_start3A_275 = tpu.memref_squeeze %dma_start3A_274 : memref<1x8x1024xf32, #tpu.memory_space<hbm>> -> memref<8x1024xf32, #tpu.memory_space<hbm>>
      %dma_start3A_276 = arith.constant 0 : i32
      %dma_start3A_277 = tpu.memref_slice %arg4[%dma_start3A_272, %add3A_271, %dma_start3A_276] : memref<4x8192x1024xf32, #tpu.memory_space<hbm>> -> memref<1x8x1024xf32, #tpu.memory_space<hbm>>
      %dma_start3A_278 = tpu.memref_squeeze %dma_start3A_277 : memref<1x8x1024xf32, #tpu.memory_space<hbm>> -> memref<8x1024xf32, #tpu.memory_space<hbm>>
      tpu.enqueue_dma source(%arg8 : memref<8x1024xf32, #tpu.memory_space<vmem>>) target(%dma_start3A_278 : memref<8x1024xf32, #tpu.memory_space<hbm>>) target_semaphore(%arg26 : memref<!tpu.dma_semaphore, #tpu.memory_space<semaphore_mem>>)
      %ge3A_279 = arith.constant 1 : i32
      %ge3A_280 = arith.cmpi sge, %add3A_241, %ge3A_279 : i32
      %convert_element_type3A_281 = arith.extui %ge3A_280 : i1 to i32
      %cond3A_282 = arith.constant 0 : i32
      %cond3A_283 = arith.cmpi ne, %convert_element_type3A_281, %cond3A_282 : i32
      scf.if %cond3A_283 {
        %sub3A = arith.constant 1 : i32
        %sub3A_397 = arith.subi %add3A_241, %sub3A : i32
        %mul3A_398 = arith.constant 8 : i32
        %mul3A_399 = arith.muli %sub3A_397, %mul3A_398 : i32
        %add3A_400 = arith.addi %mul3A_2, %mul3A_399 : i32
        %dma_wait3A_401 = arith.constant 0 : i32
        %dma_wait3A_402 = arith.constant 0 : i32
        %dma_wait3A_403 = tpu.memref_slice %arg4[%dma_wait3A_401, %add3A_400, %dma_wait3A_402] : memref<4x8192x1024xf32, #tpu.memory_space<hbm>> -> memref<1x8x1024xf32, #tpu.memory_space<hbm>>
        %dma_wait3A_404 = tpu.memref_squeeze %dma_wait3A_403 : memref<1x8x1024xf32, #tpu.memory_space<hbm>> -> memref<8x1024xf32, #tpu.memory_space<hbm>>
        %dma_wait3A_405 = arith.constant 0 : i32
        %dma_wait3A_406 = tpu.memref_slice %arg4[%dma_wait3A_401, %add3A_400, %dma_wait3A_405] : memref<4x8192x1024xf32, #tpu.memory_space<hbm>> -> memref<1x8x1024xf32, #tpu.memory_space<hbm>>
        %dma_wait3A_407 = tpu.memref_squeeze %dma_wait3A_406 : memref<1x8x1024xf32, #tpu.memory_space<hbm>> -> memref<8x1024xf32, #tpu.memory_space<hbm>>
        tpu.wait_dma2 semaphore(%arg25 : memref<!tpu.dma_semaphore, #tpu.memory_space<semaphore_mem>>) src(%arg7 : memref<8x1024xf32, #tpu.memory_space<vmem>>) dst(%dma_wait3A_407 : memref<8x1024xf32, #tpu.memory_space<hbm>>)
      } else {
      }
      %add3A_284 = arith.constant 1 : i32
      %add3A_285 = arith.addi %add3A_241, %add3A_284 : i32
      %lt3A_286 = arith.constant 32 : i32
      %lt3A_287 = arith.cmpi slt, %add3A_285, %lt3A_286 : i32
      %convert_element_type3A_288 = arith.extui %lt3A_287 : i1 to i32
      %cond3A_289 = arith.constant 0 : i32
      %cond3A_290 = arith.cmpi ne, %convert_element_type3A_288, %cond3A_289 : i32
      scf.if %cond3A_290 {
        %add3A_397 = arith.constant 1 : i32
        %add3A_398 = arith.addi %add3A_241, %add3A_397 : i32
        %mul3A_399 = arith.constant 8 : i32
        %mul3A_400 = arith.muli %add3A_398, %mul3A_399 : i32
        %add3A_401 = arith.addi %mul3A_2, %mul3A_400 : i32
        %dma_start3A_402 = arith.constant 0 : i32
        %dma_start3A_403 = arith.constant 0 : i32
        %dma_start3A_404 = tpu.memref_slice %arg2[%dma_start3A_402, %add3A_401, %dma_start3A_403] : memref<4x8192x1024xf32, #tpu.memory_space<hbm>> -> memref<1x8x1024xf32, #tpu.memory_space<hbm>>
        %dma_start3A_405 = tpu.memref_squeeze %dma_start3A_404 : memref<1x8x1024xf32, #tpu.memory_space<hbm>> -> memref<8x1024xf32, #tpu.memory_space<hbm>>
        %dma_start3A_406 = arith.constant 0 : i32
        %dma_start3A_407 = tpu.memref_slice %arg2[%dma_start3A_402, %add3A_401, %dma_start3A_406] : memref<4x8192x1024xf32, #tpu.memory_space<hbm>> -> memref<1x8x1024xf32, #tpu.memory_space<hbm>>
        %dma_start3A_408 = tpu.memref_squeeze %dma_start3A_407 : memref<1x8x1024xf32, #tpu.memory_space<hbm>> -> memref<8x1024xf32, #tpu.memory_space<hbm>>
        tpu.enqueue_dma source(%dma_start3A_408 : memref<8x1024xf32, #tpu.memory_space<hbm>>) target(%arg7 : memref<8x1024xf32, #tpu.memory_space<vmem>>) target_semaphore(%arg17 : memref<!tpu.dma_semaphore, #tpu.memory_space<semaphore_mem>>)
      } else {
      }
      %mul3A_291 = arith.constant 8 : i32
      %mul3A_292 = arith.muli %add3A_241, %mul3A_291 : i32
      %add3A_293 = arith.addi %mul3A_2, %mul3A_292 : i32
      %dma_wait3A_294 = arith.constant 1 : i32
      %dma_wait3A_295 = arith.constant 0 : i32
      %dma_wait3A_296 = tpu.memref_slice %arg2[%dma_wait3A_294, %add3A_293, %dma_wait3A_295] : memref<4x8192x1024xf32, #tpu.memory_space<hbm>> -> memref<1x8x1024xf32, #tpu.memory_space<hbm>>
      %dma_wait3A_297 = tpu.memref_squeeze %dma_wait3A_296 : memref<1x8x1024xf32, #tpu.memory_space<hbm>> -> memref<8x1024xf32, #tpu.memory_space<hbm>>
      %dma_wait3A_298 = arith.constant 0 : i32
      %dma_wait3A_299 = tpu.memref_slice %arg2[%dma_wait3A_294, %add3A_293, %dma_wait3A_298] : memref<4x8192x1024xf32, #tpu.memory_space<hbm>> -> memref<1x8x1024xf32, #tpu.memory_space<hbm>>
      %dma_wait3A_300 = tpu.memref_squeeze %dma_wait3A_299 : memref<1x8x1024xf32, #tpu.memory_space<hbm>> -> memref<8x1024xf32, #tpu.memory_space<hbm>>
      tpu.wait_dma2 semaphore(%arg20 : memref<!tpu.dma_semaphore, #tpu.memory_space<semaphore_mem>>) src(%dma_wait3A_300 : memref<8x1024xf32, #tpu.memory_space<hbm>>) dst(%arg10 : memref<8x1024xf32, #tpu.memory_space<vmem>>)
      %parallel_loop3A_301 = arith.constant 0 : i32
      %parallel_loop3A_302 = arith.constant 1024 : i32
      %parallel_loop3A_303 = arith.constant 16 : i32
      scf.for %parallel_loop3A_397 = %parallel_loop3A_301 to %parallel_loop3A_302 step %parallel_loop3A_303  : i32 {
        %parallel_loop3A_398 = arith.constant 0 : i32
        %parallel_loop3A_399 = arith.index_cast %parallel_loop3A_398 : i32 to index
        %parallel_loop3A_400 = arith.index_cast %parallel_loop3A_397 : i32 to index
        %parallel_loop3A_401 = tpu.vector_load %arg6[%parallel_loop3A_399, %parallel_loop3A_400] {strides = array<i32>} : memref<8x1024xf32, #tpu.memory_space<vmem>>, vector<1x16xf32>,
        %parallel_loop3A_402 = vector.shape_cast %parallel_loop3A_401 : vector<1x16xf32> to vector<16xf32>
        %parallel_loop3A_403 = arith.constant 0 : i32
        %parallel_loop3A_404 = arith.index_cast %parallel_loop3A_403 : i32 to index
        %parallel_loop3A_405 = arith.index_cast %parallel_loop3A_397 : i32 to index
        %parallel_loop3A_406 = tpu.vector_load %arg10[%parallel_loop3A_404, %parallel_loop3A_405] {strides = array<i32>} : memref<8x1024xf32, #tpu.memory_space<vmem>>, vector<1x16xf32>,
        %parallel_loop3A_407 = vector.shape_cast %parallel_loop3A_406 : vector<1x16xf32> to vector<16xf32>
        %parallel_loop3A_408 = vector.shape_cast %parallel_loop3A_402 : vector<16xf32> to vector<1x16xf32>
        tpu.vector_store %arg10[%parallel_loop3A_404, %parallel_loop3A_405], %parallel_loop3A_408 {add = true, strides = array<i32>} : memref<8x1024xf32, #tpu.memory_space<vmem>>, vector<1x16xf32>,
        %parallel_loop3A_409 = arith.constant 1 : i32
        %parallel_loop3A_410 = arith.index_cast %parallel_loop3A_409 : i32 to index
        %parallel_loop3A_411 = arith.index_cast %parallel_loop3A_397 : i32 to index
        %parallel_loop3A_412 = tpu.vector_load %arg6[%parallel_loop3A_410, %parallel_loop3A_411] {strides = array<i32>} : memref<8x1024xf32, #tpu.memory_space<vmem>>, vector<1x16xf32>,
        %parallel_loop3A_413 = vector.shape_cast %parallel_loop3A_412 : vector<1x16xf32> to vector<16xf32>
        %parallel_loop3A_414 = arith.constant 1 : i32
        %parallel_loop3A_415 = arith.index_cast %parallel_loop3A_414 : i32 to index
        %parallel_loop3A_416 = arith.index_cast %parallel_loop3A_397 : i32 to index
        %parallel_loop3A_417 = tpu.vector_load %arg10[%parallel_loop3A_415, %parallel_loop3A_416] {strides = array<i32>} : memref<8x1024xf32, #tpu.memory_space<vmem>>, vector<1x16xf32>,
        %parallel_loop3A_418 = vector.shape_cast %parallel_loop3A_417 : vector<1x16xf32> to vector<16xf32>
        %parallel_loop3A_419 = vector.shape_cast %parallel_loop3A_413 : vector<16xf32> to vector<1x16xf32>
        tpu.vector_store %arg10[%parallel_loop3A_415, %parallel_loop3A_416], %parallel_loop3A_419 {add = true, strides = array<i32>} : memref<8x1024xf32, #tpu.memory_space<vmem>>, vector<1x16xf32>,
        %parallel_loop3A_420 = arith.constant 2 : i32
        %parallel_loop3A_421 = arith.index_cast %parallel_loop3A_420 : i32 to index
        %parallel_loop3A_422 = arith.index_cast %parallel_loop3A_397 : i32 to index
        %parallel_loop3A_423 = tpu.vector_load %arg6[%parallel_loop3A_421, %parallel_loop3A_422] {strides = array<i32>} : memref<8x1024xf32, #tpu.memory_space<vmem>>, vector<1x16xf32>,
        %parallel_loop3A_424 = vector.shape_cast %parallel_loop3A_423 : vector<1x16xf32> to vector<16xf32>
        %parallel_loop3A_425 = arith.constant 2 : i32
        %parallel_loop3A_426 = arith.index_cast %parallel_loop3A_425 : i32 to index
        %parallel_loop3A_427 = arith.index_cast %parallel_loop3A_397 : i32 to index
        %parallel_loop3A_428 = tpu.vector_load %arg10[%parallel_loop3A_426, %parallel_loop3A_427] {strides = array<i32>} : memref<8x1024xf32, #tpu.memory_space<vmem>>, vector<1x16xf32>,
        %parallel_loop3A_429 = vector.shape_cast %parallel_loop3A_428 : vector<1x16xf32> to vector<16xf32>
        %parallel_loop3A_430 = vector.shape_cast %parallel_loop3A_424 : vector<16xf32> to vector<1x16xf32>
        tpu.vector_store %arg10[%parallel_loop3A_426, %parallel_loop3A_427], %parallel_loop3A_430 {add = true, strides = array<i32>} : memref<8x1024xf32, #tpu.memory_space<vmem>>, vector<1x16xf32>,
        %parallel_loop3A_431 = arith.constant 3 : i32
        %parallel_loop3A_432 = arith.index_cast %parallel_loop3A_431 : i32 to index
        %parallel_loop3A_433 = arith.index_cast %parallel_loop3A_397 : i32 to index
        %parallel_loop3A_434 = tpu.vector_load %arg6[%parallel_loop3A_432, %parallel_loop3A_433] {strides = array<i32>} : memref<8x1024xf32, #tpu.memory_space<vmem>>, vector<1x16xf32>,
        %parallel_loop3A_435 = vector.shape_cast %parallel_loop3A_434 : vector<1x16xf32> to vector<16xf32>
        %parallel_loop3A_436 = arith.constant 3 : i32
        %parallel_loop3A_437 = arith.index_cast %parallel_loop3A_436 : i32 to index
        %parallel_loop3A_438 = arith.index_cast %parallel_loop3A_397 : i32 to index
        %parallel_loop3A_439 = tpu.vector_load %arg10[%parallel_loop3A_437, %parallel_loop3A_438] {strides = array<i32>} : memref<8x1024xf32, #tpu.memory_space<vmem>>, vector<1x16xf32>,
        %parallel_loop3A_440 = vector.shape_cast %parallel_loop3A_439 : vector<1x16xf32> to vector<16xf32>
        %parallel_loop3A_441 = vector.shape_cast %parallel_loop3A_435 : vector<16xf32> to vector<1x16xf32>
        tpu.vector_store %arg10[%parallel_loop3A_437, %parallel_loop3A_438], %parallel_loop3A_441 {add = true, strides = array<i32>} : memref<8x1024xf32, #tpu.memory_space<vmem>>, vector<1x16xf32>,
        %parallel_loop3A_442 = arith.constant 4 : i32
        %parallel_loop3A_443 = arith.index_cast %parallel_loop3A_442 : i32 to index
        %parallel_loop3A_444 = arith.index_cast %parallel_loop3A_397 : i32 to index
        %parallel_loop3A_445 = tpu.vector_load %arg6[%parallel_loop3A_443, %parallel_loop3A_444] {strides = array<i32>} : memref<8x1024xf32, #tpu.memory_space<vmem>>, vector<1x16xf32>,
        %parallel_loop3A_446 = vector.shape_cast %parallel_loop3A_445 : vector<1x16xf32> to vector<16xf32>
        %parallel_loop3A_447 = arith.constant 4 : i32
        %parallel_loop3A_448 = arith.index_cast %parallel_loop3A_447 : i32 to index
        %parallel_loop3A_449 = arith.index_cast %parallel_loop3A_397 : i32 to index
        %parallel_loop3A_450 = tpu.vector_load %arg10[%parallel_loop3A_448, %parallel_loop3A_449] {strides = array<i32>} : memref<8x1024xf32, #tpu.memory_space<vmem>>, vector<1x16xf32>,
        %parallel_loop3A_451 = vector.shape_cast %parallel_loop3A_450 : vector<1x16xf32> to vector<16xf32>
        %parallel_loop3A_452 = vector.shape_cast %parallel_loop3A_446 : vector<16xf32> to vector<1x16xf32>
        tpu.vector_store %arg10[%parallel_loop3A_448, %parallel_loop3A_449], %parallel_loop3A_452 {add = true, strides = array<i32>} : memref<8x1024xf32, #tpu.memory_space<vmem>>, vector<1x16xf32>,
        %parallel_loop3A_453 = arith.constant 5 : i32
        %parallel_loop3A_454 = arith.index_cast %parallel_loop3A_453 : i32 to index
        %parallel_loop3A_455 = arith.index_cast %parallel_loop3A_397 : i32 to index
        %parallel_loop3A_456 = tpu.vector_load %arg6[%parallel_loop3A_454, %parallel_loop3A_455] {strides = array<i32>} : memref<8x1024xf32, #tpu.memory_space<vmem>>, vector<1x16xf32>,
        %parallel_loop3A_457 = vector.shape_cast %parallel_loop3A_456 : vector<1x16xf32> to vector<16xf32>
        %parallel_loop3A_458 = arith.constant 5 : i32
        %parallel_loop3A_459 = arith.index_cast %parallel_loop3A_458 : i32 to index
        %parallel_loop3A_460 = arith.index_cast %parallel_loop3A_397 : i32 to index
        %parallel_loop3A_461 = tpu.vector_load %arg10[%parallel_loop3A_459, %parallel_loop3A_460] {strides = array<i32>} : memref<8x1024xf32, #tpu.memory_space<vmem>>, vector<1x16xf32>,
        %parallel_loop3A_462 = vector.shape_cast %parallel_loop3A_461 : vector<1x16xf32> to vector<16xf32>
        %parallel_loop3A_463 = vector.shape_cast %parallel_loop3A_457 : vector<16xf32> to vector<1x16xf32>
        tpu.vector_store %arg10[%parallel_loop3A_459, %parallel_loop3A_460], %parallel_loop3A_463 {add = true, strides = array<i32>} : memref<8x1024xf32, #tpu.memory_space<vmem>>, vector<1x16xf32>,
        %parallel_loop3A_464 = arith.constant 6 : i32
        %parallel_loop3A_465 = arith.index_cast %parallel_loop3A_464 : i32 to index
        %parallel_loop3A_466 = arith.index_cast %parallel_loop3A_397 : i32 to index
        %parallel_loop3A_467 = tpu.vector_load %arg6[%parallel_loop3A_465, %parallel_loop3A_466] {strides = array<i32>} : memref<8x1024xf32, #tpu.memory_space<vmem>>, vector<1x16xf32>,
        %parallel_loop3A_468 = vector.shape_cast %parallel_loop3A_467 : vector<1x16xf32> to vector<16xf32>
        %parallel_loop3A_469 = arith.constant 6 : i32
        %parallel_loop3A_470 = arith.index_cast %parallel_loop3A_469 : i32 to index
        %parallel_loop3A_471 = arith.index_cast %parallel_loop3A_397 : i32 to index
        %parallel_loop3A_472 = tpu.vector_load %arg10[%parallel_loop3A_470, %parallel_loop3A_471] {strides = array<i32>} : memref<8x1024xf32, #tpu.memory_space<vmem>>, vector<1x16xf32>,
        %parallel_loop3A_473 = vector.shape_cast %parallel_loop3A_472 : vector<1x16xf32> to vector<16xf32>
        %parallel_loop3A_474 = vector.shape_cast %parallel_loop3A_468 : vector<16xf32> to vector<1x16xf32>
        tpu.vector_store %arg10[%parallel_loop3A_470, %parallel_loop3A_471], %parallel_loop3A_474 {add = true, strides = array<i32>} : memref<8x1024xf32, #tpu.memory_space<vmem>>, vector<1x16xf32>,
        %parallel_loop3A_475 = arith.constant 7 : i32
        %parallel_loop3A_476 = arith.index_cast %parallel_loop3A_475 : i32 to index
        %parallel_loop3A_477 = arith.index_cast %parallel_loop3A_397 : i32 to index
        %parallel_loop3A_478 = tpu.vector_load %arg6[%parallel_loop3A_476, %parallel_loop3A_477] {strides = array<i32>} : memref<8x1024xf32, #tpu.memory_space<vmem>>, vector<1x16xf32>,
        %parallel_loop3A_479 = vector.shape_cast %parallel_loop3A_478 : vector<1x16xf32> to vector<16xf32>
        %parallel_loop3A_480 = arith.constant 7 : i32
        %parallel_loop3A_481 = arith.index_cast %parallel_loop3A_480 : i32 to index
        %parallel_loop3A_482 = arith.index_cast %parallel_loop3A_397 : i32 to index
        %parallel_loop3A_483 = tpu.vector_load %arg10[%parallel_loop3A_481, %parallel_loop3A_482] {strides = array<i32>} : memref<8x1024xf32, #tpu.memory_space<vmem>>, vector<1x16xf32>,
        %parallel_loop3A_484 = vector.shape_cast %parallel_loop3A_483 : vector<1x16xf32> to vector<16xf32>
        %parallel_loop3A_485 = vector.shape_cast %parallel_loop3A_479 : vector<16xf32> to vector<1x16xf32>
        tpu.vector_store %arg10[%parallel_loop3A_481, %parallel_loop3A_482], %parallel_loop3A_485 {add = true, strides = array<i32>} : memref<8x1024xf32, #tpu.memory_space<vmem>>, vector<1x16xf32>,
      } {sc.loop_unroll_factor = 1 : i64, sc.parallel_access}
      %mul3A_304 = arith.constant 8 : i32
      %mul3A_305 = arith.muli %add3A_241, %mul3A_304 : i32
      %add3A_306 = arith.addi %mul3A_2, %mul3A_305 : i32
      %dma_start3A_307 = arith.constant 1 : i32
      %dma_start3A_308 = arith.constant 0 : i32
      %dma_start3A_309 = tpu.memref_slice %arg4[%dma_start3A_307, %add3A_306, %dma_start3A_308] : memref<4x8192x1024xf32, #tpu.memory_space<hbm>> -> memref<1x8x1024xf32, #tpu.memory_space<hbm>>
      %dma_start3A_310 = tpu.memref_squeeze %dma_start3A_309 : memref<1x8x1024xf32, #tpu.memory_space<hbm>> -> memref<8x1024xf32, #tpu.memory_space<hbm>>
      %dma_start3A_311 = arith.constant 0 : i32
      %dma_start3A_312 = tpu.memref_slice %arg4[%dma_start3A_307, %add3A_306, %dma_start3A_311] : memref<4x8192x1024xf32, #tpu.memory_space<hbm>> -> memref<1x8x1024xf32, #tpu.memory_space<hbm>>
      %dma_start3A_313 = tpu.memref_squeeze %dma_start3A_312 : memref<1x8x1024xf32, #tpu.memory_space<hbm>> -> memref<8x1024xf32, #tpu.memory_space<hbm>>
      tpu.enqueue_dma source(%arg10 : memref<8x1024xf32, #tpu.memory_space<vmem>>) target(%dma_start3A_313 : memref<8x1024xf32, #tpu.memory_space<hbm>>) target_semaphore(%arg28 : memref<!tpu.dma_semaphore, #tpu.memory_space<semaphore_mem>>)
      %ge3A_314 = arith.constant 1 : i32
      %ge3A_315 = arith.cmpi sge, %add3A_241, %ge3A_314 : i32
      %convert_element_type3A_316 = arith.extui %ge3A_315 : i1 to i32
      %cond3A_317 = arith.constant 0 : i32
      %cond3A_318 = arith.cmpi ne, %convert_element_type3A_316, %cond3A_317 : i32
      scf.if %cond3A_318 {
        %sub3A = arith.constant 1 : i32
        %sub3A_397 = arith.subi %add3A_241, %sub3A : i32
        %mul3A_398 = arith.constant 8 : i32
        %mul3A_399 = arith.muli %sub3A_397, %mul3A_398 : i32
        %add3A_400 = arith.addi %mul3A_2, %mul3A_399 : i32
        %dma_wait3A_401 = arith.constant 1 : i32
        %dma_wait3A_402 = arith.constant 0 : i32
        %dma_wait3A_403 = tpu.memref_slice %arg4[%dma_wait3A_401, %add3A_400, %dma_wait3A_402] : memref<4x8192x1024xf32, #tpu.memory_space<hbm>> -> memref<1x8x1024xf32, #tpu.memory_space<hbm>>
        %dma_wait3A_404 = tpu.memref_squeeze %dma_wait3A_403 : memref<1x8x1024xf32, #tpu.memory_space<hbm>> -> memref<8x1024xf32, #tpu.memory_space<hbm>>
        %dma_wait3A_405 = arith.constant 0 : i32
        %dma_wait3A_406 = tpu.memref_slice %arg4[%dma_wait3A_401, %add3A_400, %dma_wait3A_405] : memref<4x8192x1024xf32, #tpu.memory_space<hbm>> -> memref<1x8x1024xf32, #tpu.memory_space<hbm>>
        %dma_wait3A_407 = tpu.memref_squeeze %dma_wait3A_406 : memref<1x8x1024xf32, #tpu.memory_space<hbm>> -> memref<8x1024xf32, #tpu.memory_space<hbm>>
        tpu.wait_dma2 semaphore(%arg27 : memref<!tpu.dma_semaphore, #tpu.memory_space<semaphore_mem>>) src(%arg9 : memref<8x1024xf32, #tpu.memory_space<vmem>>) dst(%dma_wait3A_407 : memref<8x1024xf32, #tpu.memory_space<hbm>>)
      } else {
      }
      %add3A_319 = arith.constant 1 : i32
      %add3A_320 = arith.addi %add3A_241, %add3A_319 : i32
      %lt3A_321 = arith.constant 32 : i32
      %lt3A_322 = arith.cmpi slt, %add3A_320, %lt3A_321 : i32
      %convert_element_type3A_323 = arith.extui %lt3A_322 : i1 to i32
      %cond3A_324 = arith.constant 0 : i32
      %cond3A_325 = arith.cmpi ne, %convert_element_type3A_323, %cond3A_324 : i32
      scf.if %cond3A_325 {
        %add3A_397 = arith.constant 1 : i32
        %add3A_398 = arith.addi %add3A_241, %add3A_397 : i32
        %mul3A_399 = arith.constant 8 : i32
        %mul3A_400 = arith.muli %add3A_398, %mul3A_399 : i32
        %add3A_401 = arith.addi %mul3A_2, %mul3A_400 : i32
        %dma_start3A_402 = arith.constant 1 : i32
        %dma_start3A_403 = arith.constant 0 : i32
        %dma_start3A_404 = tpu.memref_slice %arg2[%dma_start3A_402, %add3A_401, %dma_start3A_403] : memref<4x8192x1024xf32, #tpu.memory_space<hbm>> -> memref<1x8x1024xf32, #tpu.memory_space<hbm>>
        %dma_start3A_405 = tpu.memref_squeeze %dma_start3A_404 : memref<1x8x1024xf32, #tpu.memory_space<hbm>> -> memref<8x1024xf32, #tpu.memory_space<hbm>>
        %dma_start3A_406 = arith.constant 0 : i32
        %dma_start3A_407 = tpu.memref_slice %arg2[%dma_start3A_402, %add3A_401, %dma_start3A_406] : memref<4x8192x1024xf32, #tpu.memory_space<hbm>> -> memref<1x8x1024xf32, #tpu.memory_space<hbm>>
        %dma_start3A_408 = tpu.memref_squeeze %dma_start3A_407 : memref<1x8x1024xf32, #tpu.memory_space<hbm>> -> memref<8x1024xf32, #tpu.memory_space<hbm>>
        tpu.enqueue_dma source(%dma_start3A_408 : memref<8x1024xf32, #tpu.memory_space<hbm>>) target(%arg9 : memref<8x1024xf32, #tpu.memory_space<vmem>>) target_semaphore(%arg19 : memref<!tpu.dma_semaphore, #tpu.memory_space<semaphore_mem>>)
      } else {
      }
      %mul3A_326 = arith.constant 8 : i32
      %mul3A_327 = arith.muli %add3A_241, %mul3A_326 : i32
      %add3A_328 = arith.addi %mul3A_2, %mul3A_327 : i32
      %dma_wait3A_329 = arith.constant 2 : i32
      %dma_wait3A_330 = arith.constant 0 : i32
      %dma_wait3A_331 = tpu.memref_slice %arg2[%dma_wait3A_329, %add3A_328, %dma_wait3A_330] : memref<4x8192x1024xf32, #tpu.memory_space<hbm>> -> memref<1x8x1024xf32, #tpu.memory_space<hbm>>
      %dma_wait3A_332 = tpu.memref_squeeze %dma_wait3A_331 : memref<1x8x1024xf32, #tpu.memory_space<hbm>> -> memref<8x1024xf32, #tpu.memory_space<hbm>>
      %dma_wait3A_333 = arith.constant 0 : i32
      %dma_wait3A_334 = tpu.memref_slice %arg2[%dma_wait3A_329, %add3A_328, %dma_wait3A_333] : memref<4x8192x1024xf32, #tpu.memory_space<hbm>> -> memref<1x8x1024xf32, #tpu.memory_space<hbm>>
      %dma_wait3A_335 = tpu.memref_squeeze %dma_wait3A_334 : memref<1x8x1024xf32, #tpu.memory_space<hbm>> -> memref<8x1024xf32, #tpu.memory_space<hbm>>
      tpu.wait_dma2 semaphore(%arg22 : memref<!tpu.dma_semaphore, #tpu.memory_space<semaphore_mem>>) src(%dma_wait3A_335 : memref<8x1024xf32, #tpu.memory_space<hbm>>) dst(%arg12 : memref<8x1024xf32, #tpu.memory_space<vmem>>)
      %parallel_loop3A_336 = arith.constant 0 : i32
      %parallel_loop3A_337 = arith.constant 1024 : i32
      %parallel_loop3A_338 = arith.constant 16 : i32
      scf.for %parallel_loop3A_397 = %parallel_loop3A_336 to %parallel_loop3A_337 step %parallel_loop3A_338  : i32 {
        %parallel_loop3A_398 = arith.constant 0 : i32
        %parallel_loop3A_399 = arith.index_cast %parallel_loop3A_398 : i32 to index
        %parallel_loop3A_400 = arith.index_cast %parallel_loop3A_397 : i32 to index
        %parallel_loop3A_401 = tpu.vector_load %arg6[%parallel_loop3A_399, %parallel_loop3A_400] {strides = array<i32>} : memref<8x1024xf32, #tpu.memory_space<vmem>>, vector<1x16xf32>,
        %parallel_loop3A_402 = vector.shape_cast %parallel_loop3A_401 : vector<1x16xf32> to vector<16xf32>
        %parallel_loop3A_403 = arith.constant 0 : i32
        %parallel_loop3A_404 = arith.index_cast %parallel_loop3A_403 : i32 to index
        %parallel_loop3A_405 = arith.index_cast %parallel_loop3A_397 : i32 to index
        %parallel_loop3A_406 = tpu.vector_load %arg12[%parallel_loop3A_404, %parallel_loop3A_405] {strides = array<i32>} : memref<8x1024xf32, #tpu.memory_space<vmem>>, vector<1x16xf32>,
        %parallel_loop3A_407 = vector.shape_cast %parallel_loop3A_406 : vector<1x16xf32> to vector<16xf32>
        %parallel_loop3A_408 = vector.shape_cast %parallel_loop3A_402 : vector<16xf32> to vector<1x16xf32>
        tpu.vector_store %arg12[%parallel_loop3A_404, %parallel_loop3A_405], %parallel_loop3A_408 {add = true, strides = array<i32>} : memref<8x1024xf32, #tpu.memory_space<vmem>>, vector<1x16xf32>,
        %parallel_loop3A_409 = arith.constant 1 : i32
        %parallel_loop3A_410 = arith.index_cast %parallel_loop3A_409 : i32 to index
        %parallel_loop3A_411 = arith.index_cast %parallel_loop3A_397 : i32 to index
        %parallel_loop3A_412 = tpu.vector_load %arg6[%parallel_loop3A_410, %parallel_loop3A_411] {strides = array<i32>} : memref<8x1024xf32, #tpu.memory_space<vmem>>, vector<1x16xf32>,
        %parallel_loop3A_413 = vector.shape_cast %parallel_loop3A_412 : vector<1x16xf32> to vector<16xf32>
        %parallel_loop3A_414 = arith.constant 1 : i32
        %parallel_loop3A_415 = arith.index_cast %parallel_loop3A_414 : i32 to index
        %parallel_loop3A_416 = arith.index_cast %parallel_loop3A_397 : i32 to index
        %parallel_loop3A_417 = tpu.vector_load %arg12[%parallel_loop3A_415, %parallel_loop3A_416] {strides = array<i32>} : memref<8x1024xf32, #tpu.memory_space<vmem>>, vector<1x16xf32>,
        %parallel_loop3A_418 = vector.shape_cast %parallel_loop3A_417 : vector<1x16xf32> to vector<16xf32>
        %parallel_loop3A_419 = vector.shape_cast %parallel_loop3A_413 : vector<16xf32> to vector<1x16xf32>
        tpu.vector_store %arg12[%parallel_loop3A_415, %parallel_loop3A_416], %parallel_loop3A_419 {add = true, strides = array<i32>} : memref<8x1024xf32, #tpu.memory_space<vmem>>, vector<1x16xf32>,
        %parallel_loop3A_420 = arith.constant 2 : i32
        %parallel_loop3A_421 = arith.index_cast %parallel_loop3A_420 : i32 to index
        %parallel_loop3A_422 = arith.index_cast %parallel_loop3A_397 : i32 to index
        %parallel_loop3A_423 = tpu.vector_load %arg6[%parallel_loop3A_421, %parallel_loop3A_422] {strides = array<i32>} : memref<8x1024xf32, #tpu.memory_space<vmem>>, vector<1x16xf32>,
        %parallel_loop3A_424 = vector.shape_cast %parallel_loop3A_423 : vector<1x16xf32> to vector<16xf32>
        %parallel_loop3A_425 = arith.constant 2 : i32
        %parallel_loop3A_426 = arith.index_cast %parallel_loop3A_425 : i32 to index
        %parallel_loop3A_427 = arith.index_cast %parallel_loop3A_397 : i32 to index
        %parallel_loop3A_428 = tpu.vector_load %arg12[%parallel_loop3A_426, %parallel_loop3A_427] {strides = array<i32>} : memref<8x1024xf32, #tpu.memory_space<vmem>>, vector<1x16xf32>,
        %parallel_loop3A_429 = vector.shape_cast %parallel_loop3A_428 : vector<1x16xf32> to vector<16xf32>
        %parallel_loop3A_430 = vector.shape_cast %parallel_loop3A_424 : vector<16xf32> to vector<1x16xf32>
        tpu.vector_store %arg12[%parallel_loop3A_426, %parallel_loop3A_427], %parallel_loop3A_430 {add = true, strides = array<i32>} : memref<8x1024xf32, #tpu.memory_space<vmem>>, vector<1x16xf32>,
        %parallel_loop3A_431 = arith.constant 3 : i32
        %parallel_loop3A_432 = arith.index_cast %parallel_loop3A_431 : i32 to index
        %parallel_loop3A_433 = arith.index_cast %parallel_loop3A_397 : i32 to index
        %parallel_loop3A_434 = tpu.vector_load %arg6[%parallel_loop3A_432, %parallel_loop3A_433] {strides = array<i32>} : memref<8x1024xf32, #tpu.memory_space<vmem>>, vector<1x16xf32>,
        %parallel_loop3A_435 = vector.shape_cast %parallel_loop3A_434 : vector<1x16xf32> to vector<16xf32>
        %parallel_loop3A_436 = arith.constant 3 : i32
        %parallel_loop3A_437 = arith.index_cast %parallel_loop3A_436 : i32 to index
        %parallel_loop3A_438 = arith.index_cast %parallel_loop3A_397 : i32 to index
        %parallel_loop3A_439 = tpu.vector_load %arg12[%parallel_loop3A_437, %parallel_loop3A_438] {strides = array<i32>} : memref<8x1024xf32, #tpu.memory_space<vmem>>, vector<1x16xf32>,
        %parallel_loop3A_440 = vector.shape_cast %parallel_loop3A_439 : vector<1x16xf32> to vector<16xf32>
        %parallel_loop3A_441 = vector.shape_cast %parallel_loop3A_435 : vector<16xf32> to vector<1x16xf32>
        tpu.vector_store %arg12[%parallel_loop3A_437, %parallel_loop3A_438], %parallel_loop3A_441 {add = true, strides = array<i32>} : memref<8x1024xf32, #tpu.memory_space<vmem>>, vector<1x16xf32>,
        %parallel_loop3A_442 = arith.constant 4 : i32
        %parallel_loop3A_443 = arith.index_cast %parallel_loop3A_442 : i32 to index
        %parallel_loop3A_444 = arith.index_cast %parallel_loop3A_397 : i32 to index
        %parallel_loop3A_445 = tpu.vector_load %arg6[%parallel_loop3A_443, %parallel_loop3A_444] {strides = array<i32>} : memref<8x1024xf32, #tpu.memory_space<vmem>>, vector<1x16xf32>,
        %parallel_loop3A_446 = vector.shape_cast %parallel_loop3A_445 : vector<1x16xf32> to vector<16xf32>
        %parallel_loop3A_447 = arith.constant 4 : i32
        %parallel_loop3A_448 = arith.index_cast %parallel_loop3A_447 : i32 to index
        %parallel_loop3A_449 = arith.index_cast %parallel_loop3A_397 : i32 to index
        %parallel_loop3A_450 = tpu.vector_load %arg12[%parallel_loop3A_448, %parallel_loop3A_449] {strides = array<i32>} : memref<8x1024xf32, #tpu.memory_space<vmem>>, vector<1x16xf32>,
        %parallel_loop3A_451 = vector.shape_cast %parallel_loop3A_450 : vector<1x16xf32> to vector<16xf32>
        %parallel_loop3A_452 = vector.shape_cast %parallel_loop3A_446 : vector<16xf32> to vector<1x16xf32>
        tpu.vector_store %arg12[%parallel_loop3A_448, %parallel_loop3A_449], %parallel_loop3A_452 {add = true, strides = array<i32>} : memref<8x1024xf32, #tpu.memory_space<vmem>>, vector<1x16xf32>,
        %parallel_loop3A_453 = arith.constant 5 : i32
        %parallel_loop3A_454 = arith.index_cast %parallel_loop3A_453 : i32 to index
        %parallel_loop3A_455 = arith.index_cast %parallel_loop3A_397 : i32 to index
        %parallel_loop3A_456 = tpu.vector_load %arg6[%parallel_loop3A_454, %parallel_loop3A_455] {strides = array<i32>} : memref<8x1024xf32, #tpu.memory_space<vmem>>, vector<1x16xf32>,
        %parallel_loop3A_457 = vector.shape_cast %parallel_loop3A_456 : vector<1x16xf32> to vector<16xf32>
        %parallel_loop3A_458 = arith.constant 5 : i32
        %parallel_loop3A_459 = arith.index_cast %parallel_loop3A_458 : i32 to index
        %parallel_loop3A_460 = arith.index_cast %parallel_loop3A_397 : i32 to index
        %parallel_loop3A_461 = tpu.vector_load %arg12[%parallel_loop3A_459, %parallel_loop3A_460] {strides = array<i32>} : memref<8x1024xf32, #tpu.memory_space<vmem>>, vector<1x16xf32>,
        %parallel_loop3A_462 = vector.shape_cast %parallel_loop3A_461 : vector<1x16xf32> to vector<16xf32>
        %parallel_loop3A_463 = vector.shape_cast %parallel_loop3A_457 : vector<16xf32> to vector<1x16xf32>
        tpu.vector_store %arg12[%parallel_loop3A_459, %parallel_loop3A_460], %parallel_loop3A_463 {add = true, strides = array<i32>} : memref<8x1024xf32, #tpu.memory_space<vmem>>, vector<1x16xf32>,
        %parallel_loop3A_464 = arith.constant 6 : i32
        %parallel_loop3A_465 = arith.index_cast %parallel_loop3A_464 : i32 to index
        %parallel_loop3A_466 = arith.index_cast %parallel_loop3A_397 : i32 to index
        %parallel_loop3A_467 = tpu.vector_load %arg6[%parallel_loop3A_465, %parallel_loop3A_466] {strides = array<i32>} : memref<8x1024xf32, #tpu.memory_space<vmem>>, vector<1x16xf32>,
        %parallel_loop3A_468 = vector.shape_cast %parallel_loop3A_467 : vector<1x16xf32> to vector<16xf32>
        %parallel_loop3A_469 = arith.constant 6 : i32
        %parallel_loop3A_470 = arith.index_cast %parallel_loop3A_469 : i32 to index
        %parallel_loop3A_471 = arith.index_cast %parallel_loop3A_397 : i32 to index
        %parallel_loop3A_472 = tpu.vector_load %arg12[%parallel_loop3A_470, %parallel_loop3A_471] {strides = array<i32>} : memref<8x1024xf32, #tpu.memory_space<vmem>>, vector<1x16xf32>,
        %parallel_loop3A_473 = vector.shape_cast %parallel_loop3A_472 : vector<1x16xf32> to vector<16xf32>
        %parallel_loop3A_474 = vector.shape_cast %parallel_loop3A_468 : vector<16xf32> to vector<1x16xf32>
        tpu.vector_store %arg12[%parallel_loop3A_470, %parallel_loop3A_471], %parallel_loop3A_474 {add = true, strides = array<i32>} : memref<8x1024xf32, #tpu.memory_space<vmem>>, vector<1x16xf32>,
        %parallel_loop3A_475 = arith.constant 7 : i32
        %parallel_loop3A_476 = arith.index_cast %parallel_loop3A_475 : i32 to index
        %parallel_loop3A_477 = arith.index_cast %parallel_loop3A_397 : i32 to index
        %parallel_loop3A_478 = tpu.vector_load %arg6[%parallel_loop3A_476, %parallel_loop3A_477] {strides = array<i32>} : memref<8x1024xf32, #tpu.memory_space<vmem>>, vector<1x16xf32>,
        %parallel_loop3A_479 = vector.shape_cast %parallel_loop3A_478 : vector<1x16xf32> to vector<16xf32>
        %parallel_loop3A_480 = arith.constant 7 : i32
        %parallel_loop3A_481 = arith.index_cast %parallel_loop3A_480 : i32 to index
        %parallel_loop3A_482 = arith.index_cast %parallel_loop3A_397 : i32 to index
        %parallel_loop3A_483 = tpu.vector_load %arg12[%parallel_loop3A_481, %parallel_loop3A_482] {strides = array<i32>} : memref<8x1024xf32, #tpu.memory_space<vmem>>, vector<1x16xf32>,
        %parallel_loop3A_484 = vector.shape_cast %parallel_loop3A_483 : vector<1x16xf32> to vector<16xf32>
        %parallel_loop3A_485 = vector.shape_cast %parallel_loop3A_479 : vector<16xf32> to vector<1x16xf32>
        tpu.vector_store %arg12[%parallel_loop3A_481, %parallel_loop3A_482], %parallel_loop3A_485 {add = true, strides = array<i32>} : memref<8x1024xf32, #tpu.memory_space<vmem>>, vector<1x16xf32>,
      } {sc.loop_unroll_factor = 1 : i64, sc.parallel_access}
      %mul3A_339 = arith.constant 8 : i32
      %mul3A_340 = arith.muli %add3A_241, %mul3A_339 : i32
      %add3A_341 = arith.addi %mul3A_2, %mul3A_340 : i32
      %dma_start3A_342 = arith.constant 2 : i32
      %dma_start3A_343 = arith.constant 0 : i32
      %dma_start3A_344 = tpu.memref_slice %arg4[%dma_start3A_342, %add3A_341, %dma_start3A_343] : memref<4x8192x1024xf32, #tpu.memory_space<hbm>> -> memref<1x8x1024xf32, #tpu.memory_space<hbm>>
      %dma_start3A_345 = tpu.memref_squeeze %dma_start3A_344 : memref<1x8x1024xf32, #tpu.memory_space<hbm>> -> memref<8x1024xf32, #tpu.memory_space<hbm>>
      %dma_start3A_346 = arith.constant 0 : i32
      %dma_start3A_347 = tpu.memref_slice %arg4[%dma_start3A_342, %add3A_341, %dma_start3A_346] : memref<4x8192x1024xf32, #tpu.memory_space<hbm>> -> memref<1x8x1024xf32, #tpu.memory_space<hbm>>
      %dma_start3A_348 = tpu.memref_squeeze %dma_start3A_347 : memref<1x8x1024xf32, #tpu.memory_space<hbm>> -> memref<8x1024xf32, #tpu.memory_space<hbm>>
      tpu.enqueue_dma source(%arg12 : memref<8x1024xf32, #tpu.memory_space<vmem>>) target(%dma_start3A_348 : memref<8x1024xf32, #tpu.memory_space<hbm>>) target_semaphore(%arg30 : memref<!tpu.dma_semaphore, #tpu.memory_space<semaphore_mem>>)
      %ge3A_349 = arith.constant 1 : i32
      %ge3A_350 = arith.cmpi sge, %add3A_241, %ge3A_349 : i32
      %convert_element_type3A_351 = arith.extui %ge3A_350 : i1 to i32
      %cond3A_352 = arith.constant 0 : i32
      %cond3A_353 = arith.cmpi ne, %convert_element_type3A_351, %cond3A_352 : i32
      scf.if %cond3A_353 {
        %sub3A = arith.constant 1 : i32
        %sub3A_397 = arith.subi %add3A_241, %sub3A : i32
        %mul3A_398 = arith.constant 8 : i32
        %mul3A_399 = arith.muli %sub3A_397, %mul3A_398 : i32
        %add3A_400 = arith.addi %mul3A_2, %mul3A_399 : i32
        %dma_wait3A_401 = arith.constant 2 : i32
        %dma_wait3A_402 = arith.constant 0 : i32
        %dma_wait3A_403 = tpu.memref_slice %arg4[%dma_wait3A_401, %add3A_400, %dma_wait3A_402] : memref<4x8192x1024xf32, #tpu.memory_space<hbm>> -> memref<1x8x1024xf32, #tpu.memory_space<hbm>>
        %dma_wait3A_404 = tpu.memref_squeeze %dma_wait3A_403 : memref<1x8x1024xf32, #tpu.memory_space<hbm>> -> memref<8x1024xf32, #tpu.memory_space<hbm>>
        %dma_wait3A_405 = arith.constant 0 : i32
        %dma_wait3A_406 = tpu.memref_slice %arg4[%dma_wait3A_401, %add3A_400, %dma_wait3A_405] : memref<4x8192x1024xf32, #tpu.memory_space<hbm>> -> memref<1x8x1024xf32, #tpu.memory_space<hbm>>
        %dma_wait3A_407 = tpu.memref_squeeze %dma_wait3A_406 : memref<1x8x1024xf32, #tpu.memory_space<hbm>> -> memref<8x1024xf32, #tpu.memory_space<hbm>>
        tpu.wait_dma2 semaphore(%arg29 : memref<!tpu.dma_semaphore, #tpu.memory_space<semaphore_mem>>) src(%arg11 : memref<8x1024xf32, #tpu.memory_space<vmem>>) dst(%dma_wait3A_407 : memref<8x1024xf32, #tpu.memory_space<hbm>>)
      } else {
      }
      %add3A_354 = arith.constant 1 : i32
      %add3A_355 = arith.addi %add3A_241, %add3A_354 : i32
      %lt3A_356 = arith.constant 32 : i32
      %lt3A_357 = arith.cmpi slt, %add3A_355, %lt3A_356 : i32
      %convert_element_type3A_358 = arith.extui %lt3A_357 : i1 to i32
      %cond3A_359 = arith.constant 0 : i32
      %cond3A_360 = arith.cmpi ne, %convert_element_type3A_358, %cond3A_359 : i32
      scf.if %cond3A_360 {
        %add3A_397 = arith.constant 1 : i32
        %add3A_398 = arith.addi %add3A_241, %add3A_397 : i32
        %mul3A_399 = arith.constant 8 : i32
        %mul3A_400 = arith.muli %add3A_398, %mul3A_399 : i32
        %add3A_401 = arith.addi %mul3A_2, %mul3A_400 : i32
        %dma_start3A_402 = arith.constant 2 : i32
        %dma_start3A_403 = arith.constant 0 : i32
        %dma_start3A_404 = tpu.memref_slice %arg2[%dma_start3A_402, %add3A_401, %dma_start3A_403] : memref<4x8192x1024xf32, #tpu.memory_space<hbm>> -> memref<1x8x1024xf32, #tpu.memory_space<hbm>>
        %dma_start3A_405 = tpu.memref_squeeze %dma_start3A_404 : memref<1x8x1024xf32, #tpu.memory_space<hbm>> -> memref<8x1024xf32, #tpu.memory_space<hbm>>
        %dma_start3A_406 = arith.constant 0 : i32
        %dma_start3A_407 = tpu.memref_slice %arg2[%dma_start3A_402, %add3A_401, %dma_start3A_406] : memref<4x8192x1024xf32, #tpu.memory_space<hbm>> -> memref<1x8x1024xf32, #tpu.memory_space<hbm>>
        %dma_start3A_408 = tpu.memref_squeeze %dma_start3A_407 : memref<1x8x1024xf32, #tpu.memory_space<hbm>> -> memref<8x1024xf32, #tpu.memory_space<hbm>>
        tpu.enqueue_dma source(%dma_start3A_408 : memref<8x1024xf32, #tpu.memory_space<hbm>>) target(%arg11 : memref<8x1024xf32, #tpu.memory_space<vmem>>) target_semaphore(%arg21 : memref<!tpu.dma_semaphore, #tpu.memory_space<semaphore_mem>>)
      } else {
      }
      %mul3A_361 = arith.constant 8 : i32
      %mul3A_362 = arith.muli %add3A_241, %mul3A_361 : i32
      %add3A_363 = arith.addi %mul3A_2, %mul3A_362 : i32
      %dma_wait3A_364 = arith.constant 3 : i32
      %dma_wait3A_365 = arith.constant 0 : i32
      %dma_wait3A_366 = tpu.memref_slice %arg2[%dma_wait3A_364, %add3A_363, %dma_wait3A_365] : memref<4x8192x1024xf32, #tpu.memory_space<hbm>> -> memref<1x8x1024xf32, #tpu.memory_space<hbm>>
      %dma_wait3A_367 = tpu.memref_squeeze %dma_wait3A_366 : memref<1x8x1024xf32, #tpu.memory_space<hbm>> -> memref<8x1024xf32, #tpu.memory_space<hbm>>
      %dma_wait3A_368 = arith.constant 0 : i32
      %dma_wait3A_369 = tpu.memref_slice %arg2[%dma_wait3A_364, %add3A_363, %dma_wait3A_368] : memref<4x8192x1024xf32, #tpu.memory_space<hbm>> -> memref<1x8x1024xf32, #tpu.memory_space<hbm>>
      %dma_wait3A_370 = tpu.memref_squeeze %dma_wait3A_369 : memref<1x8x1024xf32, #tpu.memory_space<hbm>> -> memref<8x1024xf32, #tpu.memory_space<hbm>>
      tpu.wait_dma2 semaphore(%arg24 : memref<!tpu.dma_semaphore, #tpu.memory_space<semaphore_mem>>) src(%dma_wait3A_370 : memref<8x1024xf32, #tpu.memory_space<hbm>>) dst(%arg14 : memref<8x1024xf32, #tpu.memory_space<vmem>>)
      %parallel_loop3A_371 = arith.constant 0 : i32
      %parallel_loop3A_372 = arith.constant 1024 : i32
      %parallel_loop3A_373 = arith.constant 16 : i32
      scf.for %parallel_loop3A_397 = %parallel_loop3A_371 to %parallel_loop3A_372 step %parallel_loop3A_373  : i32 {
        %parallel_loop3A_398 = arith.constant 0 : i32
        %parallel_loop3A_399 = arith.index_cast %parallel_loop3A_398 : i32 to index
        %parallel_loop3A_400 = arith.index_cast %parallel_loop3A_397 : i32 to index
        %parallel_loop3A_401 = tpu.vector_load %arg6[%parallel_loop3A_399, %parallel_loop3A_400] {strides = array<i32>} : memref<8x1024xf32, #tpu.memory_space<vmem>>, vector<1x16xf32>,
        %parallel_loop3A_402 = vector.shape_cast %parallel_loop3A_401 : vector<1x16xf32> to vector<16xf32>
        %parallel_loop3A_403 = arith.constant 0 : i32
        %parallel_loop3A_404 = arith.index_cast %parallel_loop3A_403 : i32 to index
        %parallel_loop3A_405 = arith.index_cast %parallel_loop3A_397 : i32 to index
        %parallel_loop3A_406 = tpu.vector_load %arg14[%parallel_loop3A_404, %parallel_loop3A_405] {strides = array<i32>} : memref<8x1024xf32, #tpu.memory_space<vmem>>, vector<1x16xf32>,
        %parallel_loop3A_407 = vector.shape_cast %parallel_loop3A_406 : vector<1x16xf32> to vector<16xf32>
        %parallel_loop3A_408 = vector.shape_cast %parallel_loop3A_402 : vector<16xf32> to vector<1x16xf32>
        tpu.vector_store %arg14[%parallel_loop3A_404, %parallel_loop3A_405], %parallel_loop3A_408 {add = true, strides = array<i32>} : memref<8x1024xf32, #tpu.memory_space<vmem>>, vector<1x16xf32>,
        %parallel_loop3A_409 = arith.constant 1 : i32
        %parallel_loop3A_410 = arith.index_cast %parallel_loop3A_409 : i32 to index
        %parallel_loop3A_411 = arith.index_cast %parallel_loop3A_397 : i32 to index
        %parallel_loop3A_412 = tpu.vector_load %arg6[%parallel_loop3A_410, %parallel_loop3A_411] {strides = array<i32>} : memref<8x1024xf32, #tpu.memory_space<vmem>>, vector<1x16xf32>,
        %parallel_loop3A_413 = vector.shape_cast %parallel_loop3A_412 : vector<1x16xf32> to vector<16xf32>
        %parallel_loop3A_414 = arith.constant 1 : i32
        %parallel_loop3A_415 = arith.index_cast %parallel_loop3A_414 : i32 to index
        %parallel_loop3A_416 = arith.index_cast %parallel_loop3A_397 : i32 to index
        %parallel_loop3A_417 = tpu.vector_load %arg14[%parallel_loop3A_415, %parallel_loop3A_416] {strides = array<i32>} : memref<8x1024xf32, #tpu.memory_space<vmem>>, vector<1x16xf32>,
        %parallel_loop3A_418 = vector.shape_cast %parallel_loop3A_417 : vector<1x16xf32> to vector<16xf32>
        %parallel_loop3A_419 = vector.shape_cast %parallel_loop3A_413 : vector<16xf32> to vector<1x16xf32>
        tpu.vector_store %arg14[%parallel_loop3A_415, %parallel_loop3A_416], %parallel_loop3A_419 {add = true, strides = array<i32>} : memref<8x1024xf32, #tpu.memory_space<vmem>>, vector<1x16xf32>,
        %parallel_loop3A_420 = arith.constant 2 : i32
        %parallel_loop3A_421 = arith.index_cast %parallel_loop3A_420 : i32 to index
        %parallel_loop3A_422 = arith.index_cast %parallel_loop3A_397 : i32 to index
        %parallel_loop3A_423 = tpu.vector_load %arg6[%parallel_loop3A_421, %parallel_loop3A_422] {strides = array<i32>} : memref<8x1024xf32, #tpu.memory_space<vmem>>, vector<1x16xf32>,
        %parallel_loop3A_424 = vector.shape_cast %parallel_loop3A_423 : vector<1x16xf32> to vector<16xf32>
        %parallel_loop3A_425 = arith.constant 2 : i32
        %parallel_loop3A_426 = arith.index_cast %parallel_loop3A_425 : i32 to index
        %parallel_loop3A_427 = arith.index_cast %parallel_loop3A_397 : i32 to index
        %parallel_loop3A_428 = tpu.vector_load %arg14[%parallel_loop3A_426, %parallel_loop3A_427] {strides = array<i32>} : memref<8x1024xf32, #tpu.memory_space<vmem>>, vector<1x16xf32>,
        %parallel_loop3A_429 = vector.shape_cast %parallel_loop3A_428 : vector<1x16xf32> to vector<16xf32>
        %parallel_loop3A_430 = vector.shape_cast %parallel_loop3A_424 : vector<16xf32> to vector<1x16xf32>
        tpu.vector_store %arg14[%parallel_loop3A_426, %parallel_loop3A_427], %parallel_loop3A_430 {add = true, strides = array<i32>} : memref<8x1024xf32, #tpu.memory_space<vmem>>, vector<1x16xf32>,
        %parallel_loop3A_431 = arith.constant 3 : i32
        %parallel_loop3A_432 = arith.index_cast %parallel_loop3A_431 : i32 to index
        %parallel_loop3A_433 = arith.index_cast %parallel_loop3A_397 : i32 to index
        %parallel_loop3A_434 = tpu.vector_load %arg6[%parallel_loop3A_432, %parallel_loop3A_433] {strides = array<i32>} : memref<8x1024xf32, #tpu.memory_space<vmem>>, vector<1x16xf32>,
        %parallel_loop3A_435 = vector.shape_cast %parallel_loop3A_434 : vector<1x16xf32> to vector<16xf32>
        %parallel_loop3A_436 = arith.constant 3 : i32
        %parallel_loop3A_437 = arith.index_cast %parallel_loop3A_436 : i32 to index
        %parallel_loop3A_438 = arith.index_cast %parallel_loop3A_397 : i32 to index
        %parallel_loop3A_439 = tpu.vector_load %arg14[%parallel_loop3A_437, %parallel_loop3A_438] {strides = array<i32>} : memref<8x1024xf32, #tpu.memory_space<vmem>>, vector<1x16xf32>,
        %parallel_loop3A_440 = vector.shape_cast %parallel_loop3A_439 : vector<1x16xf32> to vector<16xf32>
        %parallel_loop3A_441 = vector.shape_cast %parallel_loop3A_435 : vector<16xf32> to vector<1x16xf32>
        tpu.vector_store %arg14[%parallel_loop3A_437, %parallel_loop3A_438], %parallel_loop3A_441 {add = true, strides = array<i32>} : memref<8x1024xf32, #tpu.memory_space<vmem>>, vector<1x16xf32>,
        %parallel_loop3A_442 = arith.constant 4 : i32
        %parallel_loop3A_443 = arith.index_cast %parallel_loop3A_442 : i32 to index
        %parallel_loop3A_444 = arith.index_cast %parallel_loop3A_397 : i32 to index
        %parallel_loop3A_445 = tpu.vector_load %arg6[%parallel_loop3A_443, %parallel_loop3A_444] {strides = array<i32>} : memref<8x1024xf32, #tpu.memory_space<vmem>>, vector<1x16xf32>,
        %parallel_loop3A_446 = vector.shape_cast %parallel_loop3A_445 : vector<1x16xf32> to vector<16xf32>
        %parallel_loop3A_447 = arith.constant 4 : i32
        %parallel_loop3A_448 = arith.index_cast %parallel_loop3A_447 : i32 to index
        %parallel_loop3A_449 = arith.index_cast %parallel_loop3A_397 : i32 to index
        %parallel_loop3A_450 = tpu.vector_load %arg14[%parallel_loop3A_448, %parallel_loop3A_449] {strides = array<i32>} : memref<8x1024xf32, #tpu.memory_space<vmem>>, vector<1x16xf32>,
        %parallel_loop3A_451 = vector.shape_cast %parallel_loop3A_450 : vector<1x16xf32> to vector<16xf32>
        %parallel_loop3A_452 = vector.shape_cast %parallel_loop3A_446 : vector<16xf32> to vector<1x16xf32>
        tpu.vector_store %arg14[%parallel_loop3A_448, %parallel_loop3A_449], %parallel_loop3A_452 {add = true, strides = array<i32>} : memref<8x1024xf32, #tpu.memory_space<vmem>>, vector<1x16xf32>,
        %parallel_loop3A_453 = arith.constant 5 : i32
        %parallel_loop3A_454 = arith.index_cast %parallel_loop3A_453 : i32 to index
        %parallel_loop3A_455 = arith.index_cast %parallel_loop3A_397 : i32 to index
        %parallel_loop3A_456 = tpu.vector_load %arg6[%parallel_loop3A_454, %parallel_loop3A_455] {strides = array<i32>} : memref<8x1024xf32, #tpu.memory_space<vmem>>, vector<1x16xf32>,
        %parallel_loop3A_457 = vector.shape_cast %parallel_loop3A_456 : vector<1x16xf32> to vector<16xf32>
        %parallel_loop3A_458 = arith.constant 5 : i32
        %parallel_loop3A_459 = arith.index_cast %parallel_loop3A_458 : i32 to index
        %parallel_loop3A_460 = arith.index_cast %parallel_loop3A_397 : i32 to index
        %parallel_loop3A_461 = tpu.vector_load %arg14[%parallel_loop3A_459, %parallel_loop3A_460] {strides = array<i32>} : memref<8x1024xf32, #tpu.memory_space<vmem>>, vector<1x16xf32>,
        %parallel_loop3A_462 = vector.shape_cast %parallel_loop3A_461 : vector<1x16xf32> to vector<16xf32>
        %parallel_loop3A_463 = vector.shape_cast %parallel_loop3A_457 : vector<16xf32> to vector<1x16xf32>
        tpu.vector_store %arg14[%parallel_loop3A_459, %parallel_loop3A_460], %parallel_loop3A_463 {add = true, strides = array<i32>} : memref<8x1024xf32, #tpu.memory_space<vmem>>, vector<1x16xf32>,
        %parallel_loop3A_464 = arith.constant 6 : i32
        %parallel_loop3A_465 = arith.index_cast %parallel_loop3A_464 : i32 to index
        %parallel_loop3A_466 = arith.index_cast %parallel_loop3A_397 : i32 to index
        %parallel_loop3A_467 = tpu.vector_load %arg6[%parallel_loop3A_465, %parallel_loop3A_466] {strides = array<i32>} : memref<8x1024xf32, #tpu.memory_space<vmem>>, vector<1x16xf32>,
        %parallel_loop3A_468 = vector.shape_cast %parallel_loop3A_467 : vector<1x16xf32> to vector<16xf32>
        %parallel_loop3A_469 = arith.constant 6 : i32
        %parallel_loop3A_470 = arith.index_cast %parallel_loop3A_469 : i32 to index
        %parallel_loop3A_471 = arith.index_cast %parallel_loop3A_397 : i32 to index
        %parallel_loop3A_472 = tpu.vector_load %arg14[%parallel_loop3A_470, %parallel_loop3A_471] {strides = array<i32>} : memref<8x1024xf32, #tpu.memory_space<vmem>>, vector<1x16xf32>,
        %parallel_loop3A_473 = vector.shape_cast %parallel_loop3A_472 : vector<1x16xf32> to vector<16xf32>
        %parallel_loop3A_474 = vector.shape_cast %parallel_loop3A_468 : vector<16xf32> to vector<1x16xf32>
        tpu.vector_store %arg14[%parallel_loop3A_470, %parallel_loop3A_471], %parallel_loop3A_474 {add = true, strides = array<i32>} : memref<8x1024xf32, #tpu.memory_space<vmem>>, vector<1x16xf32>,
        %parallel_loop3A_475 = arith.constant 7 : i32
        %parallel_loop3A_476 = arith.index_cast %parallel_loop3A_475 : i32 to index
        %parallel_loop3A_477 = arith.index_cast %parallel_loop3A_397 : i32 to index
        %parallel_loop3A_478 = tpu.vector_load %arg6[%parallel_loop3A_476, %parallel_loop3A_477] {strides = array<i32>} : memref<8x1024xf32, #tpu.memory_space<vmem>>, vector<1x16xf32>,
        %parallel_loop3A_479 = vector.shape_cast %parallel_loop3A_478 : vector<1x16xf32> to vector<16xf32>
        %parallel_loop3A_480 = arith.constant 7 : i32
        %parallel_loop3A_481 = arith.index_cast %parallel_loop3A_480 : i32 to index
        %parallel_loop3A_482 = arith.index_cast %parallel_loop3A_397 : i32 to index
        %parallel_loop3A_483 = tpu.vector_load %arg14[%parallel_loop3A_481, %parallel_loop3A_482] {strides = array<i32>} : memref<8x1024xf32, #tpu.memory_space<vmem>>, vector<1x16xf32>,
        %parallel_loop3A_484 = vector.shape_cast %parallel_loop3A_483 : vector<1x16xf32> to vector<16xf32>
        %parallel_loop3A_485 = vector.shape_cast %parallel_loop3A_479 : vector<16xf32> to vector<1x16xf32>
        tpu.vector_store %arg14[%parallel_loop3A_481, %parallel_loop3A_482], %parallel_loop3A_485 {add = true, strides = array<i32>} : memref<8x1024xf32, #tpu.memory_space<vmem>>, vector<1x16xf32>,
      } {sc.loop_unroll_factor = 1 : i64, sc.parallel_access}
      %mul3A_374 = arith.constant 8 : i32
      %mul3A_375 = arith.muli %add3A_241, %mul3A_374 : i32
      %add3A_376 = arith.addi %mul3A_2, %mul3A_375 : i32
      %dma_start3A_377 = arith.constant 3 : i32
      %dma_start3A_378 = arith.constant 0 : i32
      %dma_start3A_379 = tpu.memref_slice %arg4[%dma_start3A_377, %add3A_376, %dma_start3A_378] : memref<4x8192x1024xf32, #tpu.memory_space<hbm>> -> memref<1x8x1024xf32, #tpu.memory_space<hbm>>
      %dma_start3A_380 = tpu.memref_squeeze %dma_start3A_379 : memref<1x8x1024xf32, #tpu.memory_space<hbm>> -> memref<8x1024xf32, #tpu.memory_space<hbm>>
      %dma_start3A_381 = arith.constant 0 : i32
      %dma_start3A_382 = tpu.memref_slice %arg4[%dma_start3A_377, %add3A_376, %dma_start3A_381] : memref<4x8192x1024xf32, #tpu.memory_space<hbm>> -> memref<1x8x1024xf32, #tpu.memory_space<hbm>>
      %dma_start3A_383 = tpu.memref_squeeze %dma_start3A_382 : memref<1x8x1024xf32, #tpu.memory_space<hbm>> -> memref<8x1024xf32, #tpu.memory_space<hbm>>
      tpu.enqueue_dma source(%arg14 : memref<8x1024xf32, #tpu.memory_space<vmem>>) target(%dma_start3A_383 : memref<8x1024xf32, #tpu.memory_space<hbm>>) target_semaphore(%arg32 : memref<!tpu.dma_semaphore, #tpu.memory_space<semaphore_mem>>)
      %ge3A_384 = arith.constant 1 : i32
      %ge3A_385 = arith.cmpi sge, %add3A_241, %ge3A_384 : i32
      %convert_element_type3A_386 = arith.extui %ge3A_385 : i1 to i32
      %cond3A_387 = arith.constant 0 : i32
      %cond3A_388 = arith.cmpi ne, %convert_element_type3A_386, %cond3A_387 : i32
      scf.if %cond3A_388 {
        %sub3A = arith.constant 1 : i32
        %sub3A_397 = arith.subi %add3A_241, %sub3A : i32
        %mul3A_398 = arith.constant 8 : i32
        %mul3A_399 = arith.muli %sub3A_397, %mul3A_398 : i32
        %add3A_400 = arith.addi %mul3A_2, %mul3A_399 : i32
        %dma_wait3A_401 = arith.constant 3 : i32
        %dma_wait3A_402 = arith.constant 0 : i32
        %dma_wait3A_403 = tpu.memref_slice %arg4[%dma_wait3A_401, %add3A_400, %dma_wait3A_402] : memref<4x8192x1024xf32, #tpu.memory_space<hbm>> -> memref<1x8x1024xf32, #tpu.memory_space<hbm>>
        %dma_wait3A_404 = tpu.memref_squeeze %dma_wait3A_403 : memref<1x8x1024xf32, #tpu.memory_space<hbm>> -> memref<8x1024xf32, #tpu.memory_space<hbm>>
        %dma_wait3A_405 = arith.constant 0 : i32
        %dma_wait3A_406 = tpu.memref_slice %arg4[%dma_wait3A_401, %add3A_400, %dma_wait3A_405] : memref<4x8192x1024xf32, #tpu.memory_space<hbm>> -> memref<1x8x1024xf32, #tpu.memory_space<hbm>>
        %dma_wait3A_407 = tpu.memref_squeeze %dma_wait3A_406 : memref<1x8x1024xf32, #tpu.memory_space<hbm>> -> memref<8x1024xf32, #tpu.memory_space<hbm>>
        tpu.wait_dma2 semaphore(%arg31 : memref<!tpu.dma_semaphore, #tpu.memory_space<semaphore_mem>>) src(%arg13 : memref<8x1024xf32, #tpu.memory_space<vmem>>) dst(%dma_wait3A_407 : memref<8x1024xf32, #tpu.memory_space<hbm>>)
      } else {
      }
      %add3A_389 = arith.constant 1 : i32
      %add3A_390 = arith.addi %add3A_241, %add3A_389 : i32
      %lt3A_391 = arith.constant 32 : i32
      %lt3A_392 = arith.cmpi slt, %add3A_390, %lt3A_391 : i32
      %convert_element_type3A_393 = arith.extui %lt3A_392 : i1 to i32
      %cond3A_394 = arith.constant 0 : i32
      %cond3A_395 = arith.cmpi ne, %convert_element_type3A_393, %cond3A_394 : i32
      scf.if %cond3A_395 {
        %add3A_397 = arith.constant 1 : i32
        %add3A_398 = arith.addi %add3A_241, %add3A_397 : i32
        %mul3A_399 = arith.constant 8 : i32
        %mul3A_400 = arith.muli %add3A_398, %mul3A_399 : i32
        %add3A_401 = arith.addi %mul3A_2, %mul3A_400 : i32
        %dma_start3A_402 = arith.constant 3 : i32
        %dma_start3A_403 = arith.constant 0 : i32
        %dma_start3A_404 = tpu.memref_slice %arg2[%dma_start3A_402, %add3A_401, %dma_start3A_403] : memref<4x8192x1024xf32, #tpu.memory_space<hbm>> -> memref<1x8x1024xf32, #tpu.memory_space<hbm>>
        %dma_start3A_405 = tpu.memref_squeeze %dma_start3A_404 : memref<1x8x1024xf32, #tpu.memory_space<hbm>> -> memref<8x1024xf32, #tpu.memory_space<hbm>>
        %dma_start3A_406 = arith.constant 0 : i32
        %dma_start3A_407 = tpu.memref_slice %arg2[%dma_start3A_402, %add3A_401, %dma_start3A_406] : memref<4x8192x1024xf32, #tpu.memory_space<hbm>> -> memref<1x8x1024xf32, #tpu.memory_space<hbm>>
        %dma_start3A_408 = tpu.memref_squeeze %dma_start3A_407 : memref<1x8x1024xf32, #tpu.memory_space<hbm>> -> memref<8x1024xf32, #tpu.memory_space<hbm>>
        tpu.enqueue_dma source(%dma_start3A_408 : memref<8x1024xf32, #tpu.memory_space<hbm>>) target(%arg13 : memref<8x1024xf32, #tpu.memory_space<vmem>>) target_semaphore(%arg23 : memref<!tpu.dma_semaphore, #tpu.memory_space<semaphore_mem>>)
      } else {
      }
      %scan3A_396 = arith.constant 0 : i32
      scf.yield %scan3A_396 : i32
    }
    %scan3A_49 = arith.constant 16 : i32
    %add3A_50 = arith.constant 248 : i32
    %add3A_51 = arith.addi %mul3A_2, %add3A_50 : i32
    %dma_wait3A = arith.constant 0 : i32
    %dma_wait3A_52 = arith.constant 0 : i32
    %dma_wait3A_53 = tpu.memref_slice %arg4[%dma_wait3A, %add3A_51, %dma_wait3A_52] : memref<4x8192x1024xf32, #tpu.memory_space<hbm>> -> memref<1x8x1024xf32, #tpu.memory_space<hbm>>
    %dma_wait3A_54 = tpu.memref_squeeze %dma_wait3A_53 : memref<1x8x1024xf32, #tpu.memory_space<hbm>> -> memref<8x1024xf32, #tpu.memory_space<hbm>>
    %dma_wait3A_55 = arith.constant 0 : i32
    %dma_wait3A_56 = tpu.memref_slice %arg4[%dma_wait3A, %add3A_51, %dma_wait3A_55] : memref<4x8192x1024xf32, #tpu.memory_space<hbm>> -> memref<1x8x1024xf32, #tpu.memory_space<hbm>>
    %dma_wait3A_57 = tpu.memref_squeeze %dma_wait3A_56 : memref<1x8x1024xf32, #tpu.memory_space<hbm>> -> memref<8x1024xf32, #tpu.memory_space<hbm>>
    tpu.wait_dma2 semaphore(%arg26 : memref<!tpu.dma_semaphore, #tpu.memory_space<semaphore_mem>>) src(%arg8 : memref<8x1024xf32, #tpu.memory_space<vmem>>) dst(%dma_wait3A_57 : memref<8x1024xf32, #tpu.memory_space<hbm>>)
    %add3A_58 = arith.constant 248 : i32
    %add3A_59 = arith.addi %mul3A_2, %add3A_58 : i32
    %dma_wait3A_60 = arith.constant 1 : i32
    %dma_wait3A_61 = arith.constant 0 : i32
    %dma_wait3A_62 = tpu.memref_slice %arg4[%dma_wait3A_60, %add3A_59, %dma_wait3A_61] : memref<4x8192x1024xf32, #tpu.memory_space<hbm>> -> memref<1x8x1024xf32, #tpu.memory_space<hbm>>
    %dma_wait3A_63 = tpu.memref_squeeze %dma_wait3A_62 : memref<1x8x1024xf32, #tpu.memory_space<hbm>> -> memref<8x1024xf32, #tpu.memory_space<hbm>>
    %dma_wait3A_64 = arith.constant 0 : i32
    %dma_wait3A_65 = tpu.memref_slice %arg4[%dma_wait3A_60, %add3A_59, %dma_wait3A_64] : memref<4x8192x1024xf32, #tpu.memory_space<hbm>> -> memref<1x8x1024xf32, #tpu.memory_space<hbm>>
    %dma_wait3A_66 = tpu.memref_squeeze %dma_wait3A_65 : memref<1x8x1024xf32, #tpu.memory_space<hbm>> -> memref<8x1024xf32, #tpu.memory_space<hbm>>
    tpu.wait_dma2 semaphore(%arg28 : memref<!tpu.dma_semaphore, #tpu.memory_space<semaphore_mem>>) src(%arg10 : memref<8x1024xf32, #tpu.memory_space<vmem>>) dst(%dma_wait3A_66 : memref<8x1024xf32, #tpu.memory_space<hbm>>)
    %add3A_67 = arith.constant 248 : i32
    %add3A_68 = arith.addi %mul3A_2, %add3A_67 : i32
    %dma_wait3A_69 = arith.constant 2 : i32
    %dma_wait3A_70 = arith.constant 0 : i32
    %dma_wait3A_71 = tpu.memref_slice %arg4[%dma_wait3A_69, %add3A_68, %dma_wait3A_70] : memref<4x8192x1024xf32, #tpu.memory_space<hbm>> -> memref<1x8x1024xf32, #tpu.memory_space<hbm>>
    %dma_wait3A_72 = tpu.memref_squeeze %dma_wait3A_71 : memref<1x8x1024xf32, #tpu.memory_space<hbm>> -> memref<8x1024xf32, #tpu.memory_space<hbm>>
    %dma_wait3A_73 = arith.constant 0 : i32
    %dma_wait3A_74 = tpu.memref_slice %arg4[%dma_wait3A_69, %add3A_68, %dma_wait3A_73] : memref<4x8192x1024xf32, #tpu.memory_space<hbm>> -> memref<1x8x1024xf32, #tpu.memory_space<hbm>>
    %dma_wait3A_75 = tpu.memref_squeeze %dma_wait3A_74 : memref<1x8x1024xf32, #tpu.memory_space<hbm>> -> memref<8x1024xf32, #tpu.memory_space<hbm>>
    tpu.wait_dma2 semaphore(%arg30 : memref<!tpu.dma_semaphore, #tpu.memory_space<semaphore_mem>>) src(%arg12 : memref<8x1024xf32, #tpu.memory_space<vmem>>) dst(%dma_wait3A_75 : memref<8x1024xf32, #tpu.memory_space<hbm>>)
    %add3A_76 = arith.constant 248 : i32
    %add3A_77 = arith.addi %mul3A_2, %add3A_76 : i32
    %dma_wait3A_78 = arith.constant 3 : i32
    %dma_wait3A_79 = arith.constant 0 : i32
    %dma_wait3A_80 = tpu.memref_slice %arg4[%dma_wait3A_78, %add3A_77, %dma_wait3A_79] : memref<4x8192x1024xf32, #tpu.memory_space<hbm>> -> memref<1x8x1024xf32, #tpu.memory_space<hbm>>
    %dma_wait3A_81 = tpu.memref_squeeze %dma_wait3A_80 : memref<1x8x1024xf32, #tpu.memory_space<hbm>> -> memref<8x1024xf32, #tpu.memory_space<hbm>>
    %dma_wait3A_82 = arith.constant 0 : i32
    %dma_wait3A_83 = tpu.memref_slice %arg4[%dma_wait3A_78, %add3A_77, %dma_wait3A_82] : memref<4x8192x1024xf32, #tpu.memory_space<hbm>> -> memref<1x8x1024xf32, #tpu.memory_space<hbm>>
    %dma_wait3A_84 = tpu.memref_squeeze %dma_wait3A_83 : memref<1x8x1024xf32, #tpu.memory_space<hbm>> -> memref<8x1024xf32, #tpu.memory_space<hbm>>
    tpu.wait_dma2 semaphore(%arg32 : memref<!tpu.dma_semaphore, #tpu.memory_space<semaphore_mem>>) src(%arg14 : memref<8x1024xf32, #tpu.memory_space<vmem>>) dst(%dma_wait3A_84 : memref<8x1024xf32, #tpu.memory_space<hbm>>)
    return
  }
}

</mosaic_0001>

<sc_bundles>
// kernel: kernel.3.cloned.1.call-start
scs
__scs_entry_jumppad:
0x0: {  	(pc) =	sbr.rel $0x88, $3  }
0x1: {  	(tag) =	ssettag $0x0;
	lr =	simm.s32 $0x1  }
0x2: {  	[smem:$0x3F9F] =	sst lr;
	_ =	strace $0xD0000000  }
0x3: {  	_ = 	snop  }
0x4: {  	_ = 	snop  }
0x5: {  	_ = 	snop  }
0x6: {  	_ = 	snop  }
0x7: {  	_ = 	snop  }
__scs_overlays_trampoline_lowered:
0x8: {  	[smem:$0x3FAE] =	sst s0  }
0x9: {  	[smem:$0x3FAF] =	sst s1  }
0xa: {  	[smem:$0x3FB0] =	sst s2  }
0xb: {  	[smem:$0x3FB1] =	sst s3  }
0xc: {  	[smem:$0x3FB2] =	sst s4  }
0xd: {  	[smem:$0x3FB3] =	sst s5  }
0xe: {  	[smem:$0x3FB4] =	sst s6  }
0xf: {  	[smem:$0x3FB5] =	sst s7  }
0x10: {  	[smem:$0x3FB6] =	sst s8  }
0x11: {  	[smem:$0x3FB7] =	sst s9;
	s0 =	simm.s32 @!p0 $0x0  }
0x12: {  	s1 =	sld [smem:$0x3F9D];
	s0 =	simm.s32 @p0 $0x1  }
0x13: {  	[smem:$0x3FB8] =	sst s0;
	s0 =	simm.s32 @!p1 $0x0  }
0x14: {  	s2 =	sld [smem:$0x3F9C];
	s0 =	simm.s32 @p1 $0x1  }
0x15: {  	[smem:$0x3FB9] =	sst s0;
	s0 =	simm.s32 @!p2 $0x0  }
0x16: {  	s3 =	sld [smem:$0x3FDB];
	s0 =	simm.s32 @p2 $0x1  }
0x17: {  	s4 =	simm.s32 $0x1BF5;
	[smem:$0x3FBB] =	sst s0  }
0x18: {  	s0 =	sld [smem:$0x3F9E];
	_ =	swait.ge [sflag:s4], $0x0  }
0x19: {  	s7 =	sld [smem:$0x3F9F]  }
0x1a: {  	s8 =	sadd.s32 $0xFFFFE003, lr  }
0x1b: {  	s9 =	sadd.s32 $0xFFFFFEF7, lr;
	s5 =	simm.s32 $0xFFFFFFFF;
	p2 =	slt.u32 s8, $0xFFFFF086  }
0x1c: {  	p1 =	slt.u32 s9, $0xF7A;
	s5 =	simm.s32 @!p2 $0x0  }
0x1d: {  	s5 =	simm.s32 @p1 $0x1;
	p0 =	seq.s32 s7, s2  }
0x1e: {  	s7 =	smul.u32 @!p0 $0xF7A, s2;
	p2 =	seq.s32 @!p0 s5, $0x0  }
0x1f: {  	s9 =	smul.u32 $0xF7A, s1;
	s8 =	simm.s32 @!p0 $0x1BF5;
	p2 =	por !p2, p0  }
0x20: {  	[sflag:s8] =	ssyncset.s32 @!p0 $0xFFFFF086;
	s6 =	sadd.s32 @!p0 s3, s7;
	s7 =	simm.s32 @!p0 $0x108  }
0x21: {  	s3 =	sadd.s32 s3, s9;
	s6 =	sadd.s32 @!p0 $0x88, s6;
	s7 =	simm.s32 @p2 $0x1082  }
0x22: {  	[simem:s7], [sflag:s8] =	dma.local @!p0 [hbm:s6], $0xF7A  }
0x23: {  	s9 =	sor.u32 $0xD0000000, s2;
	s6 =	simm.s32 $0x108;
	_ =	swait.ge @!p0 [sflag:s8], $0x0  }
0x24: {  	s3 =	sadd.s32 $0x88, s3;
	s6 =	simm.s32 @!p1 $0x1082;
	[sflag:s4] =	ssyncset.s32 $0xFFFFF086  }
0x25: {  	[simem:s6], [sflag:s4] =	dma.local [hbm:s3], $0xF7A  }
0x26: {  	[smem:$0x3F9F] =	sst s1;
	(tag) =	ssettag s2;
	_ =	strace s9  }
0x27: {  	s1 =	sld [smem:$0x3FAF]  }
0x28: {  	s2 =	sld [smem:$0x3FB0]  }
0x29: {  	s4 =	sld [smem:$0x3FB2]  }
0x2a: {  	p0 =	seq.s32 s5, $0x0;
	s5 =	sld [smem:$0x3FB3]  }
0x2b: {  	s6 =	sld [smem:$0x3FB4]  }
0x2c: {  	s7 =	sld [smem:$0x3FB5]  }
0x2d: {  	s3 =	simm.s32 $0x108;
	s8 =	sld [smem:$0x3FB6]  }
0x2e: {  	s3 =	simm.s32 @!p0 $0x1082;
	s9 =	sld [smem:$0x3FB7]  }
0x2f: {  	lr =	sadd.s32 s0, s3;
	s0 =	sld [smem:$0x3FAE]  }
0x30: {  	s3 =	sld [smem:$0x3FB1]  }
0x31: {  	[smem:$0x3FBA] =	sst s10  }
0x32: {  	s10 =	sld [smem:$0x3FB8];
	_ =	sdelay $0x3  }
0x33: {  	p0 =	seq.s32 s10, $0x1;
	s10 =	sld [smem:$0x3FBA];
	_ =	sdelay $0x3  }
0x34: {  	[smem:$0x3FBA] =	sst s10  }
0x35: {  	s10 =	sld [smem:$0x3FB9];
	_ =	sdelay $0x3  }
0x36: {  	p1 =	seq.s32 s10, $0x1;
	s10 =	sld [smem:$0x3FBA];
	_ =	sdelay $0x3  }
0x37: {  	[smem:$0x3FBA] =	sst s10  }
0x38: {  	s10 =	sld [smem:$0x3FBB]  }
0x39: {  	_ = 	snop;
	(pc) =	sbr.ind lr, $3  }
0x3a: {  	_ = 	snop  }
0x3b: {  	_ = 	snop  }
0x3c: {  	p2 =	seq.s32 s10, $0x1;
	s10 =	sld [smem:$0x3FBA]  }
0x3d: {  	_ =	shalt  }
0x3e: {  	_ =	shalt  }
0x3f: {  	_ =	shalt  }
0x40: {  	_ =	shalt  }
0x41: {  	_ =	shalt  }
0x42: {  	_ =	shalt  }
0x43: {  	_ =	shalt  }
0x44: {  	_ =	shalt  }
0x45: {  	_ =	shalt  }
0x46: {  	_ =	shalt  }
0x47: {  	_ =	shalt  }
0x48: {  	_ =	shalt  }
0x49: {  	_ =	shalt  }
0x4a: {  	_ =	shalt  }
0x4b: {  	_ =	shalt  }
0x4c: {  	_ =	shalt  }
0x4d: {  	_ =	shalt  }
0x4e: {  	_ =	shalt  }
0x4f: {  	_ =	shalt  }
0x50: {  	_ =	shalt  }
0x51: {  	_ =	shalt  }
0x52: {  	_ =	shalt  }
0x53: {  	_ =	shalt  }
0x54: {  	_ =	shalt  }
0x55: {  	_ =	shalt  }
0x56: {  	_ =	shalt  }
0x57: {  	_ =	shalt  }
0x58: {  	_ =	shalt  }
0x59: {  	_ =	shalt  }
0x5a: {  	_ =	shalt  }
0x5b: {  	_ =	shalt  }
0x5c: {  	_ =	shalt  }
0x5d: {  	_ =	shalt  }
0x5e: {  	_ =	shalt  }
0x5f: {  	_ =	shalt  }
0x60: {  	_ =	shalt  }
0x61: {  	_ =	shalt  }
0x62: {  	_ =	shalt  }
0x63: {  	_ =	shalt  }
0x64: {  	_ =	shalt  }
0x65: {  	_ =	shalt  }
0x66: {  	_ =	shalt  }
0x67: {  	_ =	shalt  }
0x68: {  	_ =	shalt  }
0x69: {  	_ =	shalt  }
0x6a: {  	_ =	shalt  }
0x6b: {  	_ =	shalt  }
0x6c: {  	_ =	shalt  }
0x6d: {  	_ =	shalt  }
0x6e: {  	_ =	shalt  }
0x6f: {  	_ =	shalt  }
0x70: {  	_ =	shalt  }
0x71: {  	_ =	shalt  }
0x72: {  	_ =	shalt  }
0x73: {  	_ =	shalt  }
0x74: {  	_ =	shalt  }
0x75: {  	_ =	shalt  }
0x76: {  	_ =	shalt  }
0x77: {  	_ =	shalt  }
0x78: {  	_ =	shalt  }
0x79: {  	_ =	shalt  }
0x7a: {  	_ =	shalt  }
0x7b: {  	_ =	shalt  }
0x7c: {  	_ =	shalt  }
0x7d: {  	_ =	shalt  }
0x7e: {  	_ =	shalt  }
0x7f: {  	_ =	shalt  }
0x80: {  	_ =	shalt  }
0x81: {  	_ =	shalt  }
0x82: {  	_ =	shalt  }
0x83: {  	_ =	shalt  }
0x84: {  	_ =	shalt  }
0x85: {  	_ =	shalt  }
0x86: {  	_ =	shalt  }
0x87: {  	_ =	shalt  }
.Lfunc_end0:
.L_simem_size_0:
called_computation_lowered:
.L_overlay_start_0:
0x88: {  	s2 =	sld [smem:$0x3FD9]  }
0x89: {  	s3 =	sld [smem:$0x3FFE];
	_ =	sdelay $0x1  }
0x8a: {  	s1 =	srdreg.scid  }
0x8b: {  	s0 =	sand.u32 $0x1, s1  }
0x8c: {  	s18 =	sshll.u32 s0, $0xA;
	s2 =	sadd.s32 s3, s2  }
0x8d: {  	s2 =	sadd.s32 s2, s18  }
0x8e: {  	[smem:$0x3FC6] =	sst s2  }
0x8f: {  	_ = 	snop  }
0x90: {  	s2 =	sld [smem:$0x3FC9]  }
0x91: {  	s19 =	sld [smem:$0x3FC8]  }
0x92: {  	s4 =	sld [smem:$0x3FD0];
	(tm) =	ssettm $0x1  }
0x93: {  	s5 =	sld [smem:$0x3FFB];
	_ =	sdelay $0x3  }
0x94: {  	_ =	strace s5  }
0x95: {  	s5 =	sld [smem:$0x3FFC];
	_ =	sdelay $0x3  }
0x96: {  	_ =	strace s5  }
0x97: {  	s5 =	sld [smem:$0x3FFD];
	_ =	sdelay $0x3  }
0x98: {  	_ =	strace s5  }
0x99: {  	_ =	strace $0x8FFFFFFF  }
0x9a: {  	s20 =	sld [smem:$0x3FDB];
	_ =	sdelay $0x1  }
0x9b: {  	s6 =	simm.s32 $_scs_section_size  }
0x9c: {  	s7 =	simm.s32 $_size__tile_overlayer_lowered;
	s8 =	simm.s32 $_tile_overlayer_lowered  }
0x9d: {  	s23 =	simm.s32 $0x1BFF;
	s22 =	sshll.u32 s8, $0x1;
	s5 =	sadd.s32 s6, s20  }
0x9e: {  	s9 =	simm.s32 $0x0;
	s21 =	sshll.u32 s7, $0x1;
	s7 =	sadd.s32 s22, s5  }
0x9f: {  	[timem:s9], [sflag:s23] =	dma.local [hbm:s7], s21  }
0xa0: {  	_ =	swait.ge [sflag:s23], s21  }
0xa1: {  	s6 =	ssub.s32 $0x0, s21;
	[sflag:s23] =	ssyncset.done $0x0  }
0xa2: {  	[sflag:s23] =	ssyncadd.s32 s6;
	_ =	sdelay $0x1  }
0xa3: {  	s24 =	simm.s32 $0x1B8B  }
0xa4: {  	_ =	swait.ge [sflag:s24], $0x1  }
0xa5: {  	[sflag:s24] =	ssyncset.done $0x0  }
0xa6: {  	s25 =	simm.s32 $0x1B8E;
	[sflag:s24] =	ssyncadd.s32 $0xFFFFFFFF  }
0xa7: {  	s26 =	simm.s32 $execute0_lowered;
	[smem:$0x3FD2] =	sst s25  }
0xa8: {  	s6 =	sshll.u32 s26, $0x1;
	_ =	strace $0x80000046;
	[dreg:$0x1] =	wrdreg $0xFFFFFFFF  }
0xa9: {  	s28 =	simm.s32 $_size_execute0_lowered;
	s5 =	sadd.s32 s5, s6;
	[dreg:$0x0] =	wrdreg $0x0  }
0xaa: {  	s6 =	sshll.u32 s28, $0x1;
	[dreg:$0x2] =	wrdreg s5  }
0xab: {  	[dreg:$0x3] =	wrdreg s6  }
0xac: {  	[dreg:$0x4] =	wrdreg $0xC0  }
0xad: {  	_ =	task [dreg:s9], $0x5FFFF  }
0xae: {  	[dreg:$0x1] =	wrdreg $0xFFFFFFFF  }
0xaf: {  	[dreg:$0x0] =	wrdreg $0x60  }
0xb0: {  	[dreg:$0x2] =	wrdreg s2  }
0xb1: {  	[dreg:$0x3] =	wrdreg s19  }
0xb2: {  	[dreg:$0x4] =	wrdreg s4  }
0xb3: {  	[dreg:$0x5] =	wrdreg $0x9  }
0xb4: {  	_ =	task.clear_ibuf [dreg:s9], $0x6FFFF;
	_ =	strace $0x90000046  }
0xb5: {  	s29 =	simm.s32 $0x9;
	_ =	strace $0x80000048  }
0xb6: {  	_ =	swait.ge [sflag:s29], $0x1  }
0xb7: {  	[sflag:s29] =	ssyncadd.s32 $0xFFFFFFFF  }
0xb8: {  	_ =	strace $0x90000048  }
0xb9: {  	_ =	sfence  }
0xba: {  	s30 =	sld [smem:$0x0];
	_ =	sdelay $0x2  }
0xbb: {  	s31 =	sshll.u32 s1, $0xD;
	s1 =	sshrl.u32 s1, $0x2  }
0xbc: {  	s3 =	sand.u32 $0x4000, s31;
	s1 =	sadd.s32 s1, s30  }
0xbd: {  	s0 =	sor.u32 s3, s0;
	s1 =	sshll.u32 s1, $0x11  }
0xbe: {  	s0 =	sor.u32 s1, s0  }
0xbf: {  	s0 =	sadd.s32 $0x8F2B, s0  }
0xc0: {  	[sflag:s0] =	ssyncadd.remote.s32 $0x1  }
0xc1: {  	_ =	sfence.sel $0xFFFF  }
0xc2: {  	[dreg:$0x0] =	wrdreg $0xFFFFFFFF;
	(pc) =	sbr.abs _section_cstart, $3  }
0xc3: {  	[dreg:$0x1] =	wrdreg $0xFFFFFFFF  }
0xc4: {  	_ =	task.clear_ibuf [dreg:s9], $0x2FFFF;
	_ =	strace $0x9FFFFFFF  }
0xc5: {  	(tm) =	ssettm $0x7FFFFFFF  }
tec
execute0_lowered:
.L_overlay_start_1:
0x0: {  	(tag) =	ssettag $0x1  }
0x1: {  	s1 =	rddreg [dreg:$0x0]  }
0x2: {  	s8 =	rddreg [dreg:$0x1]  }
0x3: {  	s4 =	rddreg [dreg:$0x2]  }
0x4: {  	s0 =	srdreg.scid;
	s2 =	stileid.u32  }
0x5: {  	s5 =	simm.s32 $0x0;
	s30 =	simm.s32 $0x6000;
	s31 =	simm.s32 $0xA000  }
0x6: {  	s13 =	simm.s32 $0xB;
	[smem:$0x7FF] =	sst s5;
	s23 =	sadd.s32 $0x100000, s1  }
0x7: {  	s7 =	sadd.s32 $0x200000, s1;
	_ =	strace $0x80000047;
	[dreg:$0x7] =	wrdreg s23  }
0x8: {  	s0 =	sand.u32 $0x1, s0;
	s9 =	sadd.s32 $0x300000, s1;
	[dreg:$0x8] =	wrdreg s7  }
0x9: {  	s2 =	sshll.u32 s2, $0x9;
	s26 =	sadd.s32 $0x100000, s4;
	[dreg:$0x9] =	wrdreg s9  }
0xa: {  	s28 =	sadd.s32 $0x200000, s4;
	s3 =	sshll.u32 s0, $0x8;
	[dreg:$0xd] =	wrdreg s26  }
0xb: {  	s29 =	sadd.s32 $0x300000, s4;
	[dreg:$0xe] =	wrdreg s28;
	s2 =	sor.u32 s3, s2  }
0xc: {  	s14 =	simm.s32 $0x6;
	[dreg:$0xf] =	wrdreg s29;
	s6 =	sshll.u32 s2, $0x7  }
0xd: {  	s19 =	simm.s32 $0xD;
	s21 =	sadd.s32 s8, s6;
	[dreg:$0x4] =	wrdreg s6  }
0xe: {  	s0 =	ssub.s32 $0x2, s0;
	s22 =	sadd.s32 s1, s6;
	[dreg:$0x5] =	wrdreg s21  }
0xf: {  	s20 =	sshrl.u32 s0, $0x1;
	s3 =	sadd.s32 s6, s23;
	[dreg:$0x6] =	wrdreg s22  }
.Ltmp0:
0x10: {  	s24 =	sadd.s32 s6, s7;
	[dreg:$0xa] =	wrdreg s3;
	(pc) =	sbr.rel .LBB2_1-.Ltmp0, $4  }
0x11: {  	s0 =	ssub.s32 s0, s20;
	s25 =	sadd.s32 s6, s9;
	[dreg:$0xb] =	wrdreg s24  }
0x12: {  	s15 =	sshrl.u32 s2, $0x3;
	s0 =	smax.u32 s0, $0x1;
	[dreg:$0xc] =	wrdreg s25  }
0x13: {  	s20 =	simm.s32 $0xF;
	[dreg:$0x10] =	wrdreg s0;
	s24 =	simm.s32 $0x8  }
0x14: {  	s21 =	simm.s32 $0xA;
	s22 =	simm.s32 $0x11;
	s3 =	simm.s32 $0x0  }
.LBB2_20:
0x15: {  	s0 =	simm.s32 $0xC  }
0x16: {  	_ =	swait.ge [sflag:s0], $0x2000  }
0x17: {  	[sflag:s0] =	ssyncset.done $0x0  }
0x18: {  	s26 =	simm.s32 $0xE;
	[sflag:s0] =	ssyncadd.s32 $0xFFFFE000  }
0x19: {  	_ =	swait.ge [sflag:s26], $0x2000  }
0x1a: {  	[sflag:s26] =	ssyncset.done $0x0  }
0x1b: {  	s28 =	simm.s32 $0x10;
	[sflag:s26] =	ssyncadd.s32 $0xFFFFE000  }
0x1c: {  	_ =	swait.ge [sflag:s28], $0x2000  }
0x1d: {  	[sflag:s28] =	ssyncset.done $0x0  }
0x1e: {  	s2 =	simm.s32 $0x12;
	[sflag:s28] =	ssyncadd.s32 $0xFFFFE000  }
0x1f: {  	_ =	swait.ge [sflag:s2], $0x2000  }
0x20: {  	s3 =	rddreg [dreg:$0x11]  }
0x21: {  	s29 =	rddreg [dreg:$0x10];
	s3 =	sadd.s32 $0x1, s3  }
0x22: {  	p0 =	sne.s32 s3, s29  }
.Ltmp1:
0x23: {  	_ = 	snop;
	(pc) =	sbr.rel @!p0 .LBB2_21-.Ltmp1, $3  }
0x24: {  	_ =	sdelay $0x1  }
0x25: {  	[sflag:s2] =	ssyncset.done $0x0  }
0x26: {  	s8 =	smov.u32 s12;
	[sflag:s2] =	ssyncadd.s32 $0xFFFFE000  }
.LBB2_1:
0x27: {  	[dreg:$0x11] =	wrdreg s3  }
0x28: {  	s0 =	rddreg [dreg:$0x5]  }
0x29: {  	[tilespmem:s5], [sflag:$0x1] =	stream.linear.gather [hbm4b:s0+s5], $0x2000, $0x38;
	[tilespmem:$0x14000] =	vst v63  }
0x2a: {  	s17 =	rddreg [dreg:$0x6];
	s2 =	simm.s32 $0x4000  }
0x2b: {  	[tilespmem:s2], [sflag:$0x3] =	stream.linear.gather [hbm4b:s17+s5], $0x2000, $0x38;
	[tilespmem:$0x14000] =	vst v63  }
0x2c: {  	s18 =	rddreg [dreg:$0xa];
	s23 =	simm.s32 $0x8000  }
0x2d: {  	[tilespmem:s23], [sflag:$0x5] =	stream.linear.gather [hbm4b:s18+s5], $0x2000, $0x38;
	[tilespmem:$0x14000] =	vst v63  }
0x2e: {  	s25 =	rddreg [dreg:$0xb];
	s26 =	simm.s32 $0xC000  }
0x2f: {  	[tilespmem:s26], [sflag:$0x7] =	stream.linear.gather [hbm4b:s25+s5], $0x2000, $0x38;
	[tilespmem:$0x14000] =	vst v63  }
0x30: {  	s28 =	rddreg [dreg:$0xc];
	s29 =	simm.s32 $0x10000;
	s11 =	simm.s32 $0x0  }
0x31: {  	[tilespmem:s29], [sflag:$0x9] =	stream.linear.gather [hbm4b:s28+s5], $0x2000, $0x38;
	[tilespmem:$0x14000] =	vst v63  }
.LBB2_2:
0x32: {  	s9 =	sshll.u32 s11, $0x1  }
0x33: {  	s0 =	sor.u32 s9, s15  }
0x34: {  	s16 =	sshll.u32 s0, $0xA  }
0x35: {  	s2 =	simm.s32 $0x0;
	s3 =	sor.u32 $0x400, s16  }
0x36: {  	s6 =	simm.s32 $0x2000;
	s25 =	simm.s32 $0x1;
	s23 =	sadd.s32 s8, s3  }
0x37: {  	[tilespmem:s6], [sflag:$0x2] =	stream.linear.gather [hbm4b:s23+s2], $0x2000, $0x38;
	[tilespmem:$0x14000] =	vst v63  }
0x38: {  	_ =	swait.ge [sflag:s25], $0x2000  }
0x39: {  	[sflag:s25] =	ssyncset.done $0x0  }
0x3a: {  	s7 =	simm.s32 $0x3;
	[sflag:s25] =	ssyncadd.s32 $0xFFFFE000  }
0x3b: {  	s23 =	simm.s32 $0x0;
	_ =	swait.ge [sflag:s7], $0x2000  }
0x3c: {  	s29 =	sand.u32 $0x1C00, s2;
	s26 =	sand.u32 $0x70, s23;
	[sflag:s7] =	ssyncset.done $0x0  }
0x3d: {  	s25 =	sor.u32 s26, s29;
	[sflag:s7] =	ssyncadd.s32 $0xFFFFE000  }
0x3e: {  	v0 =	vld [tilespmem:s25+$0x0];
	_ =	sdelay $0x3  }
0x3f: {  	s0 =	sor.u32 $0x4000, s25  }
0x40: {  	[tilespmem:s0+$0x0] =	vst.add.f32.msk $0xffff, v0  }
0x41: {  	v0 =	vld [tilespmem:s25+$0x80];
	_ =	sdelay $0x3  }
0x42: {  	s10 =	sor.u32 $0x4080, s25  }
0x43: {  	[tilespmem:s10+$0x0] =	vst.add.f32.msk $0xffff, v0  }
0x44: {  	v0 =	vld [tilespmem:s25+$0x100]  }
0x45: {  	s6 =	simm.s32 $0x10;
	s10 =	simm.s32 $0x80  }
0x46: {  	s12 =	sand.u32 $0x70, s6;
	s17 =	sand.u32 $0x1C00, s10  }
0x47: {  	s17 =	sor.u32 s12, s17  }
0x48: {  	s18 =	sor.u32 $0x4100, s25;
	v1 =	vld [tilespmem:s17+$0x0]  }
0x49: {  	[tilespmem:s18+$0x0] =	vst.add.f32.msk $0xffff, v0  }
0x4a: {  	v0 =	vld [tilespmem:s25+$0x180];
	_ =	sdelay $0x1  }
0x4b: {  	s26 =	sor.u32 $0x4000, s17  }
0x4c: {  	[tilespmem:s26+$0x0] =	vst.add.f32.msk $0xffff, v1  }
0x4d: {  	s29 =	sor.u32 $0x4180, s25;
	v1 =	vld [tilespmem:s17+$0x80]  }
0x4e: {  	[tilespmem:s29+$0x0] =	vst.add.f32.msk $0xffff, v0  }
0x4f: {  	v0 =	vld [tilespmem:s25+$0x200];
	_ =	sdelay $0x1  }
0x50: {  	s7 =	sor.u32 $0x4080, s17  }
0x51: {  	[tilespmem:s7+$0x0] =	vst.add.f32.msk $0xffff, v1  }
0x52: {  	s18 =	sor.u32 $0x4200, s25;
	v1 =	vld [tilespmem:s17+$0x100]  }
0x53: {  	s0 =	simm.s32 $0x20;
	s7 =	simm.s32 $0x100;
	[tilespmem:s18+$0x0] =	vst.add.f32.msk $0xffff, v0  }
0x54: {  	s12 =	sand.u32 $0x70, s0;
	s26 =	sand.u32 $0x1C00, s7;
	v0 =	vld [tilespmem:s25+$0x280]  }
0x55: {  	s18 =	sor.u32 s12, s26  }
0x56: {  	s29 =	sor.u32 $0x4100, s17;
	v2 =	vld [tilespmem:s18+$0x0]  }
0x57: {  	[tilespmem:s29+$0x0] =	vst.add.f32.msk $0xffff, v1  }
0x58: {  	s12 =	sor.u32 $0x4280, s25;
	v1 =	vld [tilespmem:s17+$0x180]  }
0x59: {  	[tilespmem:s12+$0x0] =	vst.add.f32.msk $0xffff, v0  }
0x5a: {  	s29 =	sor.u32 $0x4000, s18;
	v0 =	vld [tilespmem:s25+$0x300]  }
0x5b: {  	[tilespmem:s29+$0x0] =	vst.add.f32.msk $0xffff, v2  }
0x5c: {  	s12 =	sor.u32 $0x4180, s17;
	v2 =	vld [tilespmem:s18+$0x80]  }
0x5d: {  	[tilespmem:s12+$0x0] =	vst.add.f32.msk $0xffff, v1  }
0x5e: {  	s2 =	sor.u32 s2, s23;
	s25 =	sor.u32 $0x4300, s25;
	v1 =	vld [tilespmem:s17+$0x200]  }
0x5f: {  	s26 =	sor.u32 $0x380, s2;
	[tilespmem:s25+$0x0] =	vst.add.f32.msk $0xffff, v0  }
0x60: {  	s29 =	sor.u32 $0x4080, s18;
	v0 =	vld [tilespmem:s26+$0x0]  }
0x61: {  	[tilespmem:s29+$0x0] =	vst.add.f32.msk $0xffff, v2  }
0x62: {  	s23 =	simm.s32 $0x20;
	s28 =	sor.u32 $0x4200, s17;
	s25 =	simm.s32 $0x100;
	v2 =	vld [tilespmem:s18+$0x100]  }
.LBB2_3:
0x63: {  	s0 =	sadd.s32 $0x10, s0;
	s7 =	sadd.s32 $0x80, s7;
	[tilespmem:s28+$0x0] =	vst.add.f32.msk $0xffff, v1  }
0x64: {  	s2 =	sand.u32 $0x70, s0;
	s28 =	sand.u32 $0x1C00, s7;
	p0 =	slt.u32 s0, $0x3F0;
	v1 =	vld [tilespmem:s17+$0x280]  }
0x65: {  	s2 =	sor.u32 s2, s28;
	[tilespmem:s26+$0x4000] =	vst.add.f32.msk $0xffff, v0  }
0x66: {  	s26 =	sor.u32 $0x4100, s18;
	v0 =	vld [tilespmem:s2+$0x0]  }
0x67: {  	[tilespmem:s26+$0x0] =	vst.add.f32.msk $0xffff, v2  }
0x68: {  	s26 =	sor.u32 $0x4280, s17;
	v2 =	vld [tilespmem:s18+$0x180]  }
0x69: {  	[tilespmem:s26+$0x0] =	vst.add.f32.msk $0xffff, v1  }
0x6a: {  	s26 =	sor.u32 $0x4000, s2;
	v3 =	vld [tilespmem:s17+$0x300]  }
0x6b: {  	[tilespmem:s26+$0x0] =	vst.add.f32.msk $0xffff, v0  }
0x6c: {  	s26 =	sor.u32 $0x4180, s18;
	v4 =	vld [tilespmem:s2+$0x80]  }
0x6d: {  	[tilespmem:s26+$0x0] =	vst.add.f32.msk $0xffff, v2  }
.Ltmp2:
0x6e: {  	s6 =	sor.u32 s10, s6;
	s17 =	sor.u32 $0x4300, s17;
	v1 =	vld [tilespmem:s18+$0x200];
	(pc) =	sbr.rel @p0 .LBB2_3-.Ltmp2, $4  }
0x6f: {  	s26 =	sor.u32 $0x380, s6;
	s6 =	smov.u32 s23;
	s23 =	smov.u32 s0;
	[tilespmem:s17+$0x0] =	vst.add.f32.msk $0xffff, v3  }
0x70: {  	s10 =	smov.u32 s25;
	s25 =	smov.u32 s7;
	s17 =	sor.u32 $0x4080, s2;
	v0 =	vld [tilespmem:s26+$0x0]  }
0x71: {  	[tilespmem:s17+$0x0] =	vst.add.f32.msk $0xffff, v4;
	s17 =	smov.u32 s18;
	s18 =	smov.u32 s2  }
0x72: {  	v2 =	vld [tilespmem:s18+$0x100];
	s28 =	sor.u32 $0x4200, s17  }
0x73: {  	_ =	sdelay $0x2  }
0x74: {  	s0 =	sor.u32 $0x4100, s18  }
0x75: {  	[tilespmem:s0+$0x0] =	vst.add.f32.msk $0xffff, v2  }
0x76: {  	v2 =	vld [tilespmem:s18+$0x180];
	_ =	sdelay $0x3  }
0x77: {  	s2 =	sor.u32 $0x4180, s18  }
0x78: {  	[tilespmem:s2+$0x0] =	vst.add.f32.msk $0xffff, v2  }
0x79: {  	v2 =	vld [tilespmem:s18+$0x200];
	_ =	sdelay $0x1  }
0x7a: {  	[tilespmem:s28+$0x0] =	vst.add.f32.msk $0xffff, v1  }
0x7b: {  	v1 =	vld [tilespmem:s17+$0x280]  }
0x7c: {  	s7 =	sor.u32 $0x4200, s18  }
0x7d: {  	[tilespmem:s7+$0x0] =	vst.add.f32.msk $0xffff, v2  }
0x7e: {  	v2 =	vld [tilespmem:s18+$0x280]  }
0x7f: {  	s12 =	sor.u32 $0x4280, s17  }
0x80: {  	[tilespmem:s12+$0x0] =	vst.add.f32.msk $0xffff, v1  }
0x81: {  	v1 =	vld [tilespmem:s17+$0x300]  }
0x82: {  	s2 =	sor.u32 $0x4280, s18  }
0x83: {  	[tilespmem:s2+$0x0] =	vst.add.f32.msk $0xffff, v2  }
0x84: {  	v2 =	vld [tilespmem:s18+$0x300]  }
0x85: {  	s7 =	sor.u32 $0x4300, s17;
	s2 =	sor.u32 s10, s6  }
0x86: {  	[tilespmem:s7+$0x0] =	vst.add.f32.msk $0xffff, v1;
	s10 =	sor.u32 $0x380, s2  }
0x87: {  	v1 =	vld [tilespmem:s10+$0x0]  }
0x88: {  	s12 =	sor.u32 $0x4300, s18;
	s17 =	sor.u32 s25, s23  }
0x89: {  	s18 =	sor.u32 $0x380, s17;
	[tilespmem:s12+$0x0] =	vst.add.f32.msk $0xffff, v2  }
0x8a: {  	v2 =	vld [tilespmem:s18+$0x0]  }
0x8b: {  	[tilespmem:s26+$0x4000] =	vst.add.f32.msk $0xffff, v0  }
0x8c: {  	[tilespmem:s10+$0x4000] =	vst.add.f32.msk $0xffff, v1  }
0x8d: {  	s23 =	sshll.u32 s11, $0xB;
	s0 =	rddreg [dreg:$0x4]  }
0x8e: {  	s17 =	sadd.s32 s0, s23  }
0x8f: {  	p0 =	seq.s32 s11, $0x0;
	s25 =	simm.s32 $0x4000;
	s0 =	sadd.s32 s4, s17;
	[tilespmem:s18+$0x4000] =	vst.add.f32.msk $0xffff, v2  }
0x90: {  	[hbm4b:s0+s5] =	stream.linear.scatter [tilespmem:s25], [sflag:$0xB], $0x2000, $0x38;
	[tilespmem:$0x14000] =	vst v63  }
0x91: {  	s0 =	simm.s32 @!p0 $0xC  }
0x92: {  	_ =	swait.ge @!p0 [sflag:s0], $0x2000  }
0x93: {  	s26 =	sadd.s32 s1, s3;
	[sflag:s0] =	ssyncset.done @!p0 $0x0  }
0x94: {  	s7 =	simm.s32 $0x5;
	s2 =	simm.s32 $0x0;
	[sflag:s0] =	ssyncadd.s32 @!p0 $0xFFFFE000  }
0x95: {  	[tilespmem:s30], [sflag:$0x4] =	stream.linear.gather [hbm4b:s26+s2], $0x2000, $0x38;
	[tilespmem:$0x14000] =	vst v63  }
0x96: {  	s25 =	simm.s32 $0x0;
	_ =	swait.ge [sflag:s7], $0x2000  }
0x97: {  	s10 =	sand.u32 $0x1C00, s2;
	s6 =	sand.u32 $0x70, s25;
	[sflag:s7] =	ssyncset.done $0x0  }
0x98: {  	s26 =	sor.u32 s6, s10;
	[sflag:s7] =	ssyncadd.s32 $0xFFFFE000  }
0x99: {  	v0 =	vld [tilespmem:s26+$0x0];
	_ =	sdelay $0x3  }
0x9a: {  	s0 =	sor.u32 $0x8000, s26  }
0x9b: {  	[tilespmem:s0+$0x0] =	vst.add.f32.msk $0xffff, v0  }
0x9c: {  	v0 =	vld [tilespmem:s26+$0x80];
	_ =	sdelay $0x3  }
0x9d: {  	s12 =	sor.u32 $0x8080, s26  }
0x9e: {  	[tilespmem:s12+$0x0] =	vst.add.f32.msk $0xffff, v0  }
0x9f: {  	v0 =	vld [tilespmem:s26+$0x100]  }
0xa0: {  	s6 =	simm.s32 $0x10;
	s10 =	simm.s32 $0x80  }
0xa1: {  	s18 =	sand.u32 $0x70, s6;
	s23 =	sand.u32 $0x1C00, s10  }
0xa2: {  	s18 =	sor.u32 s18, s23  }
0xa3: {  	s30 =	sor.u32 $0x8100, s26;
	v1 =	vld [tilespmem:s18+$0x0]  }
0xa4: {  	[tilespmem:s30+$0x0] =	vst.add.f32.msk $0xffff, v0  }
0xa5: {  	v0 =	vld [tilespmem:s26+$0x180];
	_ =	sdelay $0x1  }
0xa6: {  	s7 =	sor.u32 $0x8000, s18  }
0xa7: {  	[tilespmem:s7+$0x0] =	vst.add.f32.msk $0xffff, v1  }
0xa8: {  	v1 =	vld [tilespmem:s18+$0x80];
	s12 =	sor.u32 $0x8180, s26  }
0xa9: {  	[tilespmem:s12+$0x0] =	vst.add.f32.msk $0xffff, v0  }
0xaa: {  	v0 =	vld [tilespmem:s26+$0x200];
	_ =	sdelay $0x1  }
0xab: {  	s23 =	sor.u32 $0x8080, s18  }
0xac: {  	[tilespmem:s23+$0x0] =	vst.add.f32.msk $0xffff, v1  }
0xad: {  	v1 =	vld [tilespmem:s18+$0x100];
	s30 =	sor.u32 $0x8200, s26  }
0xae: {  	s0 =	simm.s32 $0x20;
	s7 =	simm.s32 $0x100;
	[tilespmem:s30+$0x0] =	vst.add.f32.msk $0xffff, v0  }
0xaf: {  	s28 =	sand.u32 $0x1C00, s7;
	s12 =	sand.u32 $0x70, s0;
	v0 =	vld [tilespmem:s26+$0x280]  }
0xb0: {  	s23 =	sor.u32 s12, s28  }
0xb1: {  	s28 =	sor.u32 $0x8100, s18;
	v2 =	vld [tilespmem:s23+$0x0]  }
0xb2: {  	[tilespmem:s28+$0x0] =	vst.add.f32.msk $0xffff, v1  }
0xb3: {  	s28 =	sor.u32 $0x8280, s26;
	v1 =	vld [tilespmem:s18+$0x180]  }
0xb4: {  	[tilespmem:s28+$0x0] =	vst.add.f32.msk $0xffff, v0  }
0xb5: {  	s28 =	sor.u32 $0x8000, s23;
	v0 =	vld [tilespmem:s26+$0x300]  }
0xb6: {  	[tilespmem:s28+$0x0] =	vst.add.f32.msk $0xffff, v2  }
0xb7: {  	s28 =	sor.u32 $0x8180, s18;
	v2 =	vld [tilespmem:s23+$0x80]  }
0xb8: {  	[tilespmem:s28+$0x0] =	vst.add.f32.msk $0xffff, v1  }
0xb9: {  	s2 =	sor.u32 s2, s25;
	s26 =	sor.u32 $0x8300, s26;
	v1 =	vld [tilespmem:s18+$0x200]  }
0xba: {  	s28 =	sor.u32 $0x380, s2;
	[tilespmem:s26+$0x0] =	vst.add.f32.msk $0xffff, v0  }
0xbb: {  	s30 =	sor.u32 $0x8080, s23;
	v0 =	vld [tilespmem:s28+$0x0]  }
0xbc: {  	[tilespmem:s30+$0x0] =	vst.add.f32.msk $0xffff, v2  }
0xbd: {  	s25 =	simm.s32 $0x20;
	s29 =	sor.u32 $0x8200, s18;
	s26 =	simm.s32 $0x100;
	v2 =	vld [tilespmem:s23+$0x100]  }
.LBB2_5:
0xbe: {  	s0 =	sadd.s32 $0x10, s0;
	s7 =	sadd.s32 $0x80, s7;
	[tilespmem:s29+$0x0] =	vst.add.f32.msk $0xffff, v1  }
0xbf: {  	s2 =	sand.u32 $0x70, s0;
	s29 =	sand.u32 $0x1C00, s7;
	p1 =	slt.u32 s0, $0x3F0;
	v1 =	vld [tilespmem:s18+$0x280]  }
0xc0: {  	s2 =	sor.u32 s2, s29;
	[tilespmem:s28+$0x8000] =	vst.add.f32.msk $0xffff, v0  }
0xc1: {  	s28 =	sor.u32 $0x8100, s23;
	v0 =	vld [tilespmem:s2+$0x0]  }
0xc2: {  	[tilespmem:s28+$0x0] =	vst.add.f32.msk $0xffff, v2  }
0xc3: {  	s28 =	sor.u32 $0x8280, s18;
	v2 =	vld [tilespmem:s23+$0x180]  }
0xc4: {  	[tilespmem:s28+$0x0] =	vst.add.f32.msk $0xffff, v1  }
0xc5: {  	s28 =	sor.u32 $0x8000, s2;
	v3 =	vld [tilespmem:s18+$0x300]  }
0xc6: {  	[tilespmem:s28+$0x0] =	vst.add.f32.msk $0xffff, v0  }
0xc7: {  	s28 =	sor.u32 $0x8180, s23;
	v4 =	vld [tilespmem:s2+$0x80]  }
0xc8: {  	[tilespmem:s28+$0x0] =	vst.add.f32.msk $0xffff, v2  }
.Ltmp3:
0xc9: {  	s6 =	sor.u32 s10, s6;
	s18 =	sor.u32 $0x8300, s18;
	v1 =	vld [tilespmem:s23+$0x200];
	(pc) =	sbr.rel @p1 .LBB2_5-.Ltmp3, $4  }
0xca: {  	s28 =	sor.u32 $0x380, s6;
	s6 =	smov.u32 s25;
	s25 =	smov.u32 s0;
	[tilespmem:s18+$0x0] =	vst.add.f32.msk $0xffff, v3  }
0xcb: {  	s10 =	smov.u32 s26;
	s26 =	smov.u32 s7;
	s18 =	sor.u32 $0x8080, s2;
	v0 =	vld [tilespmem:s28+$0x0]  }
0xcc: {  	[tilespmem:s18+$0x0] =	vst.add.f32.msk $0xffff, v4;
	s18 =	smov.u32 s23;
	s23 =	smov.u32 s2  }
0xcd: {  	v2 =	vld [tilespmem:s23+$0x100];
	s29 =	sor.u32 $0x8200, s18  }
0xce: {  	_ =	sdelay $0x2  }
0xcf: {  	s0 =	sor.u32 $0x8100, s23  }
0xd0: {  	[tilespmem:s0+$0x0] =	vst.add.f32.msk $0xffff, v2  }
0xd1: {  	v2 =	vld [tilespmem:s23+$0x180];
	_ =	sdelay $0x3  }
0xd2: {  	s2 =	sor.u32 $0x8180, s23  }
0xd3: {  	[tilespmem:s2+$0x0] =	vst.add.f32.msk $0xffff, v2  }
0xd4: {  	v2 =	vld [tilespmem:s23+$0x200];
	_ =	sdelay $0x2  }
0xd5: {  	[tilespmem:s29+$0x0] =	vst.add.f32.msk $0xffff, v1  }
0xd6: {  	s7 =	sor.u32 $0x8200, s23;
	v1 =	vld [tilespmem:s18+$0x280]  }
0xd7: {  	[tilespmem:s7+$0x0] =	vst.add.f32.msk $0xffff, v2  }
0xd8: {  	v2 =	vld [tilespmem:s23+$0x280];
	_ =	sdelay $0x1  }
0xd9: {  	s12 =	sor.u32 $0x8280, s18  }
0xda: {  	[tilespmem:s12+$0x0] =	vst.add.f32.msk $0xffff, v1  }
0xdb: {  	v1 =	vld [tilespmem:s18+$0x300];
	s2 =	sor.u32 $0x8280, s23  }
0xdc: {  	[tilespmem:s2+$0x0] =	vst.add.f32.msk $0xffff, v2  }
0xdd: {  	v2 =	vld [tilespmem:s23+$0x300];
	_ =	sdelay $0x1  }
0xde: {  	s7 =	sor.u32 $0x8300, s18;
	s2 =	sor.u32 s10, s6  }
0xdf: {  	[tilespmem:s7+$0x0] =	vst.add.f32.msk $0xffff, v1;
	s10 =	sor.u32 $0x380, s2  }
0xe0: {  	s12 =	sor.u32 $0x8300, s23;
	s18 =	sor.u32 s26, s25;
	v1 =	vld [tilespmem:s10+$0x0]  }
0xe1: {  	s23 =	sor.u32 $0x380, s18;
	[tilespmem:s12+$0x0] =	vst.add.f32.msk $0xffff, v2  }
0xe2: {  	v2 =	vld [tilespmem:s23+$0x0];
	_ =	sdelay $0x2  }
0xe3: {  	[tilespmem:s28+$0x8000] =	vst.add.f32.msk $0xffff, v0  }
0xe4: {  	[tilespmem:s10+$0x8000] =	vst.add.f32.msk $0xffff, v1  }
0xe5: {  	[tilespmem:s23+$0x8000] =	vst.add.f32.msk $0xffff, v2  }
0xe6: {  	s0 =	rddreg [dreg:$0xd]  }
0xe7: {  	s25 =	simm.s32 $0x8000;
	s0 =	sadd.s32 s17, s0  }
0xe8: {  	[hbm4b:s0+s5] =	stream.linear.scatter [tilespmem:s25], [sflag:$0xD], $0x2000, $0x38;
	[tilespmem:$0x14000] =	vst v63  }
0xe9: {  	s0 =	simm.s32 @!p0 $0xE  }
0xea: {  	_ =	swait.ge @!p0 [sflag:s0], $0x2000  }
0xeb: {  	s7 =	simm.s32 $0x7;
	s10 =	sor.u32 $0x100400, s16;
	[sflag:s0] =	ssyncset.done @!p0 $0x0  }
0xec: {  	s2 =	simm.s32 $0x0;
	s26 =	sadd.s32 s1, s10;
	[sflag:s0] =	ssyncadd.s32 @!p0 $0xFFFFE000  }
0xed: {  	[tilespmem:s31], [sflag:$0x6] =	stream.linear.gather [hbm4b:s26+s2], $0x2000, $0x38;
	[tilespmem:$0x14000] =	vst v63  }
0xee: {  	s25 =	simm.s32 $0x0;
	_ =	swait.ge [sflag:s7], $0x2000  }
0xef: {  	s12 =	sand.u32 $0x1C00, s2;
	s6 =	sand.u32 $0x70, s25;
	[sflag:s7] =	ssyncset.done $0x0  }
0xf0: {  	s26 =	sor.u32 s6, s12;
	[sflag:s7] =	ssyncadd.s32 $0xFFFFE000  }
0xf1: {  	v0 =	vld [tilespmem:s26+$0x0];
	_ =	sdelay $0x3  }
0xf2: {  	s0 =	sor.u32 $0xC000, s26  }
0xf3: {  	[tilespmem:s0+$0x0] =	vst.add.f32.msk $0xffff, v0  }
0xf4: {  	v0 =	vld [tilespmem:s26+$0x80];
	_ =	sdelay $0x3  }
0xf5: {  	s18 =	sor.u32 $0xC080, s26  }
0xf6: {  	[tilespmem:s18+$0x0] =	vst.add.f32.msk $0xffff, v0  }
0xf7: {  	v0 =	vld [tilespmem:s26+$0x100]  }
0xf8: {  	s6 =	simm.s32 $0x10;
	s18 =	simm.s32 $0x80  }
0xf9: {  	s23 =	sand.u32 $0x70, s6;
	s31 =	sand.u32 $0x1C00, s18  }
0xfa: {  	s23 =	sor.u32 s23, s31  }
0xfb: {  	s12 =	sor.u32 $0xC100, s26;
	v1 =	vld [tilespmem:s23+$0x0]  }
0xfc: {  	[tilespmem:s12+$0x0] =	vst.add.f32.msk $0xffff, v0  }
0xfd: {  	v0 =	vld [tilespmem:s26+$0x180];
	_ =	sdelay $0x1  }
0xfe: {  	s31 =	sor.u32 $0xC000, s23  }
0xff: {  	[tilespmem:s31+$0x0] =	vst.add.f32.msk $0xffff, v1  }
0x100: {  	s7 =	sor.u32 $0xC180, s26;
	v1 =	vld [tilespmem:s23+$0x80]  }
0x101: {  	[tilespmem:s7+$0x0] =	vst.add.f32.msk $0xffff, v0  }
0x102: {  	v0 =	vld [tilespmem:s26+$0x200];
	_ =	sdelay $0x1  }
0x103: {  	s12 =	sor.u32 $0xC080, s23  }
0x104: {  	[tilespmem:s12+$0x0] =	vst.add.f32.msk $0xffff, v1  }
0x105: {  	s28 =	sor.u32 $0xC200, s26;
	v1 =	vld [tilespmem:s23+$0x100]  }
0x106: {  	s0 =	simm.s32 $0x20;
	s7 =	simm.s32 $0x100;
	[tilespmem:s28+$0x0] =	vst.add.f32.msk $0xffff, v0  }
0x107: {  	s29 =	sand.u32 $0x1C00, s7;
	s28 =	sand.u32 $0x70, s0;
	v0 =	vld [tilespmem:s26+$0x280]  }
0x108: {  	s28 =	sor.u32 s28, s29  }
0x109: {  	s29 =	sor.u32 $0xC100, s23;
	v2 =	vld [tilespmem:s28+$0x0]  }
0x10a: {  	[tilespmem:s29+$0x0] =	vst.add.f32.msk $0xffff, v1  }
0x10b: {  	s29 =	sor.u32 $0xC280, s26;
	v1 =	vld [tilespmem:s23+$0x180]  }
0x10c: {  	[tilespmem:s29+$0x0] =	vst.add.f32.msk $0xffff, v0  }
0x10d: {  	s29 =	sor.u32 $0xC000, s28;
	v0 =	vld [tilespmem:s26+$0x300]  }
0x10e: {  	[tilespmem:s29+$0x0] =	vst.add.f32.msk $0xffff, v2  }
0x10f: {  	s29 =	sor.u32 $0xC180, s23;
	v2 =	vld [tilespmem:s28+$0x80]  }
0x110: {  	[tilespmem:s29+$0x0] =	vst.add.f32.msk $0xffff, v1  }
0x111: {  	s2 =	sor.u32 s2, s25;
	s26 =	sor.u32 $0xC300, s26;
	v1 =	vld [tilespmem:s23+$0x200]  }
0x112: {  	s29 =	sor.u32 $0x380, s2;
	[tilespmem:s26+$0x0] =	vst.add.f32.msk $0xffff, v0  }
0x113: {  	s31 =	sor.u32 $0xC080, s28;
	v0 =	vld [tilespmem:s29+$0x0]  }
0x114: {  	[tilespmem:s31+$0x0] =	vst.add.f32.msk $0xffff, v2  }
0x115: {  	s25 =	simm.s32 $0x20;
	s30 =	sor.u32 $0xC200, s23;
	s26 =	simm.s32 $0x100;
	v2 =	vld [tilespmem:s28+$0x100]  }
.LBB2_7:
0x116: {  	s0 =	sadd.s32 $0x10, s0;
	s7 =	sadd.s32 $0x80, s7;
	[tilespmem:s30+$0x0] =	vst.add.f32.msk $0xffff, v1  }
0x117: {  	s2 =	sand.u32 $0x70, s0;
	s30 =	sand.u32 $0x1C00, s7;
	p1 =	slt.u32 s0, $0x3F0;
	v1 =	vld [tilespmem:s23+$0x280]  }
0x118: {  	s2 =	sor.u32 s2, s30;
	[tilespmem:s29+$0xC000] =	vst.add.f32.msk $0xffff, v0  }
0x119: {  	s29 =	sor.u32 $0xC100, s28;
	v0 =	vld [tilespmem:s2+$0x0]  }
0x11a: {  	[tilespmem:s29+$0x0] =	vst.add.f32.msk $0xffff, v2  }
0x11b: {  	s29 =	sor.u32 $0xC280, s23;
	v2 =	vld [tilespmem:s28+$0x180]  }
0x11c: {  	[tilespmem:s29+$0x0] =	vst.add.f32.msk $0xffff, v1  }
0x11d: {  	s29 =	sor.u32 $0xC000, s2;
	v3 =	vld [tilespmem:s23+$0x300]  }
0x11e: {  	[tilespmem:s29+$0x0] =	vst.add.f32.msk $0xffff, v0  }
0x11f: {  	s29 =	sor.u32 $0xC180, s28;
	v4 =	vld [tilespmem:s2+$0x80]  }
0x120: {  	[tilespmem:s29+$0x0] =	vst.add.f32.msk $0xffff, v2  }
.Ltmp4:
0x121: {  	s6 =	sor.u32 s18, s6;
	s23 =	sor.u32 $0xC300, s23;
	v1 =	vld [tilespmem:s28+$0x200];
	(pc) =	sbr.rel @p1 .LBB2_7-.Ltmp4, $4  }
0x122: {  	s29 =	sor.u32 $0x380, s6;
	s6 =	smov.u32 s25;
	s25 =	smov.u32 s0;
	[tilespmem:s23+$0x0] =	vst.add.f32.msk $0xffff, v3  }
0x123: {  	s18 =	smov.u32 s26;
	s26 =	smov.u32 s7;
	s23 =	sor.u32 $0xC080, s2;
	v0 =	vld [tilespmem:s29+$0x0]  }
0x124: {  	[tilespmem:s23+$0x0] =	vst.add.f32.msk $0xffff, v4;
	s23 =	smov.u32 s28;
	s28 =	smov.u32 s2  }
0x125: {  	v2 =	vld [tilespmem:s28+$0x100];
	s30 =	sor.u32 $0xC200, s23  }
0x126: {  	_ =	sdelay $0x2  }
0x127: {  	s0 =	sor.u32 $0xC100, s28  }
0x128: {  	[tilespmem:s0+$0x0] =	vst.add.f32.msk $0xffff, v2  }
0x129: {  	v2 =	vld [tilespmem:s28+$0x180];
	_ =	sdelay $0x3  }
0x12a: {  	s12 =	sor.u32 $0xC180, s28  }
0x12b: {  	[tilespmem:s12+$0x0] =	vst.add.f32.msk $0xffff, v2  }
0x12c: {  	v2 =	vld [tilespmem:s28+$0x200];
	_ =	sdelay $0x2  }
0x12d: {  	[tilespmem:s30+$0x0] =	vst.add.f32.msk $0xffff, v1  }
0x12e: {  	s2 =	sor.u32 $0xC200, s28;
	v1 =	vld [tilespmem:s23+$0x280]  }
0x12f: {  	[tilespmem:s2+$0x0] =	vst.add.f32.msk $0xffff, v2  }
0x130: {  	v2 =	vld [tilespmem:s28+$0x280];
	_ =	sdelay $0x1  }
0x131: {  	s7 =	sor.u32 $0xC280, s23  }
0x132: {  	[tilespmem:s7+$0x0] =	vst.add.f32.msk $0xffff, v1  }
0x133: {  	v1 =	vld [tilespmem:s23+$0x300];
	s12 =	sor.u32 $0xC280, s28  }
0x134: {  	[tilespmem:s12+$0x0] =	vst.add.f32.msk $0xffff, v2  }
0x135: {  	v2 =	vld [tilespmem:s28+$0x300];
	_ =	sdelay $0x1  }
0x136: {  	s23 =	sor.u32 $0xC300, s23;
	s2 =	sor.u32 s18, s6  }
0x137: {  	[tilespmem:s23+$0x0] =	vst.add.f32.msk $0xffff, v1;
	s7 =	sor.u32 $0x380, s2  }
0x138: {  	s18 =	sor.u32 s26, s25;
	v1 =	vld [tilespmem:s7+$0x0];
	s12 =	sor.u32 $0xC300, s28  }
0x139: {  	s23 =	sor.u32 $0x380, s18;
	[tilespmem:s12+$0x0] =	vst.add.f32.msk $0xffff, v2  }
0x13a: {  	v2 =	vld [tilespmem:s23+$0x0];
	_ =	sdelay $0x2  }
0x13b: {  	[tilespmem:s29+$0xC000] =	vst.add.f32.msk $0xffff, v0  }
0x13c: {  	[tilespmem:s7+$0xC000] =	vst.add.f32.msk $0xffff, v1  }
0x13d: {  	[tilespmem:s23+$0xC000] =	vst.add.f32.msk $0xffff, v2  }
0x13e: {  	s0 =	rddreg [dreg:$0xe]  }
0x13f: {  	s25 =	simm.s32 $0xC000;
	s0 =	sadd.s32 s17, s0  }
0x140: {  	[hbm4b:s0+s5] =	stream.linear.scatter [tilespmem:s25], [sflag:$0xF], $0x2000, $0x38;
	[tilespmem:$0x14000] =	vst v63  }
0x141: {  	s0 =	simm.s32 @!p0 $0x10  }
0x142: {  	s6 =	sor.u32 $0x200400, s16;
	_ =	swait.ge @!p0 [sflag:s0], $0x2000  }
0x143: {  	s26 =	sadd.s32 s1, s6;
	s2 =	simm.s32 $0x0;
	[sflag:s0] =	ssyncset.done @!p0 $0x0  }
0x144: {  	s7 =	simm.s32 $0xE000;
	s12 =	simm.s32 $0x9;
	[sflag:s0] =	ssyncadd.s32 @!p0 $0xFFFFE000  }
0x145: {  	[tilespmem:s7], [sflag:$0x8] =	stream.linear.gather [hbm4b:s26+s2], $0x2000, $0x38;
	[tilespmem:$0x14000] =	vst v63  }
0x146: {  	s25 =	simm.s32 $0x0;
	_ =	swait.ge [sflag:s12], $0x2000  }
0x147: {  	s18 =	sand.u32 $0x1C00, s2;
	s7 =	sand.u32 $0x70, s25;
	[sflag:s12] =	ssyncset.done $0x0  }
0x148: {  	s26 =	sor.u32 s7, s18;
	[sflag:s12] =	ssyncadd.s32 $0xFFFFE000  }
0x149: {  	v0 =	vld [tilespmem:s26+$0x0];
	_ =	sdelay $0x3  }
0x14a: {  	s0 =	sor.u32 $0x10000, s26  }
0x14b: {  	[tilespmem:s0+$0x0] =	vst.add.f32.msk $0xffff, v0  }
0x14c: {  	v0 =	vld [tilespmem:s26+$0x80];
	_ =	sdelay $0x3  }
0x14d: {  	s23 =	sor.u32 $0x10080, s26  }
0x14e: {  	[tilespmem:s23+$0x0] =	vst.add.f32.msk $0xffff, v0  }
0x14f: {  	v0 =	vld [tilespmem:s26+$0x100]  }
0x150: {  	s18 =	simm.s32 $0x10;
	s23 =	simm.s32 $0x80  }
0x151: {  	s7 =	sand.u32 $0x70, s18;
	s12 =	sand.u32 $0x1C00, s23  }
0x152: {  	s28 =	sor.u32 s7, s12  }
0x153: {  	s7 =	sor.u32 $0x10100, s26;
	v1 =	vld [tilespmem:s28+$0x0]  }
0x154: {  	[tilespmem:s7+$0x0] =	vst.add.f32.msk $0xffff, v0  }
0x155: {  	v0 =	vld [tilespmem:s26+$0x180];
	_ =	sdelay $0x1  }
0x156: {  	s12 =	sor.u32 $0x10000, s28  }
0x157: {  	[tilespmem:s12+$0x0] =	vst.add.f32.msk $0xffff, v1  }
0x158: {  	s7 =	sor.u32 $0x10180, s26;
	v1 =	vld [tilespmem:s28+$0x80]  }
0x159: {  	[tilespmem:s7+$0x0] =	vst.add.f32.msk $0xffff, v0  }
0x15a: {  	v0 =	vld [tilespmem:s26+$0x200];
	_ =	sdelay $0x1  }
0x15b: {  	s12 =	sor.u32 $0x10080, s28  }
0x15c: {  	[tilespmem:s12+$0x0] =	vst.add.f32.msk $0xffff, v1  }
0x15d: {  	s29 =	sor.u32 $0x10200, s26;
	v1 =	vld [tilespmem:s28+$0x100]  }
0x15e: {  	s0 =	simm.s32 $0x20;
	s7 =	simm.s32 $0x100;
	[tilespmem:s29+$0x0] =	vst.add.f32.msk $0xffff, v0  }
0x15f: {  	s30 =	sand.u32 $0x1C00, s7;
	s29 =	sand.u32 $0x70, s0;
	v0 =	vld [tilespmem:s26+$0x280]  }
0x160: {  	s30 =	sor.u32 s29, s30  }
0x161: {  	s29 =	sor.u32 $0x10100, s28;
	v2 =	vld [tilespmem:s30+$0x0]  }
0x162: {  	[tilespmem:s29+$0x0] =	vst.add.f32.msk $0xffff, v1  }
0x163: {  	s29 =	sor.u32 $0x10280, s26;
	v1 =	vld [tilespmem:s28+$0x180]  }
0x164: {  	[tilespmem:s29+$0x0] =	vst.add.f32.msk $0xffff, v0  }
0x165: {  	s29 =	sor.u32 $0x10000, s30;
	v0 =	vld [tilespmem:s26+$0x300]  }
0x166: {  	[tilespmem:s29+$0x0] =	vst.add.f32.msk $0xffff, v2  }
0x167: {  	s29 =	sor.u32 $0x10180, s28;
	v2 =	vld [tilespmem:s30+$0x80]  }
0x168: {  	[tilespmem:s29+$0x0] =	vst.add.f32.msk $0xffff, v1  }
0x169: {  	s2 =	sor.u32 s2, s25;
	s26 =	sor.u32 $0x10300, s26;
	v1 =	vld [tilespmem:s28+$0x200]  }
0x16a: {  	s29 =	sor.u32 $0x380, s2;
	[tilespmem:s26+$0x0] =	vst.add.f32.msk $0xffff, v0  }
0x16b: {  	s26 =	sor.u32 $0x10080, s30;
	v0 =	vld [tilespmem:s29+$0x0]  }
0x16c: {  	[tilespmem:s26+$0x0] =	vst.add.f32.msk $0xffff, v2  }
0x16d: {  	s25 =	simm.s32 $0x20;
	s31 =	sor.u32 $0x10200, s28;
	s26 =	simm.s32 $0x100;
	v2 =	vld [tilespmem:s30+$0x100]  }
.LBB2_9:
0x16e: {  	s0 =	sadd.s32 $0x10, s0;
	s7 =	sadd.s32 $0x80, s7;
	[tilespmem:s31+$0x0] =	vst.add.f32.msk $0xffff, v1  }
0x16f: {  	s2 =	sand.u32 $0x70, s0;
	s31 =	sand.u32 $0x1C00, s7;
	p1 =	slt.u32 s0, $0x3F0;
	v1 =	vld [tilespmem:s28+$0x280]  }
0x170: {  	s2 =	sor.u32 s2, s31;
	[tilespmem:s29+$0x10000] =	vst.add.f32.msk $0xffff, v0  }
0x171: {  	s29 =	sor.u32 $0x10100, s30;
	v0 =	vld [tilespmem:s2+$0x0]  }
0x172: {  	[tilespmem:s29+$0x0] =	vst.add.f32.msk $0xffff, v2  }
0x173: {  	s29 =	sor.u32 $0x10280, s28;
	v2 =	vld [tilespmem:s30+$0x180]  }
0x174: {  	[tilespmem:s29+$0x0] =	vst.add.f32.msk $0xffff, v1  }
0x175: {  	s29 =	sor.u32 $0x10000, s2;
	v3 =	vld [tilespmem:s28+$0x300]  }
0x176: {  	[tilespmem:s29+$0x0] =	vst.add.f32.msk $0xffff, v0  }
0x177: {  	s29 =	sor.u32 $0x10180, s30;
	v4 =	vld [tilespmem:s2+$0x80]  }
0x178: {  	[tilespmem:s29+$0x0] =	vst.add.f32.msk $0xffff, v2  }
.Ltmp5:
0x179: {  	s18 =	sor.u32 s23, s18;
	s28 =	sor.u32 $0x10300, s28;
	v1 =	vld [tilespmem:s30+$0x200];
	(pc) =	sbr.rel @p1 .LBB2_9-.Ltmp5, $4  }
0x17a: {  	s29 =	sor.u32 $0x380, s18;
	s18 =	smov.u32 s25;
	s25 =	smov.u32 s0;
	[tilespmem:s28+$0x0] =	vst.add.f32.msk $0xffff, v3  }
0x17b: {  	s23 =	smov.u32 s26;
	s26 =	smov.u32 s7;
	s28 =	sor.u32 $0x10080, s2;
	v0 =	vld [tilespmem:s29+$0x0]  }
0x17c: {  	[tilespmem:s28+$0x0] =	vst.add.f32.msk $0xffff, v4;
	s28 =	smov.u32 s30;
	s30 =	smov.u32 s2  }
0x17d: {  	v2 =	vld [tilespmem:s30+$0x100];
	s31 =	sor.u32 $0x10200, s28  }
0x17e: {  	_ =	sdelay $0x2  }
0x17f: {  	s0 =	sor.u32 $0x10100, s30  }
0x180: {  	[tilespmem:s0+$0x0] =	vst.add.f32.msk $0xffff, v2  }
0x181: {  	v2 =	vld [tilespmem:s30+$0x180];
	_ =	sdelay $0x3  }
0x182: {  	s7 =	sor.u32 $0x10180, s30  }
0x183: {  	[tilespmem:s7+$0x0] =	vst.add.f32.msk $0xffff, v2  }
0x184: {  	v2 =	vld [tilespmem:s30+$0x200];
	_ =	sdelay $0x2  }
0x185: {  	[tilespmem:s31+$0x0] =	vst.add.f32.msk $0xffff, v1  }
0x186: {  	s12 =	sor.u32 $0x10200, s30;
	v1 =	vld [tilespmem:s28+$0x280]  }
0x187: {  	[tilespmem:s12+$0x0] =	vst.add.f32.msk $0xffff, v2  }
0x188: {  	v2 =	vld [tilespmem:s30+$0x280];
	_ =	sdelay $0x1  }
0x189: {  	s2 =	sor.u32 $0x10280, s28  }
0x18a: {  	[tilespmem:s2+$0x0] =	vst.add.f32.msk $0xffff, v1  }
0x18b: {  	v1 =	vld [tilespmem:s28+$0x300];
	s7 =	sor.u32 $0x10280, s30  }
0x18c: {  	[tilespmem:s7+$0x0] =	vst.add.f32.msk $0xffff, v2  }
0x18d: {  	v2 =	vld [tilespmem:s30+$0x300];
	_ =	sdelay $0x1  }
0x18e: {  	s2 =	sor.u32 s23, s18;
	s12 =	sor.u32 $0x10300, s28  }
0x18f: {  	s23 =	sor.u32 $0x380, s2;
	[tilespmem:s12+$0x0] =	vst.add.f32.msk $0xffff, v1  }
0x190: {  	s12 =	sor.u32 $0x10300, s30;
	v1 =	vld [tilespmem:s23+$0x0];
	s7 =	sor.u32 s26, s25  }
0x191: {  	s18 =	sor.u32 $0x380, s7;
	[tilespmem:s12+$0x0] =	vst.add.f32.msk $0xffff, v2  }
0x192: {  	v2 =	vld [tilespmem:s18+$0x0];
	_ =	sdelay $0x2  }
0x193: {  	[tilespmem:s29+$0x10000] =	vst.add.f32.msk $0xffff, v0  }
0x194: {  	[tilespmem:s23+$0x10000] =	vst.add.f32.msk $0xffff, v1  }
0x195: {  	[tilespmem:s18+$0x10000] =	vst.add.f32.msk $0xffff, v2  }
0x196: {  	s0 =	rddreg [dreg:$0xf]  }
0x197: {  	s23 =	simm.s32 $0x10000;
	s0 =	sadd.s32 s17, s0  }
0x198: {  	[hbm4b:s0+s5] =	stream.linear.scatter [tilespmem:s23], [sflag:$0x11], $0x2000, $0x38;
	[tilespmem:$0x14000] =	vst v63  }
0x199: {  	s0 =	simm.s32 @!p0 $0x12  }
0x19a: {  	s16 =	sor.u32 $0x300400, s16;
	_ =	swait.ge @!p0 [sflag:s0], $0x2000  }
0x19b: {  	s9 =	sadd.s32 $0x2, s9;
	s25 =	sadd.s32 s1, s16;
	[sflag:s0] =	ssyncset.done @!p0 $0x0  }
0x19c: {  	s26 =	simm.s32 $0x12000;
	[sflag:s0] =	ssyncadd.s32 @!p0 $0xFFFFE000;
	p0 =	seq.s32 s11, $0xF  }
0x19d: {  	[tilespmem:s26], [sflag:$0xA] =	stream.linear.gather [hbm4b:s25+s5], $0x2000, $0x38;
	[tilespmem:$0x14000] =	vst v63  }
0x19e: {  	s0 =	sadd.s32 @!p0 s15, s9  }
0x19f: {  	s17 =	sshll.u32 @!p0 s0, $0xA  }
0x1a0: {  	s18 =	sand.u32 @!p0 $0x1FFFF800, s17  }
0x1a1: {  	s2 =	simm.s32 @!p0 $0x0;
	s0 =	sadd.s32 @!p0 s8, s18  }
0x1a2: {  	[tilespmem:s2], [sflag:$0x1] =	stream.linear.gather @!p0 [hbm4b:s0+s2], $0x2000, $0x38;
	[tilespmem:$0x14000] =	vst v63  }
0x1a3: {  	s2 =	simm.s32 $0x2  }
0x1a4: {  	_ =	swait.ge [sflag:s2], $0x2000  }
0x1a5: {  	[sflag:s2] =	ssyncset.done $0x0  }
0x1a6: {  	s7 =	simm.s32 $0x4;
	[sflag:s2] =	ssyncadd.s32 $0xFFFFE000  }
0x1a7: {  	s26 =	simm.s32 $0x0;
	s2 =	simm.s32 $0x0;
	_ =	swait.ge [sflag:s7], $0x2000  }
0x1a8: {  	s23 =	sand.u32 $0x70, s26;
	s25 =	sand.u32 $0x1C00, s2;
	[sflag:s7] =	ssyncset.done $0x0  }
0x1a9: {  	s29 =	sor.u32 s23, s25;
	[sflag:s7] =	ssyncadd.s32 $0xFFFFE000  }
0x1aa: {  	v0 =	vld [tilespmem:s29+$0x2000];
	_ =	sdelay $0x3  }
0x1ab: {  	s0 =	sor.u32 $0x6000, s29  }
0x1ac: {  	[tilespmem:s0+$0x0] =	vst.add.f32.msk $0xffff, v0  }
0x1ad: {  	v0 =	vld [tilespmem:s29+$0x2080];
	_ =	sdelay $0x3  }
0x1ae: {  	s7 =	sor.u32 $0x6080, s29  }
0x1af: {  	[tilespmem:s7+$0x0] =	vst.add.f32.msk $0xffff, v0  }
0x1b0: {  	v0 =	vld [tilespmem:s29+$0x2100]  }
0x1b1: {  	s28 =	simm.s32 $0x80;
	s23 =	simm.s32 $0x10  }
0x1b2: {  	s12 =	smov.u32 s8;
	s25 =	sand.u32 $0x1C00, s28;
	s8 =	sand.u32 $0x70, s23  }
0x1b3: {  	s30 =	sor.u32 s8, s25  }
0x1b4: {  	v1 =	vld [tilespmem:s30+$0x2000];
	s7 =	sor.u32 $0x6100, s29  }
0x1b5: {  	[tilespmem:s7+$0x0] =	vst.add.f32.msk $0xffff, v0  }
0x1b6: {  	v0 =	vld [tilespmem:s29+$0x2180];
	_ =	sdelay $0x1  }
0x1b7: {  	s8 =	sor.u32 $0x6000, s30  }
0x1b8: {  	[tilespmem:s8+$0x0] =	vst.add.f32.msk $0xffff, v1  }
0x1b9: {  	s25 =	sor.u32 $0x6180, s29;
	v1 =	vld [tilespmem:s30+$0x2080]  }
0x1ba: {  	[tilespmem:s25+$0x0] =	vst.add.f32.msk $0xffff, v0  }
0x1bb: {  	v0 =	vld [tilespmem:s29+$0x2200];
	_ =	sdelay $0x1  }
0x1bc: {  	s7 =	sor.u32 $0x6080, s30  }
0x1bd: {  	[tilespmem:s7+$0x0] =	vst.add.f32.msk $0xffff, v1  }
0x1be: {  	s8 =	sor.u32 $0x6200, s29;
	v1 =	vld [tilespmem:s30+$0x2100]  }
0x1bf: {  	s7 =	simm.s32 $0x20;
	s25 =	simm.s32 $0x100;
	[tilespmem:s8+$0x0] =	vst.add.f32.msk $0xffff, v0  }
0x1c0: {  	s31 =	sand.u32 $0x1C00, s25;
	s8 =	sand.u32 $0x70, s7;
	v0 =	vld [tilespmem:s29+$0x2280]  }
0x1c1: {  	s0 =	sor.u32 s8, s31  }
0x1c2: {  	s31 =	sor.u32 $0x6100, s30;
	v2 =	vld [tilespmem:s0+$0x2000]  }
0x1c3: {  	[tilespmem:s31+$0x0] =	vst.add.f32.msk $0xffff, v1  }
0x1c4: {  	s31 =	sor.u32 $0x6280, s29;
	v1 =	vld [tilespmem:s30+$0x2180]  }
0x1c5: {  	[tilespmem:s31+$0x0] =	vst.add.f32.msk $0xffff, v0  }
0x1c6: {  	s31 =	sor.u32 $0x6000, s0;
	v0 =	vld [tilespmem:s29+$0x2300]  }
0x1c7: {  	[tilespmem:s31+$0x0] =	vst.add.f32.msk $0xffff, v2  }
0x1c8: {  	s31 =	sor.u32 $0x6180, s30;
	v2 =	vld [tilespmem:s0+$0x2080]  }
0x1c9: {  	[tilespmem:s31+$0x0] =	vst.add.f32.msk $0xffff, v1  }
0x1ca: {  	s2 =	sor.u32 s2, s26;
	s29 =	sor.u32 $0x6300, s29;
	v1 =	vld [tilespmem:s30+$0x2200]  }
0x1cb: {  	s31 =	sor.u32 $0x380, s2;
	[tilespmem:s29+$0x0] =	vst.add.f32.msk $0xffff, v0  }
0x1cc: {  	s26 =	sor.u32 $0x6080, s0;
	v0 =	vld [tilespmem:s31+$0x2000]  }
0x1cd: {  	[tilespmem:s26+$0x0] =	vst.add.f32.msk $0xffff, v2  }
0x1ce: {  	s2 =	sor.u32 $0x6200, s30;
	s29 =	simm.s32 $0x100;
	s26 =	simm.s32 $0x20;
	v2 =	vld [tilespmem:s0+$0x2100]  }
.LBB2_11:
0x1cf: {  	s7 =	sadd.s32 $0x10, s7;
	s25 =	sadd.s32 $0x80, s25;
	[tilespmem:s2+$0x0] =	vst.add.f32.msk $0xffff, v1  }
0x1d0: {  	s2 =	sand.u32 $0x70, s7;
	s8 =	sand.u32 $0x1C00, s25;
	p1 =	slt.u32 s7, $0x3F0;
	v1 =	vld [tilespmem:s30+$0x2280]  }
0x1d1: {  	s2 =	sor.u32 s2, s8;
	[tilespmem:s31+$0x6000] =	vst.add.f32.msk $0xffff, v0  }
0x1d2: {  	s8 =	sor.u32 $0x6100, s0;
	v0 =	vld [tilespmem:s2+$0x2000]  }
0x1d3: {  	[tilespmem:s8+$0x0] =	vst.add.f32.msk $0xffff, v2  }
0x1d4: {  	s8 =	sor.u32 $0x6280, s30;
	v2 =	vld [tilespmem:s0+$0x2180]  }
0x1d5: {  	[tilespmem:s8+$0x0] =	vst.add.f32.msk $0xffff, v1  }
0x1d6: {  	s8 =	sor.u32 $0x6000, s2;
	v3 =	vld [tilespmem:s30+$0x2300]  }
0x1d7: {  	[tilespmem:s8+$0x0] =	vst.add.f32.msk $0xffff, v0  }
0x1d8: {  	s8 =	sor.u32 $0x6180, s0;
	v4 =	vld [tilespmem:s2+$0x2080]  }
0x1d9: {  	[tilespmem:s8+$0x0] =	vst.add.f32.msk $0xffff, v2  }
.Ltmp6:
0x1da: {  	s23 =	sor.u32 s28, s23;
	s8 =	sor.u32 $0x6300, s30;
	v1 =	vld [tilespmem:s0+$0x2200];
	(pc) =	sbr.rel @p1 .LBB2_11-.Ltmp6, $4  }
0x1db: {  	s31 =	sor.u32 $0x380, s23;
	s23 =	smov.u32 s26;
	s26 =	smov.u32 s7;
	[tilespmem:s8+$0x0] =	vst.add.f32.msk $0xffff, v3  }
0x1dc: {  	s28 =	smov.u32 s29;
	s29 =	smov.u32 s25;
	s8 =	sor.u32 $0x6080, s2;
	v0 =	vld [tilespmem:s31+$0x2000]  }
0x1dd: {  	s30 =	smov.u32 s0;
	s0 =	smov.u32 s2;
	[tilespmem:s8+$0x0] =	vst.add.f32.msk $0xffff, v4  }
0x1de: {  	s2 =	sor.u32 $0x6200, s30;
	v2 =	vld [tilespmem:s0+$0x2100]  }
0x1df: {  	_ =	sdelay $0x2  }
0x1e0: {  	s7 =	sor.u32 $0x6100, s0  }
0x1e1: {  	[tilespmem:s7+$0x0] =	vst.add.f32.msk $0xffff, v2  }
0x1e2: {  	v2 =	vld [tilespmem:s0+$0x2180];
	_ =	sdelay $0x3  }
0x1e3: {  	s25 =	sor.u32 $0x6180, s0  }
0x1e4: {  	[tilespmem:s25+$0x0] =	vst.add.f32.msk $0xffff, v2  }
0x1e5: {  	v2 =	vld [tilespmem:s0+$0x2200];
	_ =	sdelay $0x2  }
0x1e6: {  	[tilespmem:s2+$0x0] =	vst.add.f32.msk $0xffff, v1  }
0x1e7: {  	s8 =	sor.u32 $0x6200, s0;
	v1 =	vld [tilespmem:s30+$0x2280]  }
0x1e8: {  	[tilespmem:s8+$0x0] =	vst.add.f32.msk $0xffff, v2  }
0x1e9: {  	v2 =	vld [tilespmem:s0+$0x2280];
	_ =	sdelay $0x1  }
0x1ea: {  	s25 =	sor.u32 $0x6280, s30  }
0x1eb: {  	[tilespmem:s25+$0x0] =	vst.add.f32.msk $0xffff, v1  }
0x1ec: {  	s7 =	sor.u32 $0x6280, s0;
	v1 =	vld [tilespmem:s30+$0x2300]  }
0x1ed: {  	[tilespmem:s7+$0x0] =	vst.add.f32.msk $0xffff, v2  }
0x1ee: {  	v2 =	vld [tilespmem:s0+$0x2300];
	_ =	sdelay $0x1  }
0x1ef: {  	s23 =	sor.u32 s28, s23;
	s8 =	sor.u32 $0x6300, s30  }
0x1f0: {  	s25 =	sor.u32 $0x380, s23;
	[tilespmem:s8+$0x0] =	vst.add.f32.msk $0xffff, v1  }
0x1f1: {  	s8 =	sor.u32 s29, s26;
	v1 =	vld [tilespmem:s25+$0x2000];
	s7 =	sor.u32 $0x6300, s0  }
0x1f2: {  	s23 =	sor.u32 $0x380, s8;
	[tilespmem:s7+$0x0] =	vst.add.f32.msk $0xffff, v2  }
0x1f3: {  	v2 =	vld [tilespmem:s23+$0x2000];
	_ =	sdelay $0x2  }
0x1f4: {  	[tilespmem:s31+$0x6000] =	vst.add.f32.msk $0xffff, v0  }
0x1f5: {  	[tilespmem:s25+$0x6000] =	vst.add.f32.msk $0xffff, v1  }
0x1f6: {  	s30 =	simm.s32 $0x6000;
	s25 =	sadd.s32 s4, s3;
	[tilespmem:s23+$0x6000] =	vst.add.f32.msk $0xffff, v2  }
0x1f7: {  	[hbm4b:s25+s5] =	stream.linear.scatter [tilespmem:s30], [sflag:$0xC], $0x2000, $0x38;
	[tilespmem:$0x14000] =	vst v63  }
0x1f8: {  	_ =	swait.ge [sflag:s13], $0x2000  }
0x1f9: {  	s2 =	simm.s32 @!p0 $0x0;
	[sflag:s13] =	ssyncset.done $0x0  }
0x1fa: {  	s0 =	sadd.s32 @!p0 s1, s18;
	s3 =	simm.s32 @!p0 $0x4000;
	[sflag:s13] =	ssyncadd.s32 $0xFFFFE000  }
0x1fb: {  	[tilespmem:s3], [sflag:$0x3] =	stream.linear.gather @!p0 [hbm4b:s0+s2], $0x2000, $0x38;
	[tilespmem:$0x14000] =	vst v63  }
0x1fc: {  	s8 =	simm.s32 $0x0;
	s2 =	simm.s32 $0x0;
	_ =	swait.ge [sflag:s14], $0x2000  }
0x1fd: {  	s26 =	sand.u32 $0x70, s8;
	s31 =	sand.u32 $0x1C00, s2;
	[sflag:s14] =	ssyncset.done $0x0  }
0x1fe: {  	s26 =	sor.u32 s26, s31;
	[sflag:s14] =	ssyncadd.s32 $0xFFFFE000  }
0x1ff: {  	v0 =	vld [tilespmem:s26+$0x2000];
	_ =	sdelay $0x3  }
0x200: {  	s0 =	sor.u32 $0xA000, s26  }
0x201: {  	[tilespmem:s0+$0x0] =	vst.add.f32.msk $0xffff, v0  }
0x202: {  	v0 =	vld [tilespmem:s26+$0x2080];
	_ =	sdelay $0x3  }
0x203: {  	s3 =	sor.u32 $0xA080, s26  }
0x204: {  	[tilespmem:s3+$0x0] =	vst.add.f32.msk $0xffff, v0  }
0x205: {  	v0 =	vld [tilespmem:s26+$0x2100]  }
0x206: {  	s18 =	simm.s32 $0x80;
	s3 =	simm.s32 $0x10  }
0x207: {  	s23 =	sand.u32 $0x1C00, s18;
	s7 =	sand.u32 $0x70, s3  }
0x208: {  	s23 =	sor.u32 s7, s23  }
0x209: {  	s25 =	sor.u32 $0xA100, s26;
	v1 =	vld [tilespmem:s23+$0x2000]  }
0x20a: {  	[tilespmem:s25+$0x0] =	vst.add.f32.msk $0xffff, v0  }
0x20b: {  	v0 =	vld [tilespmem:s26+$0x2180];
	_ =	sdelay $0x1  }
0x20c: {  	s31 =	sor.u32 $0xA000, s23  }
0x20d: {  	[tilespmem:s31+$0x0] =	vst.add.f32.msk $0xffff, v1  }
0x20e: {  	s7 =	sor.u32 $0xA180, s26;
	v1 =	vld [tilespmem:s23+$0x2080]  }
0x20f: {  	[tilespmem:s7+$0x0] =	vst.add.f32.msk $0xffff, v0  }
0x210: {  	v0 =	vld [tilespmem:s26+$0x2200];
	_ =	sdelay $0x1  }
0x211: {  	s25 =	sor.u32 $0xA080, s23  }
0x212: {  	[tilespmem:s25+$0x0] =	vst.add.f32.msk $0xffff, v1  }
0x213: {  	s31 =	sor.u32 $0xA200, s26;
	v1 =	vld [tilespmem:s23+$0x2100]  }
0x214: {  	s7 =	simm.s32 $0x20;
	s25 =	simm.s32 $0x100;
	[tilespmem:s31+$0x0] =	vst.add.f32.msk $0xffff, v0  }
0x215: {  	s28 =	sand.u32 $0x1C00, s25;
	s31 =	sand.u32 $0x70, s7;
	v0 =	vld [tilespmem:s26+$0x2280]  }
0x216: {  	s0 =	sor.u32 s31, s28  }
0x217: {  	s28 =	sor.u32 $0xA100, s23;
	v2 =	vld [tilespmem:s0+$0x2000]  }
0x218: {  	[tilespmem:s28+$0x0] =	vst.add.f32.msk $0xffff, v1  }
0x219: {  	s28 =	sor.u32 $0xA280, s26;
	v1 =	vld [tilespmem:s23+$0x2180]  }
0x21a: {  	[tilespmem:s28+$0x0] =	vst.add.f32.msk $0xffff, v0  }
0x21b: {  	s28 =	sor.u32 $0xA000, s0;
	v0 =	vld [tilespmem:s26+$0x2300]  }
0x21c: {  	[tilespmem:s28+$0x0] =	vst.add.f32.msk $0xffff, v2  }
0x21d: {  	s28 =	sor.u32 $0xA180, s23;
	v2 =	vld [tilespmem:s0+$0x2080]  }
0x21e: {  	[tilespmem:s28+$0x0] =	vst.add.f32.msk $0xffff, v1  }
0x21f: {  	s2 =	sor.u32 s2, s8;
	s26 =	sor.u32 $0xA300, s26;
	v1 =	vld [tilespmem:s23+$0x2200]  }
0x220: {  	s29 =	sor.u32 $0x380, s2;
	[tilespmem:s26+$0x0] =	vst.add.f32.msk $0xffff, v0  }
0x221: {  	s31 =	sor.u32 $0xA080, s0;
	v0 =	vld [tilespmem:s29+$0x2000]  }
0x222: {  	[tilespmem:s31+$0x0] =	vst.add.f32.msk $0xffff, v2  }
0x223: {  	s2 =	sor.u32 $0xA200, s23;
	s28 =	simm.s32 $0x100;
	s26 =	simm.s32 $0x20;
	v2 =	vld [tilespmem:s0+$0x2100]  }
.LBB2_13:
0x224: {  	s7 =	sadd.s32 $0x10, s7;
	s25 =	sadd.s32 $0x80, s25;
	[tilespmem:s2+$0x0] =	vst.add.f32.msk $0xffff, v1  }
0x225: {  	s2 =	sand.u32 $0x70, s7;
	s8 =	sand.u32 $0x1C00, s25;
	p1 =	slt.u32 s7, $0x3F0;
	v1 =	vld [tilespmem:s23+$0x2280]  }
0x226: {  	s2 =	sor.u32 s2, s8;
	[tilespmem:s29+$0xA000] =	vst.add.f32.msk $0xffff, v0  }
0x227: {  	s8 =	sor.u32 $0xA100, s0;
	v0 =	vld [tilespmem:s2+$0x2000]  }
0x228: {  	[tilespmem:s8+$0x0] =	vst.add.f32.msk $0xffff, v2  }
0x229: {  	s8 =	sor.u32 $0xA280, s23;
	v2 =	vld [tilespmem:s0+$0x2180]  }
0x22a: {  	[tilespmem:s8+$0x0] =	vst.add.f32.msk $0xffff, v1  }
0x22b: {  	s8 =	sor.u32 $0xA000, s2;
	v3 =	vld [tilespmem:s23+$0x2300]  }
0x22c: {  	[tilespmem:s8+$0x0] =	vst.add.f32.msk $0xffff, v0  }
0x22d: {  	s8 =	sor.u32 $0xA180, s0;
	v4 =	vld [tilespmem:s2+$0x2080]  }
0x22e: {  	[tilespmem:s8+$0x0] =	vst.add.f32.msk $0xffff, v2  }
.Ltmp7:
0x22f: {  	s3 =	sor.u32 s18, s3;
	s8 =	sor.u32 $0xA300, s23;
	v1 =	vld [tilespmem:s0+$0x2200];
	(pc) =	sbr.rel @p1 .LBB2_13-.Ltmp7, $4  }
0x230: {  	s29 =	sor.u32 $0x380, s3;
	s3 =	smov.u32 s26;
	s26 =	smov.u32 s7;
	[tilespmem:s8+$0x0] =	vst.add.f32.msk $0xffff, v3  }
0x231: {  	s18 =	smov.u32 s28;
	s28 =	smov.u32 s25;
	s8 =	sor.u32 $0xA080, s2;
	v0 =	vld [tilespmem:s29+$0x2000]  }
0x232: {  	s23 =	smov.u32 s0;
	s0 =	smov.u32 s2;
	[tilespmem:s8+$0x0] =	vst.add.f32.msk $0xffff, v4  }
0x233: {  	s2 =	sor.u32 $0xA200, s23;
	v2 =	vld [tilespmem:s0+$0x2100]  }
0x234: {  	_ =	sdelay $0x2  }
0x235: {  	s7 =	sor.u32 $0xA100, s0  }
0x236: {  	[tilespmem:s7+$0x0] =	vst.add.f32.msk $0xffff, v2  }
0x237: {  	v2 =	vld [tilespmem:s0+$0x2180];
	_ =	sdelay $0x3  }
0x238: {  	s25 =	sor.u32 $0xA180, s0  }
0x239: {  	[tilespmem:s25+$0x0] =	vst.add.f32.msk $0xffff, v2  }
0x23a: {  	v2 =	vld [tilespmem:s0+$0x2200];
	_ =	sdelay $0x2  }
0x23b: {  	[tilespmem:s2+$0x0] =	vst.add.f32.msk $0xffff, v1  }
0x23c: {  	s8 =	sor.u32 $0xA200, s0;
	v1 =	vld [tilespmem:s23+$0x2280]  }
0x23d: {  	[tilespmem:s8+$0x0] =	vst.add.f32.msk $0xffff, v2  }
0x23e: {  	v2 =	vld [tilespmem:s0+$0x2280];
	_ =	sdelay $0x1  }
0x23f: {  	s25 =	sor.u32 $0xA280, s23  }
0x240: {  	[tilespmem:s25+$0x0] =	vst.add.f32.msk $0xffff, v1  }
0x241: {  	s7 =	sor.u32 $0xA280, s0;
	v1 =	vld [tilespmem:s23+$0x2300]  }
0x242: {  	[tilespmem:s7+$0x0] =	vst.add.f32.msk $0xffff, v2  }
0x243: {  	v2 =	vld [tilespmem:s0+$0x2300];
	_ =	sdelay $0x1  }
0x244: {  	s3 =	sor.u32 s18, s3;
	s8 =	sor.u32 $0xA300, s23  }
0x245: {  	s18 =	sor.u32 $0x380, s3;
	[tilespmem:s8+$0x0] =	vst.add.f32.msk $0xffff, v1  }
0x246: {  	s25 =	sor.u32 s28, s26;
	s23 =	sor.u32 $0xA300, s0;
	v1 =	vld [tilespmem:s18+$0x2000]  }
0x247: {  	s26 =	sor.u32 $0x380, s25;
	[tilespmem:s23+$0x0] =	vst.add.f32.msk $0xffff, v2  }
0x248: {  	v2 =	vld [tilespmem:s26+$0x2000];
	_ =	sdelay $0x2  }
0x249: {  	[tilespmem:s29+$0xA000] =	vst.add.f32.msk $0xffff, v0  }
0x24a: {  	[tilespmem:s18+$0xA000] =	vst.add.f32.msk $0xffff, v1  }
0x24b: {  	s31 =	simm.s32 $0xA000;
	s3 =	sadd.s32 s4, s10;
	[tilespmem:s26+$0xA000] =	vst.add.f32.msk $0xffff, v2  }
0x24c: {  	[hbm4b:s3+s5] =	stream.linear.scatter [tilespmem:s31], [sflag:$0xE], $0x2000, $0x38;
	[tilespmem:$0x14000] =	vst v63  }
0x24d: {  	_ =	swait.ge [sflag:s19], $0x2000  }
0x24e: {  	s2 =	simm.s32 @!p0 $0x0;
	[sflag:s19] =	ssyncset.done $0x0;
	s0 =	rddreg [dreg:$0x7]  }
0x24f: {  	s3 =	simm.s32 @!p0 $0x8000;
	[sflag:s19] =	ssyncadd.s32 $0xFFFFE000;
	s0 =	sadd.s32 @!p0 s17, s0  }
0x250: {  	[tilespmem:s3], [sflag:$0x5] =	stream.linear.gather @!p0 [hbm4b:s0+s2], $0x2000, $0x38;
	[tilespmem:$0x14000] =	vst v63  }
0x251: {  	s8 =	simm.s32 $0x0;
	s2 =	simm.s32 $0x0;
	_ =	swait.ge [sflag:s24], $0x2000  }
0x252: {  	s7 =	sand.u32 $0x70, s8;
	s10 =	sand.u32 $0x1C00, s2;
	[sflag:s24] =	ssyncset.done $0x0  }
0x253: {  	s25 =	sor.u32 s7, s10;
	[sflag:s24] =	ssyncadd.s32 $0xFFFFE000  }
0x254: {  	v0 =	vld [tilespmem:s25+$0x2000];
	_ =	sdelay $0x3  }
0x255: {  	s0 =	sor.u32 $0xE000, s25  }
0x256: {  	[tilespmem:s0+$0x0] =	vst.add.f32.msk $0xffff, v0  }
0x257: {  	v0 =	vld [tilespmem:s25+$0x2080];
	_ =	sdelay $0x3  }
0x258: {  	s18 =	sor.u32 $0xE080, s25  }
0x259: {  	[tilespmem:s18+$0x0] =	vst.add.f32.msk $0xffff, v0  }
0x25a: {  	v0 =	vld [tilespmem:s25+$0x2100]  }
0x25b: {  	s3 =	simm.s32 $0x10;
	s10 =	simm.s32 $0x80  }
0x25c: {  	s23 =	sand.u32 $0x70, s3;
	s26 =	sand.u32 $0x1C00, s10  }
0x25d: {  	s18 =	sor.u32 s23, s26  }
0x25e: {  	s29 =	sor.u32 $0xE100, s25;
	v1 =	vld [tilespmem:s18+$0x2000]  }
0x25f: {  	[tilespmem:s29+$0x0] =	vst.add.f32.msk $0xffff, v0  }
0x260: {  	v0 =	vld [tilespmem:s25+$0x2180];
	_ =	sdelay $0x1  }
0x261: {  	s7 =	sor.u32 $0xE000, s18  }
0x262: {  	[tilespmem:s7+$0x0] =	vst.add.f32.msk $0xffff, v1  }
0x263: {  	s23 =	sor.u32 $0xE180, s25;
	v1 =	vld [tilespmem:s18+$0x2080]  }
0x264: {  	[tilespmem:s23+$0x0] =	vst.add.f32.msk $0xffff, v0  }
0x265: {  	v0 =	vld [tilespmem:s25+$0x2200];
	_ =	sdelay $0x1  }
0x266: {  	s26 =	sor.u32 $0xE080, s18  }
0x267: {  	[tilespmem:s26+$0x0] =	vst.add.f32.msk $0xffff, v1  }
0x268: {  	s29 =	sor.u32 $0xE200, s25;
	v1 =	vld [tilespmem:s18+$0x2100]  }
0x269: {  	s7 =	simm.s32 $0x20;
	s23 =	simm.s32 $0x100;
	[tilespmem:s29+$0x0] =	vst.add.f32.msk $0xffff, v0  }
0x26a: {  	s26 =	sand.u32 $0x70, s7;
	s29 =	sand.u32 $0x1C00, s23;
	v0 =	vld [tilespmem:s25+$0x2280]  }
0x26b: {  	s0 =	sor.u32 s26, s29  }
0x26c: {  	s29 =	sor.u32 $0xE100, s18;
	v2 =	vld [tilespmem:s0+$0x2000]  }
0x26d: {  	[tilespmem:s29+$0x0] =	vst.add.f32.msk $0xffff, v1  }
0x26e: {  	s29 =	sor.u32 $0xE280, s25;
	v1 =	vld [tilespmem:s18+$0x2180]  }
0x26f: {  	[tilespmem:s29+$0x0] =	vst.add.f32.msk $0xffff, v0  }
0x270: {  	s29 =	sor.u32 $0xE000, s0;
	v0 =	vld [tilespmem:s25+$0x2300]  }
0x271: {  	[tilespmem:s29+$0x0] =	vst.add.f32.msk $0xffff, v2  }
0x272: {  	s29 =	sor.u32 $0xE180, s18;
	v2 =	vld [tilespmem:s0+$0x2080]  }
0x273: {  	[tilespmem:s29+$0x0] =	vst.add.f32.msk $0xffff, v1  }
0x274: {  	s2 =	sor.u32 s2, s8;
	s25 =	sor.u32 $0xE300, s25;
	v1 =	vld [tilespmem:s18+$0x2200]  }
0x275: {  	s28 =	sor.u32 $0x380, s2;
	[tilespmem:s25+$0x0] =	vst.add.f32.msk $0xffff, v0  }
0x276: {  	s29 =	sor.u32 $0xE080, s0;
	v0 =	vld [tilespmem:s28+$0x2000]  }
0x277: {  	[tilespmem:s29+$0x0] =	vst.add.f32.msk $0xffff, v2  }
0x278: {  	s2 =	sor.u32 $0xE200, s18;
	s26 =	simm.s32 $0x100;
	s25 =	simm.s32 $0x20;
	v2 =	vld [tilespmem:s0+$0x2100]  }
.LBB2_15:
0x279: {  	s7 =	sadd.s32 $0x10, s7;
	s23 =	sadd.s32 $0x80, s23;
	[tilespmem:s2+$0x0] =	vst.add.f32.msk $0xffff, v1  }
0x27a: {  	s2 =	sand.u32 $0x70, s7;
	s8 =	sand.u32 $0x1C00, s23;
	p1 =	slt.u32 s7, $0x3F0;
	v1 =	vld [tilespmem:s18+$0x2280]  }
0x27b: {  	s2 =	sor.u32 s2, s8;
	[tilespmem:s28+$0xE000] =	vst.add.f32.msk $0xffff, v0  }
0x27c: {  	s8 =	sor.u32 $0xE100, s0;
	v0 =	vld [tilespmem:s2+$0x2000]  }
0x27d: {  	[tilespmem:s8+$0x0] =	vst.add.f32.msk $0xffff, v2  }
0x27e: {  	s8 =	sor.u32 $0xE280, s18;
	v2 =	vld [tilespmem:s0+$0x2180]  }
0x27f: {  	[tilespmem:s8+$0x0] =	vst.add.f32.msk $0xffff, v1  }
0x280: {  	s8 =	sor.u32 $0xE000, s2;
	v3 =	vld [tilespmem:s18+$0x2300]  }
0x281: {  	[tilespmem:s8+$0x0] =	vst.add.f32.msk $0xffff, v0  }
0x282: {  	s8 =	sor.u32 $0xE180, s0;
	v4 =	vld [tilespmem:s2+$0x2080]  }
0x283: {  	[tilespmem:s8+$0x0] =	vst.add.f32.msk $0xffff, v2  }
.Ltmp8:
0x284: {  	s3 =	sor.u32 s10, s3;
	s8 =	sor.u32 $0xE300, s18;
	v1 =	vld [tilespmem:s0+$0x2200];
	(pc) =	sbr.rel @p1 .LBB2_15-.Ltmp8, $4  }
0x285: {  	s28 =	sor.u32 $0x380, s3;
	s3 =	smov.u32 s25;
	s25 =	smov.u32 s7;
	[tilespmem:s8+$0x0] =	vst.add.f32.msk $0xffff, v3  }
0x286: {  	s10 =	smov.u32 s26;
	s26 =	smov.u32 s23;
	s8 =	sor.u32 $0xE080, s2;
	v0 =	vld [tilespmem:s28+$0x2000]  }
0x287: {  	s18 =	smov.u32 s0;
	s0 =	smov.u32 s2;
	[tilespmem:s8+$0x0] =	vst.add.f32.msk $0xffff, v4  }
0x288: {  	s2 =	sor.u32 $0xE200, s18;
	v2 =	vld [tilespmem:s0+$0x2100]  }
0x289: {  	_ =	sdelay $0x2  }
0x28a: {  	s7 =	sor.u32 $0xE100, s0  }
0x28b: {  	[tilespmem:s7+$0x0] =	vst.add.f32.msk $0xffff, v2  }
0x28c: {  	v2 =	vld [tilespmem:s0+$0x2180];
	_ =	sdelay $0x3  }
0x28d: {  	s23 =	sor.u32 $0xE180, s0  }
0x28e: {  	[tilespmem:s23+$0x0] =	vst.add.f32.msk $0xffff, v2  }
0x28f: {  	v2 =	vld [tilespmem:s0+$0x2200];
	_ =	sdelay $0x2  }
0x290: {  	[tilespmem:s2+$0x0] =	vst.add.f32.msk $0xffff, v1  }
0x291: {  	s29 =	sor.u32 $0xE200, s0;
	v1 =	vld [tilespmem:s18+$0x2280]  }
0x292: {  	[tilespmem:s29+$0x0] =	vst.add.f32.msk $0xffff, v2  }
0x293: {  	v2 =	vld [tilespmem:s0+$0x2280];
	_ =	sdelay $0x1  }
0x294: {  	s7 =	sor.u32 $0xE280, s18  }
0x295: {  	[tilespmem:s7+$0x0] =	vst.add.f32.msk $0xffff, v1  }
0x296: {  	s8 =	sor.u32 $0xE280, s0;
	v1 =	vld [tilespmem:s18+$0x2300]  }
0x297: {  	[tilespmem:s8+$0x0] =	vst.add.f32.msk $0xffff, v2  }
0x298: {  	v2 =	vld [tilespmem:s0+$0x2300];
	_ =	sdelay $0x1  }
0x299: {  	s3 =	sor.u32 s10, s3;
	s23 =	sor.u32 $0xE300, s18  }
0x29a: {  	[tilespmem:s23+$0x0] =	vst.add.f32.msk $0xffff, v1;
	s29 =	sor.u32 $0x380, s3  }
0x29b: {  	s7 =	sor.u32 s26, s25;
	s3 =	sor.u32 $0xE300, s0;
	v1 =	vld [tilespmem:s29+$0x2000]  }
0x29c: {  	s8 =	sor.u32 $0x380, s7;
	[tilespmem:s3+$0x0] =	vst.add.f32.msk $0xffff, v2  }
0x29d: {  	v2 =	vld [tilespmem:s8+$0x2000];
	_ =	sdelay $0x2  }
0x29e: {  	[tilespmem:s28+$0xE000] =	vst.add.f32.msk $0xffff, v0  }
0x29f: {  	[tilespmem:s29+$0xE000] =	vst.add.f32.msk $0xffff, v1  }
0x2a0: {  	s10 =	sadd.s32 s4, s6;
	s18 =	simm.s32 $0xE000;
	[tilespmem:s8+$0xE000] =	vst.add.f32.msk $0xffff, v2  }
0x2a1: {  	[hbm4b:s10+s5] =	stream.linear.scatter [tilespmem:s18], [sflag:$0x10], $0x2000, $0x38;
	[tilespmem:$0x14000] =	vst v63  }
0x2a2: {  	_ =	swait.ge [sflag:s20], $0x2000  }
0x2a3: {  	s2 =	simm.s32 @!p0 $0x0;
	[sflag:s20] =	ssyncset.done $0x0;
	s0 =	rddreg [dreg:$0x8]  }
0x2a4: {  	s3 =	simm.s32 @!p0 $0xC000;
	[sflag:s20] =	ssyncadd.s32 $0xFFFFE000;
	s0 =	sadd.s32 @!p0 s17, s0  }
0x2a5: {  	[tilespmem:s3], [sflag:$0x7] =	stream.linear.gather @!p0 [hbm4b:s0+s2], $0x2000, $0x38;
	[tilespmem:$0x14000] =	vst v63  }
0x2a6: {  	s8 =	simm.s32 $0x0;
	s2 =	simm.s32 $0x0;
	_ =	swait.ge [sflag:s21], $0x2000  }
0x2a7: {  	s23 =	sand.u32 $0x70, s8;
	s25 =	sand.u32 $0x1C00, s2;
	[sflag:s21] =	ssyncset.done $0x0  }
0x2a8: {  	s18 =	sor.u32 s23, s25;
	[sflag:s21] =	ssyncadd.s32 $0xFFFFE000  }
0x2a9: {  	v0 =	vld [tilespmem:s18+$0x2000];
	_ =	sdelay $0x3  }
0x2aa: {  	s0 =	sor.u32 $0x12000, s18  }
0x2ab: {  	[tilespmem:s0+$0x0] =	vst.add.f32.msk $0xffff, v0  }
0x2ac: {  	v0 =	vld [tilespmem:s18+$0x2080];
	_ =	sdelay $0x3  }
0x2ad: {  	s26 =	sor.u32 $0x12080, s18  }
0x2ae: {  	[tilespmem:s26+$0x0] =	vst.add.f32.msk $0xffff, v0  }
0x2af: {  	v0 =	vld [tilespmem:s18+$0x2100]  }
0x2b0: {  	s6 =	simm.s32 $0x80;
	s3 =	simm.s32 $0x10  }
0x2b1: {  	s29 =	sand.u32 $0x1C00, s6;
	s28 =	sand.u32 $0x70, s3  }
0x2b2: {  	s10 =	sor.u32 s28, s29  }
0x2b3: {  	s7 =	sor.u32 $0x12100, s18;
	v1 =	vld [tilespmem:s10+$0x2000]  }
0x2b4: {  	[tilespmem:s7+$0x0] =	vst.add.f32.msk $0xffff, v0  }
0x2b5: {  	v0 =	vld [tilespmem:s18+$0x2180];
	_ =	sdelay $0x1  }
0x2b6: {  	s17 =	sor.u32 $0x12000, s10  }
0x2b7: {  	[tilespmem:s17+$0x0] =	vst.add.f32.msk $0xffff, v1  }
0x2b8: {  	s23 =	sor.u32 $0x12180, s18;
	v1 =	vld [tilespmem:s10+$0x2080]  }
0x2b9: {  	[tilespmem:s23+$0x0] =	vst.add.f32.msk $0xffff, v0  }
0x2ba: {  	v0 =	vld [tilespmem:s18+$0x2200];
	_ =	sdelay $0x1  }
0x2bb: {  	s25 =	sor.u32 $0x12080, s10  }
0x2bc: {  	[tilespmem:s25+$0x0] =	vst.add.f32.msk $0xffff, v1  }
0x2bd: {  	s26 =	sor.u32 $0x12200, s18;
	v1 =	vld [tilespmem:s10+$0x2100]  }
0x2be: {  	s17 =	simm.s32 $0x100;
	s7 =	simm.s32 $0x20;
	[tilespmem:s26+$0x0] =	vst.add.f32.msk $0xffff, v0  }
0x2bf: {  	s28 =	sand.u32 $0x70, s7;
	s23 =	sand.u32 $0x1C00, s17;
	v0 =	vld [tilespmem:s18+$0x2280]  }
0x2c0: {  	s0 =	sor.u32 s28, s23  }
0x2c1: {  	s29 =	sor.u32 $0x12100, s10;
	v2 =	vld [tilespmem:s0+$0x2000]  }
0x2c2: {  	[tilespmem:s29+$0x0] =	vst.add.f32.msk $0xffff, v1  }
0x2c3: {  	s25 =	sor.u32 $0x12280, s18;
	v1 =	vld [tilespmem:s10+$0x2180]  }
0x2c4: {  	[tilespmem:s25+$0x0] =	vst.add.f32.msk $0xffff, v0  }
0x2c5: {  	s26 =	sor.u32 $0x12000, s0;
	v0 =	vld [tilespmem:s18+$0x2300]  }
0x2c6: {  	[tilespmem:s26+$0x0] =	vst.add.f32.msk $0xffff, v2  }
0x2c7: {  	s28 =	sor.u32 $0x12180, s10;
	v2 =	vld [tilespmem:s0+$0x2080]  }
0x2c8: {  	[tilespmem:s28+$0x0] =	vst.add.f32.msk $0xffff, v1  }
0x2c9: {  	s2 =	sor.u32 s2, s8;
	v1 =	vld [tilespmem:s10+$0x2200];
	s18 =	sor.u32 $0x12300, s18  }
0x2ca: {  	s25 =	sor.u32 $0x380, s2;
	[tilespmem:s18+$0x0] =	vst.add.f32.msk $0xffff, v0  }
0x2cb: {  	s29 =	sor.u32 $0x12080, s0;
	v0 =	vld [tilespmem:s25+$0x2000]  }
0x2cc: {  	[tilespmem:s29+$0x0] =	vst.add.f32.msk $0xffff, v2  }
0x2cd: {  	s23 =	simm.s32 $0x100;
	s2 =	sor.u32 $0x12200, s10;
	v2 =	vld [tilespmem:s0+$0x2100];
	s18 =	simm.s32 $0x20  }
.LBB2_17:
0x2ce: {  	s7 =	sadd.s32 $0x10, s7;
	s17 =	sadd.s32 $0x80, s17;
	[tilespmem:s2+$0x0] =	vst.add.f32.msk $0xffff, v1  }
0x2cf: {  	s2 =	sand.u32 $0x70, s7;
	s8 =	sand.u32 $0x1C00, s17;
	p1 =	slt.u32 s7, $0x3F0;
	v1 =	vld [tilespmem:s10+$0x2280]  }
0x2d0: {  	s2 =	sor.u32 s2, s8;
	[tilespmem:s25+$0x12000] =	vst.add.f32.msk $0xffff, v0  }
0x2d1: {  	s8 =	sor.u32 $0x12100, s0;
	v0 =	vld [tilespmem:s2+$0x2000]  }
0x2d2: {  	[tilespmem:s8+$0x0] =	vst.add.f32.msk $0xffff, v2  }
0x2d3: {  	s8 =	sor.u32 $0x12280, s10;
	v2 =	vld [tilespmem:s0+$0x2180]  }
0x2d4: {  	[tilespmem:s8+$0x0] =	vst.add.f32.msk $0xffff, v1  }
0x2d5: {  	s8 =	sor.u32 $0x12000, s2;
	v3 =	vld [tilespmem:s10+$0x2300]  }
0x2d6: {  	[tilespmem:s8+$0x0] =	vst.add.f32.msk $0xffff, v0  }
0x2d7: {  	s8 =	sor.u32 $0x12180, s0;
	v4 =	vld [tilespmem:s2+$0x2080]  }
0x2d8: {  	[tilespmem:s8+$0x0] =	vst.add.f32.msk $0xffff, v2  }
.Ltmp9:
0x2d9: {  	s3 =	sor.u32 s6, s3;
	s8 =	sor.u32 $0x12300, s10;
	v1 =	vld [tilespmem:s0+$0x2200];
	(pc) =	sbr.rel @p1 .LBB2_17-.Ltmp9, $4  }
0x2da: {  	s25 =	sor.u32 $0x380, s3;
	s3 =	smov.u32 s18;
	s18 =	smov.u32 s7;
	[tilespmem:s8+$0x0] =	vst.add.f32.msk $0xffff, v3  }
0x2db: {  	s6 =	smov.u32 s23;
	s23 =	smov.u32 s17;
	s8 =	sor.u32 $0x12080, s2;
	v0 =	vld [tilespmem:s25+$0x2000]  }
0x2dc: {  	s10 =	smov.u32 s0;
	s0 =	smov.u32 s2;
	[tilespmem:s8+$0x0] =	vst.add.f32.msk $0xffff, v4  }
0x2dd: {  	s2 =	sor.u32 $0x12200, s10;
	v2 =	vld [tilespmem:s0+$0x2100]  }
0x2de: {  	_ =	sdelay $0x2  }
0x2df: {  	s7 =	sor.u32 $0x12100, s0  }
0x2e0: {  	[tilespmem:s7+$0x0] =	vst.add.f32.msk $0xffff, v2  }
0x2e1: {  	v2 =	vld [tilespmem:s0+$0x2180];
	_ =	sdelay $0x3  }
0x2e2: {  	s26 =	sor.u32 $0x12180, s0  }
0x2e3: {  	[tilespmem:s26+$0x0] =	vst.add.f32.msk $0xffff, v2  }
0x2e4: {  	v2 =	vld [tilespmem:s0+$0x2200];
	_ =	sdelay $0x2  }
0x2e5: {  	[tilespmem:s2+$0x0] =	vst.add.f32.msk $0xffff, v1  }
0x2e6: {  	s28 =	sor.u32 $0x12200, s0;
	v1 =	vld [tilespmem:s10+$0x2280]  }
0x2e7: {  	[tilespmem:s28+$0x0] =	vst.add.f32.msk $0xffff, v2  }
0x2e8: {  	v2 =	vld [tilespmem:s0+$0x2280];
	_ =	sdelay $0x1  }
0x2e9: {  	s29 =	sor.u32 $0x12280, s10  }
0x2ea: {  	[tilespmem:s29+$0x0] =	vst.add.f32.msk $0xffff, v1  }
0x2eb: {  	s7 =	sor.u32 $0x12280, s0;
	v1 =	vld [tilespmem:s10+$0x2300]  }
0x2ec: {  	[tilespmem:s7+$0x0] =	vst.add.f32.msk $0xffff, v2  }
0x2ed: {  	v2 =	vld [tilespmem:s0+$0x2300];
	_ =	sdelay $0x1  }
0x2ee: {  	s8 =	sor.u32 $0x12300, s10;
	s3 =	sor.u32 s6, s3  }
0x2ef: {  	s10 =	sor.u32 $0x380, s3;
	[tilespmem:s8+$0x0] =	vst.add.f32.msk $0xffff, v1  }
0x2f0: {  	s17 =	sor.u32 $0x12300, s0;
	s23 =	sor.u32 s23, s18;
	v1 =	vld [tilespmem:s10+$0x2000]  }
0x2f1: {  	s26 =	sor.u32 $0x380, s23;
	[tilespmem:s17+$0x0] =	vst.add.f32.msk $0xffff, v2  }
0x2f2: {  	v2 =	vld [tilespmem:s26+$0x2000];
	_ =	sdelay $0x2  }
0x2f3: {  	[tilespmem:s25+$0x12000] =	vst.add.f32.msk $0xffff, v0  }
0x2f4: {  	[tilespmem:s10+$0x12000] =	vst.add.f32.msk $0xffff, v1  }
.Ltmp10:
0x2f5: {  	s29 =	simm.s32 $0x12000;
	s28 =	sadd.s32 s4, s16;
	[tilespmem:s26+$0x12000] =	vst.add.f32.msk $0xffff, v2;
	(pc) =	sbr.rel @p0 .LBB2_20-.Ltmp10, $4  }
0x2f6: {  	[hbm4b:s28+s5] =	stream.linear.scatter [tilespmem:s29], [sflag:$0x12], $0x2000, $0x38;
	[tilespmem:$0x14000] =	vst v63  }
0x2f7: {  	_ =	swait.ge [sflag:s22], $0x2000  }
0x2f8: {  	[sflag:s22] =	ssyncset.done $0x0  }
0x2f9: {  	[sflag:s22] =	ssyncadd.s32 $0xFFFFE000  }
.Ltmp11:
0x2fa: {  	(pc) =	sbr.rel .LBB2_2-.Ltmp11, $4  }
0x2fb: {  	s0 =	sadd.s32 s15, s9  }
0x2fc: {  	s2 =	rddreg [dreg:$0x9];
	s29 =	simm.s32 $0x10000;
	s0 =	sshll.u32 s0, $0xA  }
0x2fd: {  	s11 =	sadd.s32 $0x1, s11;
	s8 =	smov.u32 s12;
	s0 =	sadd.s32 s0, s2  }
0x2fe: {  	[tilespmem:s29], [sflag:$0x9] =	stream.linear.gather [hbm4b:s0+s5], $0x2000, $0x38;
	[tilespmem:$0x14000] =	vst v63  }
.LBB2_21:
0x2ff: {  	_ =	sfence.sel $0x180000  }
0x300: {  	[bflag:$0x0] =	sbarrier.arrive $0xFFFF  }
0x301: {  	_ =	strace $0x90000047  }
0x302: {  	s0 =	stileid.u32;
	[bflag:$0x2] =	sbarrier.arrive $0xFFFF  }
0x303: {  	p0 =	sne.s32 s0, $0x0;
	s0 =	rddreg [dreg:$0x3]  }
0x304: {  	s0 =	sadd.s32 @!p0 $0x100000, s0  }
0x305: {  	[sflag:s0] =	ssyncadd.tile.s32 @!p0 $0x1;
	_ =	shalt  }
.Lfunc_end2:
_tile_overlayer_lowered:
.L_overlay_start_2:
0x306: {  	(tag) =	ssettag $0x2  }
0x307: {  	s0 =	rddreg [dreg:$0x0];
	s2 =	stileid.u32  }
0x308: {  	s1 =	rddreg [dreg:$0x1];
	p0 =	sne.s32 s2, $0x0  }
0x309: {  	s3 =	rddreg [dreg:$0x2];
	[bflag:$0x3] =	sbarrier.arrive $0xFFFF;
	s2 =	simm.s32 @!p0 $0x1C13  }
0x30a: {  	[timem:s3], [sflag:s2] =	dma.local @!p0 [hbm:s0], s1  }
0x30b: {  	s0 =	simm.s32 @!p0 $0x13  }
0x30c: {  	_ =	swait.ge @!p0 [sflag:s0], s1  }
0x30d: {  	s1 =	ssub.s32 @!p0 $0x0, s1;
	[sflag:s0] =	ssyncset.done @!p0 $0x0  }
0x30e: {  	[sflag:s0] =	ssyncadd.s32 @!p0 s1  }
0x30f: {  	[bflag:$0x3] =	sbarrier.arrive $0xFFFF  }
0x310: {  	_ =	shalt  }

</sc_bundles>
